<compile_context>
chip_gen: v7x
topology: tpu7x:2x2x1
jax: 0.10.2.dev20260603
libtpu: 0.0.44.dev20260713+nightly
codegen_flags: <defaults>
</compile_context>

<pallas_src>
import functools

import jax
import jax.numpy as jnp
from jax import lax
from jax.experimental import pallas as pl
from jax.experimental.pallas import tpu as pltpu
from jax.experimental.pallas import tpu_sc as plsc

HIDDEN = 16


@functools.cache
def _build(B: int, V: int, H: int):
    info = plsc.get_sparse_core_info()
    nc, ns, L = info.num_cores, info.num_subcores, info.num_lanes
    nw = nc * ns
    assert B % (L * nw) == 0
    b_per_w = B // nw
    n_chunks = b_per_w // L
    mesh = plsc.VectorSubcoreMesh(core_axis_name="c", subcore_axis_name="s")

    @functools.partial(
        pl.kernel,
        mesh=mesh,
        compiler_params=pltpu.CompilerParams(needs_layout_passes=False),
        out_type=jax.ShapeDtypeStruct((H, B), jnp.float32),
        scratch_types=[
            pltpu.VMEM((b_per_w,), jnp.int32),
            pltpu.VMEM((3, L, H, 128), jnp.float32),
            pltpu.VMEM((2, H, 128), jnp.float32),
            pltpu.SemaphoreType.DMA,
            pltpu.SemaphoreType.DMA,
        ],
    )
    def gather_kernel(table_hbm, idx_hbm, out_hbm, idx_v, blk_v, outg_v, gsem, wsem):
        wid = lax.axis_index("s") * nc + lax.axis_index("c")
        base = wid * b_per_w
        pltpu.sync_copy(idx_hbm.at[pl.ds(base, b_per_w)], idx_v)
        rows16 = lax.iota(jnp.int32, L)

        def issue(c, buf):
            lvec = idx_v[pl.ds(c * L, L)]
            for j in range(L):
                cb = pl.multiple_of((lvec[j] >> 7) << 7, 128)
                pltpu.async_copy(
                    table_hbm.at[:, pl.ds(cb, 128)], blk_v.at[buf].at[j], gsem
                )

        def drain_and_extract(c, buf):
            lvec = idx_v[pl.ds(c * L, L)]
            pltpu.make_async_copy(
                table_hbm.at[:, pl.ds(0, 128)], blk_v.at[buf], gsem
            ).wait()
            colv = lvec & 127
            cb8 = (c & 7) * L
            for j in range(L):
                col = jnp.broadcast_to(colv[j], (L,))
                vals = plsc.load_gather(blk_v.at[buf].at[j], [rows16, col])
                dstcol = jnp.broadcast_to(cb8 + j, (L,))
                plsc.store_scatter(outg_v.at[(c >> 3) & 1], [rows16, dstcol], vals)

        issue(0, 0)
        issue(1, 1)

        def body(c, carry):
            buf = carry

            @pl.when(c < n_chunks - 2)
            def _():
                issue(c + 2, buf)

            cur = buf + 1 - jnp.where(buf >= 2, 3, 0)
            drain_and_extract(c, cur)

            @pl.when((c & 7) == 7)
            def _():
                gi = c >> 3
                g = pl.multiple_of(base + (gi << 7), 128)

                @pl.when(c > 8)
                def _():
                    pltpu.make_async_copy(
                        outg_v.at[(gi + 1) & 1],
                        out_hbm.at[:, pl.ds(base, 128)],
                        wsem,
                    ).wait()

                pltpu.async_copy(
                    outg_v.at[gi & 1], out_hbm.at[:, pl.ds(g, 128)], wsem
                )

            return cur

        lax.fori_loop(0, n_chunks, body, jnp.int32(2))
        pltpu.make_async_copy(
            outg_v.at[0], out_hbm.at[:, pl.ds(base, 128)], wsem
        ).wait()

    return gather_kernel


def kernel(labels, embedding_table):
    B = labels.shape[0]
    V, H = embedding_table.shape
    fn = _build(B, V, H)
    out_t = fn(embedding_table.T, labels.astype(jnp.int32))
    return out_t.T

# --- scband reference (transcript-rebuilt; emitter-appended) ---
"""Pipeline reference for scband-label-embedder-19344532701271 (READ-ONLY COPY).

The authoritative reference and input builder live on the scoring server;
editing this copy changes nothing except your own understanding.
"""

import jax, jax.numpy as jnp
import numpy as np

NUM_CLASSES = 1000000
HIDDEN_SIZE = 16

def setup_inputs(seed: int = 0) -> dict:
    key = jax.random.key(seed)
    k1, k2 = jax.random.split(key)
    labels = jax.random.randint(k1, (16384,), 0, NUM_CLASSES + 1, dtype=jnp.int64)
    # nnx.Embed default init: variance-scaling-ish normal; use scaled normal
    embedding_table = jax.random.normal(k2, (NUM_CLASSES + 1, HIDDEN_SIZE), dtype=jnp.float32) * 0.02
    return {"labels": labels, "embedding_table": embedding_table}

def reference(labels, embedding_table):
    # LabelEmbedder.__call__: embeddings = self.embedding_table(labels)
    embeddings = jnp.take(embedding_table, labels, axis=0)
    return embeddings

if __name__ == "__main__":
    import jax
    _d = setup_inputs()
    print(jax.jit(kernel)(*tuple(_d.values())))

</pallas_src>

<mosaic_0001>
#map = affine_map<(d0, d1) -> (0, 0)>
#map1 = affine_map<(d0, d1) -> (0)>
module attributes {stable_mosaic.version = 14 : i64} {
  func.func @gather_kernel(%arg0: i32, %arg1: i32, %arg2: memref<16x1000001xf32, #tpu.memory_space<hbm>>, %arg3: memref<16384xi32, #tpu.memory_space<hbm>>, %arg4: memref<16x16384xf32, #tpu.memory_space<hbm>>, %arg5: memref<512xi32, #tpu.memory_space<vmem>>, %arg6: memref<3x16x16x128xf32, #tpu.memory_space<vmem>>, %arg7: memref<2x16x128xf32, #tpu.memory_space<vmem>>, %arg8: memref<!tpu.dma_semaphore, #tpu.memory_space<semaphore_mem>>, %arg9: memref<!tpu.dma_semaphore, #tpu.memory_space<semaphore_mem>>) attributes {dimension_semantics = [#tpu.dimension_semantics<core_parallel>, #tpu.dimension_semantics<subcore_parallel>], iteration_bounds = array<i64: 2, 16>, scalar_prefetch = 0 : i64, scratch_operands = 5 : i64, tpu.core_type = #tpu.core_type<sc_vector_subcore>, window_params = [{transform_indices = #map}, {transform_indices = #map1}, {transform_indices = #map}]} {
    %mul3A = arith.constant 2 : i32
    %mul3A_0 = arith.muli %arg1, %mul3A : i32
    %add3A = arith.addi %mul3A_0, %arg0 : i32
    %mul3A_1 = arith.constant 512 : i32
    %mul3A_2 = arith.muli %add3A, %mul3A_1 : i32
    "tpu.region"() ({
      %run_scoped3A = tpu.sem_alloc : memref<!tpu.dma_semaphore, #tpu.memory_space<semaphore_mem>>
      %dma_start3A_1010 = tpu.memref_slice %arg3[%mul3A_2] : memref<16384xi32, #tpu.memory_space<hbm>> -> memref<512xi32, #tpu.memory_space<hbm>>
      %dma_start3A_1011 = tpu.memref_slice %arg3[%mul3A_2] : memref<16384xi32, #tpu.memory_space<hbm>> -> memref<512xi32, #tpu.memory_space<hbm>>
      tpu.enqueue_dma source(%dma_start3A_1011 : memref<512xi32, #tpu.memory_space<hbm>>) target(%arg5 : memref<512xi32, #tpu.memory_space<vmem>>) target_semaphore(%run_scoped3A : memref<!tpu.dma_semaphore, #tpu.memory_space<semaphore_mem>>)
      %dma_wait3A_1012 = tpu.memref_slice %arg3[%mul3A_2] : memref<16384xi32, #tpu.memory_space<hbm>> -> memref<512xi32, #tpu.memory_space<hbm>>
      %dma_wait3A_1013 = tpu.memref_slice %arg3[%mul3A_2] : memref<16384xi32, #tpu.memory_space<hbm>> -> memref<512xi32, #tpu.memory_space<hbm>>
      tpu.wait_dma2 semaphore(%run_scoped3A : memref<!tpu.dma_semaphore, #tpu.memory_space<semaphore_mem>>) src(%dma_wait3A_1013 : memref<512xi32, #tpu.memory_space<hbm>>) dst(%arg5 : memref<512xi32, #tpu.memory_space<vmem>>)
      tpu.yield
    }) : () -> ()
    %iota3A = tpu.iota {dimensions = array<i32: 0>} : vector<16xi32>
    %get3A = arith.constant 0 : index
    %get3A_3 = tpu.vector_load %arg5[%get3A] {strides = array<i32>} : memref<512xi32, #tpu.memory_space<vmem>>, vector<16xi32>,
    %slice3A = vector.extract_strided_slice %get3A_3 {offsets = [0], sizes = [1], strides = [1]} : vector<16xi32> to vector<1xi32>
    %squeeze3A = vector.extract %slice3A[0] : i32 from vector<1xi32>
    %shift_right_arithmetic3A = arith.constant 7 : i32
    %shift_right_arithmetic3A_4 = arith.shrsi %squeeze3A, %shift_right_arithmetic3A : i32
    %shift_left3A = arith.constant 7 : i32
    %shift_left3A_5 = arith.shli %shift_right_arithmetic3A_4, %shift_left3A : i32
    %multiple_of3A = tpu.assume_multiple %shift_left3A_5, 128 : i32
    %dma_start3A = arith.constant 0 : i32
    %dma_start3A_6 = arith.constant 0 : i32
    %dma_start3A_7 = arith.constant 0 : i32
    %dma_start3A_8 = arith.constant 0 : i32
    %dma_start3A_9 = arith.constant 0 : i32
    %dma_start3A_10 = tpu.memref_slice %arg6[%dma_start3A, %dma_start3A_7, %dma_start3A_8, %dma_start3A_9] : memref<3x16x16x128xf32, #tpu.memory_space<vmem>> -> memref<1x16x16x128xf32, #tpu.memory_space<vmem>>
    %dma_start3A_11 = tpu.memref_squeeze %dma_start3A_10 : memref<1x16x16x128xf32, #tpu.memory_space<vmem>> -> memref<16x16x128xf32, #tpu.memory_space<vmem>>
    %dma_start3A_12 = arith.constant 0 : i32
    %dma_start3A_13 = arith.constant 0 : i32
    %dma_start3A_14 = tpu.memref_slice %dma_start3A_11[%dma_start3A_6, %dma_start3A_12, %dma_start3A_13] : memref<16x16x128xf32, #tpu.memory_space<vmem>> -> memref<1x16x128xf32, #tpu.memory_space<vmem>>
    %dma_start3A_15 = tpu.memref_squeeze %dma_start3A_14 : memref<1x16x128xf32, #tpu.memory_space<vmem>> -> memref<16x128xf32, #tpu.memory_space<vmem>>
    %dma_start3A_16 = arith.constant 0 : i32
    %dma_start3A_17 = tpu.memref_slice %arg2[%dma_start3A_16, %multiple_of3A] : memref<16x1000001xf32, #tpu.memory_space<hbm>> -> memref<16x128xf32, #tpu.memory_space<hbm>>
    %dma_start3A_18 = arith.constant 0 : i32
    %dma_start3A_19 = arith.constant 0 : i32
    %dma_start3A_20 = arith.constant 0 : i32
    %dma_start3A_21 = tpu.memref_slice %arg6[%dma_start3A, %dma_start3A_18, %dma_start3A_19, %dma_start3A_20] : memref<3x16x16x128xf32, #tpu.memory_space<vmem>> -> memref<1x16x16x128xf32, #tpu.memory_space<vmem>>
    %dma_start3A_22 = tpu.memref_squeeze %dma_start3A_21 : memref<1x16x16x128xf32, #tpu.memory_space<vmem>> -> memref<16x16x128xf32, #tpu.memory_space<vmem>>
    %dma_start3A_23 = arith.constant 0 : i32
    %dma_start3A_24 = arith.constant 0 : i32
    %dma_start3A_25 = tpu.memref_slice %dma_start3A_22[%dma_start3A_6, %dma_start3A_23, %dma_start3A_24] : memref<16x16x128xf32, #tpu.memory_space<vmem>> -> memref<1x16x128xf32, #tpu.memory_space<vmem>>
    %dma_start3A_26 = tpu.memref_squeeze %dma_start3A_25 : memref<1x16x128xf32, #tpu.memory_space<vmem>> -> memref<16x128xf32, #tpu.memory_space<vmem>>
    %dma_start3A_27 = arith.constant 0 : i32
    %dma_start3A_28 = tpu.memref_slice %arg2[%dma_start3A_27, %multiple_of3A] : memref<16x1000001xf32, #tpu.memory_space<hbm>> -> memref<16x128xf32, #tpu.memory_space<hbm>>
    tpu.enqueue_dma source(%dma_start3A_28 : memref<16x128xf32, #tpu.memory_space<hbm>>) target(%dma_start3A_26 : memref<16x128xf32, #tpu.memory_space<vmem>>) target_semaphore(%arg8 : memref<!tpu.dma_semaphore, #tpu.memory_space<semaphore_mem>>)
    %slice3A_29 = vector.extract_strided_slice %get3A_3 {offsets = [1], sizes = [1], strides = [1]} : vector<16xi32> to vector<1xi32>
    %squeeze3A_30 = vector.extract %slice3A_29[0] : i32 from vector<1xi32>
    %shift_right_arithmetic3A_31 = arith.constant 7 : i32
    %shift_right_arithmetic3A_32 = arith.shrsi %squeeze3A_30, %shift_right_arithmetic3A_31 : i32
    %shift_left3A_33 = arith.constant 7 : i32
    %shift_left3A_34 = arith.shli %shift_right_arithmetic3A_32, %shift_left3A_33 : i32
    %multiple_of3A_35 = tpu.assume_multiple %shift_left3A_34, 128 : i32
    %dma_start3A_36 = arith.constant 0 : i32
    %dma_start3A_37 = arith.constant 1 : i32
    %dma_start3A_38 = arith.constant 0 : i32
    %dma_start3A_39 = arith.constant 0 : i32
    %dma_start3A_40 = arith.constant 0 : i32
    %dma_start3A_41 = tpu.memref_slice %arg6[%dma_start3A_36, %dma_start3A_38, %dma_start3A_39, %dma_start3A_40] : memref<3x16x16x128xf32, #tpu.memory_space<vmem>> -> memref<1x16x16x128xf32, #tpu.memory_space<vmem>>
    %dma_start3A_42 = tpu.memref_squeeze %dma_start3A_41 : memref<1x16x16x128xf32, #tpu.memory_space<vmem>> -> memref<16x16x128xf32, #tpu.memory_space<vmem>>
    %dma_start3A_43 = arith.constant 0 : i32
    %dma_start3A_44 = arith.constant 0 : i32
    %dma_start3A_45 = tpu.memref_slice %dma_start3A_42[%dma_start3A_37, %dma_start3A_43, %dma_start3A_44] : memref<16x16x128xf32, #tpu.memory_space<vmem>> -> memref<1x16x128xf32, #tpu.memory_space<vmem>>
    %dma_start3A_46 = tpu.memref_squeeze %dma_start3A_45 : memref<1x16x128xf32, #tpu.memory_space<vmem>> -> memref<16x128xf32, #tpu.memory_space<vmem>>
    %dma_start3A_47 = arith.constant 0 : i32
    %dma_start3A_48 = tpu.memref_slice %arg2[%dma_start3A_47, %multiple_of3A_35] : memref<16x1000001xf32, #tpu.memory_space<hbm>> -> memref<16x128xf32, #tpu.memory_space<hbm>>
    %dma_start3A_49 = arith.constant 0 : i32
    %dma_start3A_50 = arith.constant 0 : i32
    %dma_start3A_51 = arith.constant 0 : i32
    %dma_start3A_52 = tpu.memref_slice %arg6[%dma_start3A_36, %dma_start3A_49, %dma_start3A_50, %dma_start3A_51] : memref<3x16x16x128xf32, #tpu.memory_space<vmem>> -> memref<1x16x16x128xf32, #tpu.memory_space<vmem>>
    %dma_start3A_53 = tpu.memref_squeeze %dma_start3A_52 : memref<1x16x16x128xf32, #tpu.memory_space<vmem>> -> memref<16x16x128xf32, #tpu.memory_space<vmem>>
    %dma_start3A_54 = arith.constant 0 : i32
    %dma_start3A_55 = arith.constant 0 : i32
    %dma_start3A_56 = tpu.memref_slice %dma_start3A_53[%dma_start3A_37, %dma_start3A_54, %dma_start3A_55] : memref<16x16x128xf32, #tpu.memory_space<vmem>> -> memref<1x16x128xf32, #tpu.memory_space<vmem>>
    %dma_start3A_57 = tpu.memref_squeeze %dma_start3A_56 : memref<1x16x128xf32, #tpu.memory_space<vmem>> -> memref<16x128xf32, #tpu.memory_space<vmem>>
    %dma_start3A_58 = arith.constant 0 : i32
    %dma_start3A_59 = tpu.memref_slice %arg2[%dma_start3A_58, %multiple_of3A_35] : memref<16x1000001xf32, #tpu.memory_space<hbm>> -> memref<16x128xf32, #tpu.memory_space<hbm>>
    tpu.enqueue_dma source(%dma_start3A_59 : memref<16x128xf32, #tpu.memory_space<hbm>>) target(%dma_start3A_57 : memref<16x128xf32, #tpu.memory_space<vmem>>) target_semaphore(%arg8 : memref<!tpu.dma_semaphore, #tpu.memory_space<semaphore_mem>>)
    %slice3A_60 = vector.extract_strided_slice %get3A_3 {offsets = [2], sizes = [1], strides = [1]} : vector<16xi32> to vector<1xi32>
    %squeeze3A_61 = vector.extract %slice3A_60[0] : i32 from vector<1xi32>
    %shift_right_arithmetic3A_62 = arith.constant 7 : i32
    %shift_right_arithmetic3A_63 = arith.shrsi %squeeze3A_61, %shift_right_arithmetic3A_62 : i32
    %shift_left3A_64 = arith.constant 7 : i32
    %shift_left3A_65 = arith.shli %shift_right_arithmetic3A_63, %shift_left3A_64 : i32
    %multiple_of3A_66 = tpu.assume_multiple %shift_left3A_65, 128 : i32
    %dma_start3A_67 = arith.constant 0 : i32
    %dma_start3A_68 = arith.constant 2 : i32
    %dma_start3A_69 = arith.constant 0 : i32
    %dma_start3A_70 = arith.constant 0 : i32
    %dma_start3A_71 = arith.constant 0 : i32
    %dma_start3A_72 = tpu.memref_slice %arg6[%dma_start3A_67, %dma_start3A_69, %dma_start3A_70, %dma_start3A_71] : memref<3x16x16x128xf32, #tpu.memory_space<vmem>> -> memref<1x16x16x128xf32, #tpu.memory_space<vmem>>
    %dma_start3A_73 = tpu.memref_squeeze %dma_start3A_72 : memref<1x16x16x128xf32, #tpu.memory_space<vmem>> -> memref<16x16x128xf32, #tpu.memory_space<vmem>>
    %dma_start3A_74 = arith.constant 0 : i32
    %dma_start3A_75 = arith.constant 0 : i32
    %dma_start3A_76 = tpu.memref_slice %dma_start3A_73[%dma_start3A_68, %dma_start3A_74, %dma_start3A_75] : memref<16x16x128xf32, #tpu.memory_space<vmem>> -> memref<1x16x128xf32, #tpu.memory_space<vmem>>
    %dma_start3A_77 = tpu.memref_squeeze %dma_start3A_76 : memref<1x16x128xf32, #tpu.memory_space<vmem>> -> memref<16x128xf32, #tpu.memory_space<vmem>>
    %dma_start3A_78 = arith.constant 0 : i32
    %dma_start3A_79 = tpu.memref_slice %arg2[%dma_start3A_78, %multiple_of3A_66] : memref<16x1000001xf32, #tpu.memory_space<hbm>> -> memref<16x128xf32, #tpu.memory_space<hbm>>
    %dma_start3A_80 = arith.constant 0 : i32
    %dma_start3A_81 = arith.constant 0 : i32
    %dma_start3A_82 = arith.constant 0 : i32
    %dma_start3A_83 = tpu.memref_slice %arg6[%dma_start3A_67, %dma_start3A_80, %dma_start3A_81, %dma_start3A_82] : memref<3x16x16x128xf32, #tpu.memory_space<vmem>> -> memref<1x16x16x128xf32, #tpu.memory_space<vmem>>
    %dma_start3A_84 = tpu.memref_squeeze %dma_start3A_83 : memref<1x16x16x128xf32, #tpu.memory_space<vmem>> -> memref<16x16x128xf32, #tpu.memory_space<vmem>>
    %dma_start3A_85 = arith.constant 0 : i32
    %dma_start3A_86 = arith.constant 0 : i32
    %dma_start3A_87 = tpu.memref_slice %dma_start3A_84[%dma_start3A_68, %dma_start3A_85, %dma_start3A_86] : memref<16x16x128xf32, #tpu.memory_space<vmem>> -> memref<1x16x128xf32, #tpu.memory_space<vmem>>
    %dma_start3A_88 = tpu.memref_squeeze %dma_start3A_87 : memref<1x16x128xf32, #tpu.memory_space<vmem>> -> memref<16x128xf32, #tpu.memory_space<vmem>>
    %dma_start3A_89 = arith.constant 0 : i32
    %dma_start3A_90 = tpu.memref_slice %arg2[%dma_start3A_89, %multiple_of3A_66] : memref<16x1000001xf32, #tpu.memory_space<hbm>> -> memref<16x128xf32, #tpu.memory_space<hbm>>
    tpu.enqueue_dma source(%dma_start3A_90 : memref<16x128xf32, #tpu.memory_space<hbm>>) target(%dma_start3A_88 : memref<16x128xf32, #tpu.memory_space<vmem>>) target_semaphore(%arg8 : memref<!tpu.dma_semaphore, #tpu.memory_space<semaphore_mem>>)
    %slice3A_91 = vector.extract_strided_slice %get3A_3 {offsets = [3], sizes = [1], strides = [1]} : vector<16xi32> to vector<1xi32>
    %squeeze3A_92 = vector.extract %slice3A_91[0] : i32 from vector<1xi32>
    %shift_right_arithmetic3A_93 = arith.constant 7 : i32
    %shift_right_arithmetic3A_94 = arith.shrsi %squeeze3A_92, %shift_right_arithmetic3A_93 : i32
    %shift_left3A_95 = arith.constant 7 : i32
    %shift_left3A_96 = arith.shli %shift_right_arithmetic3A_94, %shift_left3A_95 : i32
    %multiple_of3A_97 = tpu.assume_multiple %shift_left3A_96, 128 : i32
    %dma_start3A_98 = arith.constant 0 : i32
    %dma_start3A_99 = arith.constant 3 : i32
    %dma_start3A_100 = arith.constant 0 : i32
    %dma_start3A_101 = arith.constant 0 : i32
    %dma_start3A_102 = arith.constant 0 : i32
    %dma_start3A_103 = tpu.memref_slice %arg6[%dma_start3A_98, %dma_start3A_100, %dma_start3A_101, %dma_start3A_102] : memref<3x16x16x128xf32, #tpu.memory_space<vmem>> -> memref<1x16x16x128xf32, #tpu.memory_space<vmem>>
    %dma_start3A_104 = tpu.memref_squeeze %dma_start3A_103 : memref<1x16x16x128xf32, #tpu.memory_space<vmem>> -> memref<16x16x128xf32, #tpu.memory_space<vmem>>
    %dma_start3A_105 = arith.constant 0 : i32
    %dma_start3A_106 = arith.constant 0 : i32
    %dma_start3A_107 = tpu.memref_slice %dma_start3A_104[%dma_start3A_99, %dma_start3A_105, %dma_start3A_106] : memref<16x16x128xf32, #tpu.memory_space<vmem>> -> memref<1x16x128xf32, #tpu.memory_space<vmem>>
    %dma_start3A_108 = tpu.memref_squeeze %dma_start3A_107 : memref<1x16x128xf32, #tpu.memory_space<vmem>> -> memref<16x128xf32, #tpu.memory_space<vmem>>
    %dma_start3A_109 = arith.constant 0 : i32
    %dma_start3A_110 = tpu.memref_slice %arg2[%dma_start3A_109, %multiple_of3A_97] : memref<16x1000001xf32, #tpu.memory_space<hbm>> -> memref<16x128xf32, #tpu.memory_space<hbm>>
    %dma_start3A_111 = arith.constant 0 : i32
    %dma_start3A_112 = arith.constant 0 : i32
    %dma_start3A_113 = arith.constant 0 : i32
    %dma_start3A_114 = tpu.memref_slice %arg6[%dma_start3A_98, %dma_start3A_111, %dma_start3A_112, %dma_start3A_113] : memref<3x16x16x128xf32, #tpu.memory_space<vmem>> -> memref<1x16x16x128xf32, #tpu.memory_space<vmem>>
    %dma_start3A_115 = tpu.memref_squeeze %dma_start3A_114 : memref<1x16x16x128xf32, #tpu.memory_space<vmem>> -> memref<16x16x128xf32, #tpu.memory_space<vmem>>
    %dma_start3A_116 = arith.constant 0 : i32
    %dma_start3A_117 = arith.constant 0 : i32
    %dma_start3A_118 = tpu.memref_slice %dma_start3A_115[%dma_start3A_99, %dma_start3A_116, %dma_start3A_117] : memref<16x16x128xf32, #tpu.memory_space<vmem>> -> memref<1x16x128xf32, #tpu.memory_space<vmem>>
    %dma_start3A_119 = tpu.memref_squeeze %dma_start3A_118 : memref<1x16x128xf32, #tpu.memory_space<vmem>> -> memref<16x128xf32, #tpu.memory_space<vmem>>
    %dma_start3A_120 = arith.constant 0 : i32
    %dma_start3A_121 = tpu.memref_slice %arg2[%dma_start3A_120, %multiple_of3A_97] : memref<16x1000001xf32, #tpu.memory_space<hbm>> -> memref<16x128xf32, #tpu.memory_space<hbm>>
    tpu.enqueue_dma source(%dma_start3A_121 : memref<16x128xf32, #tpu.memory_space<hbm>>) target(%dma_start3A_119 : memref<16x128xf32, #tpu.memory_space<vmem>>) target_semaphore(%arg8 : memref<!tpu.dma_semaphore, #tpu.memory_space<semaphore_mem>>)
    %slice3A_122 = vector.extract_strided_slice %get3A_3 {offsets = [4], sizes = [1], strides = [1]} : vector<16xi32> to vector<1xi32>
    %squeeze3A_123 = vector.extract %slice3A_122[0] : i32 from vector<1xi32>
    %shift_right_arithmetic3A_124 = arith.constant 7 : i32
    %shift_right_arithmetic3A_125 = arith.shrsi %squeeze3A_123, %shift_right_arithmetic3A_124 : i32
    %shift_left3A_126 = arith.constant 7 : i32
    %shift_left3A_127 = arith.shli %shift_right_arithmetic3A_125, %shift_left3A_126 : i32
    %multiple_of3A_128 = tpu.assume_multiple %shift_left3A_127, 128 : i32
    %dma_start3A_129 = arith.constant 0 : i32
    %dma_start3A_130 = arith.constant 4 : i32
    %dma_start3A_131 = arith.constant 0 : i32
    %dma_start3A_132 = arith.constant 0 : i32
    %dma_start3A_133 = arith.constant 0 : i32
    %dma_start3A_134 = tpu.memref_slice %arg6[%dma_start3A_129, %dma_start3A_131, %dma_start3A_132, %dma_start3A_133] : memref<3x16x16x128xf32, #tpu.memory_space<vmem>> -> memref<1x16x16x128xf32, #tpu.memory_space<vmem>>
    %dma_start3A_135 = tpu.memref_squeeze %dma_start3A_134 : memref<1x16x16x128xf32, #tpu.memory_space<vmem>> -> memref<16x16x128xf32, #tpu.memory_space<vmem>>
    %dma_start3A_136 = arith.constant 0 : i32
    %dma_start3A_137 = arith.constant 0 : i32
    %dma_start3A_138 = tpu.memref_slice %dma_start3A_135[%dma_start3A_130, %dma_start3A_136, %dma_start3A_137] : memref<16x16x128xf32, #tpu.memory_space<vmem>> -> memref<1x16x128xf32, #tpu.memory_space<vmem>>
    %dma_start3A_139 = tpu.memref_squeeze %dma_start3A_138 : memref<1x16x128xf32, #tpu.memory_space<vmem>> -> memref<16x128xf32, #tpu.memory_space<vmem>>
    %dma_start3A_140 = arith.constant 0 : i32
    %dma_start3A_141 = tpu.memref_slice %arg2[%dma_start3A_140, %multiple_of3A_128] : memref<16x1000001xf32, #tpu.memory_space<hbm>> -> memref<16x128xf32, #tpu.memory_space<hbm>>
    %dma_start3A_142 = arith.constant 0 : i32
    %dma_start3A_143 = arith.constant 0 : i32
    %dma_start3A_144 = arith.constant 0 : i32
    %dma_start3A_145 = tpu.memref_slice %arg6[%dma_start3A_129, %dma_start3A_142, %dma_start3A_143, %dma_start3A_144] : memref<3x16x16x128xf32, #tpu.memory_space<vmem>> -> memref<1x16x16x128xf32, #tpu.memory_space<vmem>>
    %dma_start3A_146 = tpu.memref_squeeze %dma_start3A_145 : memref<1x16x16x128xf32, #tpu.memory_space<vmem>> -> memref<16x16x128xf32, #tpu.memory_space<vmem>>
    %dma_start3A_147 = arith.constant 0 : i32
    %dma_start3A_148 = arith.constant 0 : i32
    %dma_start3A_149 = tpu.memref_slice %dma_start3A_146[%dma_start3A_130, %dma_start3A_147, %dma_start3A_148] : memref<16x16x128xf32, #tpu.memory_space<vmem>> -> memref<1x16x128xf32, #tpu.memory_space<vmem>>
    %dma_start3A_150 = tpu.memref_squeeze %dma_start3A_149 : memref<1x16x128xf32, #tpu.memory_space<vmem>> -> memref<16x128xf32, #tpu.memory_space<vmem>>
    %dma_start3A_151 = arith.constant 0 : i32
    %dma_start3A_152 = tpu.memref_slice %arg2[%dma_start3A_151, %multiple_of3A_128] : memref<16x1000001xf32, #tpu.memory_space<hbm>> -> memref<16x128xf32, #tpu.memory_space<hbm>>
    tpu.enqueue_dma source(%dma_start3A_152 : memref<16x128xf32, #tpu.memory_space<hbm>>) target(%dma_start3A_150 : memref<16x128xf32, #tpu.memory_space<vmem>>) target_semaphore(%arg8 : memref<!tpu.dma_semaphore, #tpu.memory_space<semaphore_mem>>)
    %slice3A_153 = vector.extract_strided_slice %get3A_3 {offsets = [5], sizes = [1], strides = [1]} : vector<16xi32> to vector<1xi32>
    %squeeze3A_154 = vector.extract %slice3A_153[0] : i32 from vector<1xi32>
    %shift_right_arithmetic3A_155 = arith.constant 7 : i32
    %shift_right_arithmetic3A_156 = arith.shrsi %squeeze3A_154, %shift_right_arithmetic3A_155 : i32
    %shift_left3A_157 = arith.constant 7 : i32
    %shift_left3A_158 = arith.shli %shift_right_arithmetic3A_156, %shift_left3A_157 : i32
    %multiple_of3A_159 = tpu.assume_multiple %shift_left3A_158, 128 : i32
    %dma_start3A_160 = arith.constant 0 : i32
    %dma_start3A_161 = arith.constant 5 : i32
    %dma_start3A_162 = arith.constant 0 : i32
    %dma_start3A_163 = arith.constant 0 : i32
    %dma_start3A_164 = arith.constant 0 : i32
    %dma_start3A_165 = tpu.memref_slice %arg6[%dma_start3A_160, %dma_start3A_162, %dma_start3A_163, %dma_start3A_164] : memref<3x16x16x128xf32, #tpu.memory_space<vmem>> -> memref<1x16x16x128xf32, #tpu.memory_space<vmem>>
    %dma_start3A_166 = tpu.memref_squeeze %dma_start3A_165 : memref<1x16x16x128xf32, #tpu.memory_space<vmem>> -> memref<16x16x128xf32, #tpu.memory_space<vmem>>
    %dma_start3A_167 = arith.constant 0 : i32
    %dma_start3A_168 = arith.constant 0 : i32
    %dma_start3A_169 = tpu.memref_slice %dma_start3A_166[%dma_start3A_161, %dma_start3A_167, %dma_start3A_168] : memref<16x16x128xf32, #tpu.memory_space<vmem>> -> memref<1x16x128xf32, #tpu.memory_space<vmem>>
    %dma_start3A_170 = tpu.memref_squeeze %dma_start3A_169 : memref<1x16x128xf32, #tpu.memory_space<vmem>> -> memref<16x128xf32, #tpu.memory_space<vmem>>
    %dma_start3A_171 = arith.constant 0 : i32
    %dma_start3A_172 = tpu.memref_slice %arg2[%dma_start3A_171, %multiple_of3A_159] : memref<16x1000001xf32, #tpu.memory_space<hbm>> -> memref<16x128xf32, #tpu.memory_space<hbm>>
    %dma_start3A_173 = arith.constant 0 : i32
    %dma_start3A_174 = arith.constant 0 : i32
    %dma_start3A_175 = arith.constant 0 : i32
    %dma_start3A_176 = tpu.memref_slice %arg6[%dma_start3A_160, %dma_start3A_173, %dma_start3A_174, %dma_start3A_175] : memref<3x16x16x128xf32, #tpu.memory_space<vmem>> -> memref<1x16x16x128xf32, #tpu.memory_space<vmem>>
    %dma_start3A_177 = tpu.memref_squeeze %dma_start3A_176 : memref<1x16x16x128xf32, #tpu.memory_space<vmem>> -> memref<16x16x128xf32, #tpu.memory_space<vmem>>
    %dma_start3A_178 = arith.constant 0 : i32
    %dma_start3A_179 = arith.constant 0 : i32
    %dma_start3A_180 = tpu.memref_slice %dma_start3A_177[%dma_start3A_161, %dma_start3A_178, %dma_start3A_179] : memref<16x16x128xf32, #tpu.memory_space<vmem>> -> memref<1x16x128xf32, #tpu.memory_space<vmem>>
    %dma_start3A_181 = tpu.memref_squeeze %dma_start3A_180 : memref<1x16x128xf32, #tpu.memory_space<vmem>> -> memref<16x128xf32, #tpu.memory_space<vmem>>
    %dma_start3A_182 = arith.constant 0 : i32
    %dma_start3A_183 = tpu.memref_slice %arg2[%dma_start3A_182, %multiple_of3A_159] : memref<16x1000001xf32, #tpu.memory_space<hbm>> -> memref<16x128xf32, #tpu.memory_space<hbm>>
    tpu.enqueue_dma source(%dma_start3A_183 : memref<16x128xf32, #tpu.memory_space<hbm>>) target(%dma_start3A_181 : memref<16x128xf32, #tpu.memory_space<vmem>>) target_semaphore(%arg8 : memref<!tpu.dma_semaphore, #tpu.memory_space<semaphore_mem>>)
    %slice3A_184 = vector.extract_strided_slice %get3A_3 {offsets = [6], sizes = [1], strides = [1]} : vector<16xi32> to vector<1xi32>
    %squeeze3A_185 = vector.extract %slice3A_184[0] : i32 from vector<1xi32>
    %shift_right_arithmetic3A_186 = arith.constant 7 : i32
    %shift_right_arithmetic3A_187 = arith.shrsi %squeeze3A_185, %shift_right_arithmetic3A_186 : i32
    %shift_left3A_188 = arith.constant 7 : i32
    %shift_left3A_189 = arith.shli %shift_right_arithmetic3A_187, %shift_left3A_188 : i32
    %multiple_of3A_190 = tpu.assume_multiple %shift_left3A_189, 128 : i32
    %dma_start3A_191 = arith.constant 0 : i32
    %dma_start3A_192 = arith.constant 6 : i32
    %dma_start3A_193 = arith.constant 0 : i32
    %dma_start3A_194 = arith.constant 0 : i32
    %dma_start3A_195 = arith.constant 0 : i32
    %dma_start3A_196 = tpu.memref_slice %arg6[%dma_start3A_191, %dma_start3A_193, %dma_start3A_194, %dma_start3A_195] : memref<3x16x16x128xf32, #tpu.memory_space<vmem>> -> memref<1x16x16x128xf32, #tpu.memory_space<vmem>>
    %dma_start3A_197 = tpu.memref_squeeze %dma_start3A_196 : memref<1x16x16x128xf32, #tpu.memory_space<vmem>> -> memref<16x16x128xf32, #tpu.memory_space<vmem>>
    %dma_start3A_198 = arith.constant 0 : i32
    %dma_start3A_199 = arith.constant 0 : i32
    %dma_start3A_200 = tpu.memref_slice %dma_start3A_197[%dma_start3A_192, %dma_start3A_198, %dma_start3A_199] : memref<16x16x128xf32, #tpu.memory_space<vmem>> -> memref<1x16x128xf32, #tpu.memory_space<vmem>>
    %dma_start3A_201 = tpu.memref_squeeze %dma_start3A_200 : memref<1x16x128xf32, #tpu.memory_space<vmem>> -> memref<16x128xf32, #tpu.memory_space<vmem>>
    %dma_start3A_202 = arith.constant 0 : i32
    %dma_start3A_203 = tpu.memref_slice %arg2[%dma_start3A_202, %multiple_of3A_190] : memref<16x1000001xf32, #tpu.memory_space<hbm>> -> memref<16x128xf32, #tpu.memory_space<hbm>>
    %dma_start3A_204 = arith.constant 0 : i32
    %dma_start3A_205 = arith.constant 0 : i32
    %dma_start3A_206 = arith.constant 0 : i32
    %dma_start3A_207 = tpu.memref_slice %arg6[%dma_start3A_191, %dma_start3A_204, %dma_start3A_205, %dma_start3A_206] : memref<3x16x16x128xf32, #tpu.memory_space<vmem>> -> memref<1x16x16x128xf32, #tpu.memory_space<vmem>>
    %dma_start3A_208 = tpu.memref_squeeze %dma_start3A_207 : memref<1x16x16x128xf32, #tpu.memory_space<vmem>> -> memref<16x16x128xf32, #tpu.memory_space<vmem>>
    %dma_start3A_209 = arith.constant 0 : i32
    %dma_start3A_210 = arith.constant 0 : i32
    %dma_start3A_211 = tpu.memref_slice %dma_start3A_208[%dma_start3A_192, %dma_start3A_209, %dma_start3A_210] : memref<16x16x128xf32, #tpu.memory_space<vmem>> -> memref<1x16x128xf32, #tpu.memory_space<vmem>>
    %dma_start3A_212 = tpu.memref_squeeze %dma_start3A_211 : memref<1x16x128xf32, #tpu.memory_space<vmem>> -> memref<16x128xf32, #tpu.memory_space<vmem>>
    %dma_start3A_213 = arith.constant 0 : i32
    %dma_start3A_214 = tpu.memref_slice %arg2[%dma_start3A_213, %multiple_of3A_190] : memref<16x1000001xf32, #tpu.memory_space<hbm>> -> memref<16x128xf32, #tpu.memory_space<hbm>>
    tpu.enqueue_dma source(%dma_start3A_214 : memref<16x128xf32, #tpu.memory_space<hbm>>) target(%dma_start3A_212 : memref<16x128xf32, #tpu.memory_space<vmem>>) target_semaphore(%arg8 : memref<!tpu.dma_semaphore, #tpu.memory_space<semaphore_mem>>)
    %slice3A_215 = vector.extract_strided_slice %get3A_3 {offsets = [7], sizes = [1], strides = [1]} : vector<16xi32> to vector<1xi32>
    %squeeze3A_216 = vector.extract %slice3A_215[0] : i32 from vector<1xi32>
    %shift_right_arithmetic3A_217 = arith.constant 7 : i32
    %shift_right_arithmetic3A_218 = arith.shrsi %squeeze3A_216, %shift_right_arithmetic3A_217 : i32
    %shift_left3A_219 = arith.constant 7 : i32
    %shift_left3A_220 = arith.shli %shift_right_arithmetic3A_218, %shift_left3A_219 : i32
    %multiple_of3A_221 = tpu.assume_multiple %shift_left3A_220, 128 : i32
    %dma_start3A_222 = arith.constant 0 : i32
    %dma_start3A_223 = arith.constant 7 : i32
    %dma_start3A_224 = arith.constant 0 : i32
    %dma_start3A_225 = arith.constant 0 : i32
    %dma_start3A_226 = arith.constant 0 : i32
    %dma_start3A_227 = tpu.memref_slice %arg6[%dma_start3A_222, %dma_start3A_224, %dma_start3A_225, %dma_start3A_226] : memref<3x16x16x128xf32, #tpu.memory_space<vmem>> -> memref<1x16x16x128xf32, #tpu.memory_space<vmem>>
    %dma_start3A_228 = tpu.memref_squeeze %dma_start3A_227 : memref<1x16x16x128xf32, #tpu.memory_space<vmem>> -> memref<16x16x128xf32, #tpu.memory_space<vmem>>
    %dma_start3A_229 = arith.constant 0 : i32
    %dma_start3A_230 = arith.constant 0 : i32
    %dma_start3A_231 = tpu.memref_slice %dma_start3A_228[%dma_start3A_223, %dma_start3A_229, %dma_start3A_230] : memref<16x16x128xf32, #tpu.memory_space<vmem>> -> memref<1x16x128xf32, #tpu.memory_space<vmem>>
    %dma_start3A_232 = tpu.memref_squeeze %dma_start3A_231 : memref<1x16x128xf32, #tpu.memory_space<vmem>> -> memref<16x128xf32, #tpu.memory_space<vmem>>
    %dma_start3A_233 = arith.constant 0 : i32
    %dma_start3A_234 = tpu.memref_slice %arg2[%dma_start3A_233, %multiple_of3A_221] : memref<16x1000001xf32, #tpu.memory_space<hbm>> -> memref<16x128xf32, #tpu.memory_space<hbm>>
    %dma_start3A_235 = arith.constant 0 : i32
    %dma_start3A_236 = arith.constant 0 : i32
    %dma_start3A_237 = arith.constant 0 : i32
    %dma_start3A_238 = tpu.memref_slice %arg6[%dma_start3A_222, %dma_start3A_235, %dma_start3A_236, %dma_start3A_237] : memref<3x16x16x128xf32, #tpu.memory_space<vmem>> -> memref<1x16x16x128xf32, #tpu.memory_space<vmem>>
    %dma_start3A_239 = tpu.memref_squeeze %dma_start3A_238 : memref<1x16x16x128xf32, #tpu.memory_space<vmem>> -> memref<16x16x128xf32, #tpu.memory_space<vmem>>
    %dma_start3A_240 = arith.constant 0 : i32
    %dma_start3A_241 = arith.constant 0 : i32
    %dma_start3A_242 = tpu.memref_slice %dma_start3A_239[%dma_start3A_223, %dma_start3A_240, %dma_start3A_241] : memref<16x16x128xf32, #tpu.memory_space<vmem>> -> memref<1x16x128xf32, #tpu.memory_space<vmem>>
    %dma_start3A_243 = tpu.memref_squeeze %dma_start3A_242 : memref<1x16x128xf32, #tpu.memory_space<vmem>> -> memref<16x128xf32, #tpu.memory_space<vmem>>
    %dma_start3A_244 = arith.constant 0 : i32
    %dma_start3A_245 = tpu.memref_slice %arg2[%dma_start3A_244, %multiple_of3A_221] : memref<16x1000001xf32, #tpu.memory_space<hbm>> -> memref<16x128xf32, #tpu.memory_space<hbm>>
    tpu.enqueue_dma source(%dma_start3A_245 : memref<16x128xf32, #tpu.memory_space<hbm>>) target(%dma_start3A_243 : memref<16x128xf32, #tpu.memory_space<vmem>>) target_semaphore(%arg8 : memref<!tpu.dma_semaphore, #tpu.memory_space<semaphore_mem>>)
    %slice3A_246 = vector.extract_strided_slice %get3A_3 {offsets = [8], sizes = [1], strides = [1]} : vector<16xi32> to vector<1xi32>
    %squeeze3A_247 = vector.extract %slice3A_246[0] : i32 from vector<1xi32>
    %shift_right_arithmetic3A_248 = arith.constant 7 : i32
    %shift_right_arithmetic3A_249 = arith.shrsi %squeeze3A_247, %shift_right_arithmetic3A_248 : i32
    %shift_left3A_250 = arith.constant 7 : i32
    %shift_left3A_251 = arith.shli %shift_right_arithmetic3A_249, %shift_left3A_250 : i32
    %multiple_of3A_252 = tpu.assume_multiple %shift_left3A_251, 128 : i32
    %dma_start3A_253 = arith.constant 0 : i32
    %dma_start3A_254 = arith.constant 8 : i32
    %dma_start3A_255 = arith.constant 0 : i32
    %dma_start3A_256 = arith.constant 0 : i32
    %dma_start3A_257 = arith.constant 0 : i32
    %dma_start3A_258 = tpu.memref_slice %arg6[%dma_start3A_253, %dma_start3A_255, %dma_start3A_256, %dma_start3A_257] : memref<3x16x16x128xf32, #tpu.memory_space<vmem>> -> memref<1x16x16x128xf32, #tpu.memory_space<vmem>>
    %dma_start3A_259 = tpu.memref_squeeze %dma_start3A_258 : memref<1x16x16x128xf32, #tpu.memory_space<vmem>> -> memref<16x16x128xf32, #tpu.memory_space<vmem>>
    %dma_start3A_260 = arith.constant 0 : i32
    %dma_start3A_261 = arith.constant 0 : i32
    %dma_start3A_262 = tpu.memref_slice %dma_start3A_259[%dma_start3A_254, %dma_start3A_260, %dma_start3A_261] : memref<16x16x128xf32, #tpu.memory_space<vmem>> -> memref<1x16x128xf32, #tpu.memory_space<vmem>>
    %dma_start3A_263 = tpu.memref_squeeze %dma_start3A_262 : memref<1x16x128xf32, #tpu.memory_space<vmem>> -> memref<16x128xf32, #tpu.memory_space<vmem>>
    %dma_start3A_264 = arith.constant 0 : i32
    %dma_start3A_265 = tpu.memref_slice %arg2[%dma_start3A_264, %multiple_of3A_252] : memref<16x1000001xf32, #tpu.memory_space<hbm>> -> memref<16x128xf32, #tpu.memory_space<hbm>>
    %dma_start3A_266 = arith.constant 0 : i32
    %dma_start3A_267 = arith.constant 0 : i32
    %dma_start3A_268 = arith.constant 0 : i32
    %dma_start3A_269 = tpu.memref_slice %arg6[%dma_start3A_253, %dma_start3A_266, %dma_start3A_267, %dma_start3A_268] : memref<3x16x16x128xf32, #tpu.memory_space<vmem>> -> memref<1x16x16x128xf32, #tpu.memory_space<vmem>>
    %dma_start3A_270 = tpu.memref_squeeze %dma_start3A_269 : memref<1x16x16x128xf32, #tpu.memory_space<vmem>> -> memref<16x16x128xf32, #tpu.memory_space<vmem>>
    %dma_start3A_271 = arith.constant 0 : i32
    %dma_start3A_272 = arith.constant 0 : i32
    %dma_start3A_273 = tpu.memref_slice %dma_start3A_270[%dma_start3A_254, %dma_start3A_271, %dma_start3A_272] : memref<16x16x128xf32, #tpu.memory_space<vmem>> -> memref<1x16x128xf32, #tpu.memory_space<vmem>>
    %dma_start3A_274 = tpu.memref_squeeze %dma_start3A_273 : memref<1x16x128xf32, #tpu.memory_space<vmem>> -> memref<16x128xf32, #tpu.memory_space<vmem>>
    %dma_start3A_275 = arith.constant 0 : i32
    %dma_start3A_276 = tpu.memref_slice %arg2[%dma_start3A_275, %multiple_of3A_252] : memref<16x1000001xf32, #tpu.memory_space<hbm>> -> memref<16x128xf32, #tpu.memory_space<hbm>>
    tpu.enqueue_dma source(%dma_start3A_276 : memref<16x128xf32, #tpu.memory_space<hbm>>) target(%dma_start3A_274 : memref<16x128xf32, #tpu.memory_space<vmem>>) target_semaphore(%arg8 : memref<!tpu.dma_semaphore, #tpu.memory_space<semaphore_mem>>)
    %slice3A_277 = vector.extract_strided_slice %get3A_3 {offsets = [9], sizes = [1], strides = [1]} : vector<16xi32> to vector<1xi32>
    %squeeze3A_278 = vector.extract %slice3A_277[0] : i32 from vector<1xi32>
    %shift_right_arithmetic3A_279 = arith.constant 7 : i32
    %shift_right_arithmetic3A_280 = arith.shrsi %squeeze3A_278, %shift_right_arithmetic3A_279 : i32
    %shift_left3A_281 = arith.constant 7 : i32
    %shift_left3A_282 = arith.shli %shift_right_arithmetic3A_280, %shift_left3A_281 : i32
    %multiple_of3A_283 = tpu.assume_multiple %shift_left3A_282, 128 : i32
    %dma_start3A_284 = arith.constant 0 : i32
    %dma_start3A_285 = arith.constant 9 : i32
    %dma_start3A_286 = arith.constant 0 : i32
    %dma_start3A_287 = arith.constant 0 : i32
    %dma_start3A_288 = arith.constant 0 : i32
    %dma_start3A_289 = tpu.memref_slice %arg6[%dma_start3A_284, %dma_start3A_286, %dma_start3A_287, %dma_start3A_288] : memref<3x16x16x128xf32, #tpu.memory_space<vmem>> -> memref<1x16x16x128xf32, #tpu.memory_space<vmem>>
    %dma_start3A_290 = tpu.memref_squeeze %dma_start3A_289 : memref<1x16x16x128xf32, #tpu.memory_space<vmem>> -> memref<16x16x128xf32, #tpu.memory_space<vmem>>
    %dma_start3A_291 = arith.constant 0 : i32
    %dma_start3A_292 = arith.constant 0 : i32
    %dma_start3A_293 = tpu.memref_slice %dma_start3A_290[%dma_start3A_285, %dma_start3A_291, %dma_start3A_292] : memref<16x16x128xf32, #tpu.memory_space<vmem>> -> memref<1x16x128xf32, #tpu.memory_space<vmem>>
    %dma_start3A_294 = tpu.memref_squeeze %dma_start3A_293 : memref<1x16x128xf32, #tpu.memory_space<vmem>> -> memref<16x128xf32, #tpu.memory_space<vmem>>
    %dma_start3A_295 = arith.constant 0 : i32
    %dma_start3A_296 = tpu.memref_slice %arg2[%dma_start3A_295, %multiple_of3A_283] : memref<16x1000001xf32, #tpu.memory_space<hbm>> -> memref<16x128xf32, #tpu.memory_space<hbm>>
    %dma_start3A_297 = arith.constant 0 : i32
    %dma_start3A_298 = arith.constant 0 : i32
    %dma_start3A_299 = arith.constant 0 : i32
    %dma_start3A_300 = tpu.memref_slice %arg6[%dma_start3A_284, %dma_start3A_297, %dma_start3A_298, %dma_start3A_299] : memref<3x16x16x128xf32, #tpu.memory_space<vmem>> -> memref<1x16x16x128xf32, #tpu.memory_space<vmem>>
    %dma_start3A_301 = tpu.memref_squeeze %dma_start3A_300 : memref<1x16x16x128xf32, #tpu.memory_space<vmem>> -> memref<16x16x128xf32, #tpu.memory_space<vmem>>
    %dma_start3A_302 = arith.constant 0 : i32
    %dma_start3A_303 = arith.constant 0 : i32
    %dma_start3A_304 = tpu.memref_slice %dma_start3A_301[%dma_start3A_285, %dma_start3A_302, %dma_start3A_303] : memref<16x16x128xf32, #tpu.memory_space<vmem>> -> memref<1x16x128xf32, #tpu.memory_space<vmem>>
    %dma_start3A_305 = tpu.memref_squeeze %dma_start3A_304 : memref<1x16x128xf32, #tpu.memory_space<vmem>> -> memref<16x128xf32, #tpu.memory_space<vmem>>
    %dma_start3A_306 = arith.constant 0 : i32
    %dma_start3A_307 = tpu.memref_slice %arg2[%dma_start3A_306, %multiple_of3A_283] : memref<16x1000001xf32, #tpu.memory_space<hbm>> -> memref<16x128xf32, #tpu.memory_space<hbm>>
    tpu.enqueue_dma source(%dma_start3A_307 : memref<16x128xf32, #tpu.memory_space<hbm>>) target(%dma_start3A_305 : memref<16x128xf32, #tpu.memory_space<vmem>>) target_semaphore(%arg8 : memref<!tpu.dma_semaphore, #tpu.memory_space<semaphore_mem>>)
    %slice3A_308 = vector.extract_strided_slice %get3A_3 {offsets = [10], sizes = [1], strides = [1]} : vector<16xi32> to vector<1xi32>
    %squeeze3A_309 = vector.extract %slice3A_308[0] : i32 from vector<1xi32>
    %shift_right_arithmetic3A_310 = arith.constant 7 : i32
    %shift_right_arithmetic3A_311 = arith.shrsi %squeeze3A_309, %shift_right_arithmetic3A_310 : i32
    %shift_left3A_312 = arith.constant 7 : i32
    %shift_left3A_313 = arith.shli %shift_right_arithmetic3A_311, %shift_left3A_312 : i32
    %multiple_of3A_314 = tpu.assume_multiple %shift_left3A_313, 128 : i32
    %dma_start3A_315 = arith.constant 0 : i32
    %dma_start3A_316 = arith.constant 10 : i32
    %dma_start3A_317 = arith.constant 0 : i32
    %dma_start3A_318 = arith.constant 0 : i32
    %dma_start3A_319 = arith.constant 0 : i32
    %dma_start3A_320 = tpu.memref_slice %arg6[%dma_start3A_315, %dma_start3A_317, %dma_start3A_318, %dma_start3A_319] : memref<3x16x16x128xf32, #tpu.memory_space<vmem>> -> memref<1x16x16x128xf32, #tpu.memory_space<vmem>>
    %dma_start3A_321 = tpu.memref_squeeze %dma_start3A_320 : memref<1x16x16x128xf32, #tpu.memory_space<vmem>> -> memref<16x16x128xf32, #tpu.memory_space<vmem>>
    %dma_start3A_322 = arith.constant 0 : i32
    %dma_start3A_323 = arith.constant 0 : i32
    %dma_start3A_324 = tpu.memref_slice %dma_start3A_321[%dma_start3A_316, %dma_start3A_322, %dma_start3A_323] : memref<16x16x128xf32, #tpu.memory_space<vmem>> -> memref<1x16x128xf32, #tpu.memory_space<vmem>>
    %dma_start3A_325 = tpu.memref_squeeze %dma_start3A_324 : memref<1x16x128xf32, #tpu.memory_space<vmem>> -> memref<16x128xf32, #tpu.memory_space<vmem>>
    %dma_start3A_326 = arith.constant 0 : i32
    %dma_start3A_327 = tpu.memref_slice %arg2[%dma_start3A_326, %multiple_of3A_314] : memref<16x1000001xf32, #tpu.memory_space<hbm>> -> memref<16x128xf32, #tpu.memory_space<hbm>>
    %dma_start3A_328 = arith.constant 0 : i32
    %dma_start3A_329 = arith.constant 0 : i32
    %dma_start3A_330 = arith.constant 0 : i32
    %dma_start3A_331 = tpu.memref_slice %arg6[%dma_start3A_315, %dma_start3A_328, %dma_start3A_329, %dma_start3A_330] : memref<3x16x16x128xf32, #tpu.memory_space<vmem>> -> memref<1x16x16x128xf32, #tpu.memory_space<vmem>>
    %dma_start3A_332 = tpu.memref_squeeze %dma_start3A_331 : memref<1x16x16x128xf32, #tpu.memory_space<vmem>> -> memref<16x16x128xf32, #tpu.memory_space<vmem>>
    %dma_start3A_333 = arith.constant 0 : i32
    %dma_start3A_334 = arith.constant 0 : i32
    %dma_start3A_335 = tpu.memref_slice %dma_start3A_332[%dma_start3A_316, %dma_start3A_333, %dma_start3A_334] : memref<16x16x128xf32, #tpu.memory_space<vmem>> -> memref<1x16x128xf32, #tpu.memory_space<vmem>>
    %dma_start3A_336 = tpu.memref_squeeze %dma_start3A_335 : memref<1x16x128xf32, #tpu.memory_space<vmem>> -> memref<16x128xf32, #tpu.memory_space<vmem>>
    %dma_start3A_337 = arith.constant 0 : i32
    %dma_start3A_338 = tpu.memref_slice %arg2[%dma_start3A_337, %multiple_of3A_314] : memref<16x1000001xf32, #tpu.memory_space<hbm>> -> memref<16x128xf32, #tpu.memory_space<hbm>>
    tpu.enqueue_dma source(%dma_start3A_338 : memref<16x128xf32, #tpu.memory_space<hbm>>) target(%dma_start3A_336 : memref<16x128xf32, #tpu.memory_space<vmem>>) target_semaphore(%arg8 : memref<!tpu.dma_semaphore, #tpu.memory_space<semaphore_mem>>)
    %slice3A_339 = vector.extract_strided_slice %get3A_3 {offsets = [11], sizes = [1], strides = [1]} : vector<16xi32> to vector<1xi32>
    %squeeze3A_340 = vector.extract %slice3A_339[0] : i32 from vector<1xi32>
    %shift_right_arithmetic3A_341 = arith.constant 7 : i32
    %shift_right_arithmetic3A_342 = arith.shrsi %squeeze3A_340, %shift_right_arithmetic3A_341 : i32
    %shift_left3A_343 = arith.constant 7 : i32
    %shift_left3A_344 = arith.shli %shift_right_arithmetic3A_342, %shift_left3A_343 : i32
    %multiple_of3A_345 = tpu.assume_multiple %shift_left3A_344, 128 : i32
    %dma_start3A_346 = arith.constant 0 : i32
    %dma_start3A_347 = arith.constant 11 : i32
    %dma_start3A_348 = arith.constant 0 : i32
    %dma_start3A_349 = arith.constant 0 : i32
    %dma_start3A_350 = arith.constant 0 : i32
    %dma_start3A_351 = tpu.memref_slice %arg6[%dma_start3A_346, %dma_start3A_348, %dma_start3A_349, %dma_start3A_350] : memref<3x16x16x128xf32, #tpu.memory_space<vmem>> -> memref<1x16x16x128xf32, #tpu.memory_space<vmem>>
    %dma_start3A_352 = tpu.memref_squeeze %dma_start3A_351 : memref<1x16x16x128xf32, #tpu.memory_space<vmem>> -> memref<16x16x128xf32, #tpu.memory_space<vmem>>
    %dma_start3A_353 = arith.constant 0 : i32
    %dma_start3A_354 = arith.constant 0 : i32
    %dma_start3A_355 = tpu.memref_slice %dma_start3A_352[%dma_start3A_347, %dma_start3A_353, %dma_start3A_354] : memref<16x16x128xf32, #tpu.memory_space<vmem>> -> memref<1x16x128xf32, #tpu.memory_space<vmem>>
    %dma_start3A_356 = tpu.memref_squeeze %dma_start3A_355 : memref<1x16x128xf32, #tpu.memory_space<vmem>> -> memref<16x128xf32, #tpu.memory_space<vmem>>
    %dma_start3A_357 = arith.constant 0 : i32
    %dma_start3A_358 = tpu.memref_slice %arg2[%dma_start3A_357, %multiple_of3A_345] : memref<16x1000001xf32, #tpu.memory_space<hbm>> -> memref<16x128xf32, #tpu.memory_space<hbm>>
    %dma_start3A_359 = arith.constant 0 : i32
    %dma_start3A_360 = arith.constant 0 : i32
    %dma_start3A_361 = arith.constant 0 : i32
    %dma_start3A_362 = tpu.memref_slice %arg6[%dma_start3A_346, %dma_start3A_359, %dma_start3A_360, %dma_start3A_361] : memref<3x16x16x128xf32, #tpu.memory_space<vmem>> -> memref<1x16x16x128xf32, #tpu.memory_space<vmem>>
    %dma_start3A_363 = tpu.memref_squeeze %dma_start3A_362 : memref<1x16x16x128xf32, #tpu.memory_space<vmem>> -> memref<16x16x128xf32, #tpu.memory_space<vmem>>
    %dma_start3A_364 = arith.constant 0 : i32
    %dma_start3A_365 = arith.constant 0 : i32
    %dma_start3A_366 = tpu.memref_slice %dma_start3A_363[%dma_start3A_347, %dma_start3A_364, %dma_start3A_365] : memref<16x16x128xf32, #tpu.memory_space<vmem>> -> memref<1x16x128xf32, #tpu.memory_space<vmem>>
    %dma_start3A_367 = tpu.memref_squeeze %dma_start3A_366 : memref<1x16x128xf32, #tpu.memory_space<vmem>> -> memref<16x128xf32, #tpu.memory_space<vmem>>
    %dma_start3A_368 = arith.constant 0 : i32
    %dma_start3A_369 = tpu.memref_slice %arg2[%dma_start3A_368, %multiple_of3A_345] : memref<16x1000001xf32, #tpu.memory_space<hbm>> -> memref<16x128xf32, #tpu.memory_space<hbm>>
    tpu.enqueue_dma source(%dma_start3A_369 : memref<16x128xf32, #tpu.memory_space<hbm>>) target(%dma_start3A_367 : memref<16x128xf32, #tpu.memory_space<vmem>>) target_semaphore(%arg8 : memref<!tpu.dma_semaphore, #tpu.memory_space<semaphore_mem>>)
    %slice3A_370 = vector.extract_strided_slice %get3A_3 {offsets = [12], sizes = [1], strides = [1]} : vector<16xi32> to vector<1xi32>
    %squeeze3A_371 = vector.extract %slice3A_370[0] : i32 from vector<1xi32>
    %shift_right_arithmetic3A_372 = arith.constant 7 : i32
    %shift_right_arithmetic3A_373 = arith.shrsi %squeeze3A_371, %shift_right_arithmetic3A_372 : i32
    %shift_left3A_374 = arith.constant 7 : i32
    %shift_left3A_375 = arith.shli %shift_right_arithmetic3A_373, %shift_left3A_374 : i32
    %multiple_of3A_376 = tpu.assume_multiple %shift_left3A_375, 128 : i32
    %dma_start3A_377 = arith.constant 0 : i32
    %dma_start3A_378 = arith.constant 12 : i32
    %dma_start3A_379 = arith.constant 0 : i32
    %dma_start3A_380 = arith.constant 0 : i32
    %dma_start3A_381 = arith.constant 0 : i32
    %dma_start3A_382 = tpu.memref_slice %arg6[%dma_start3A_377, %dma_start3A_379, %dma_start3A_380, %dma_start3A_381] : memref<3x16x16x128xf32, #tpu.memory_space<vmem>> -> memref<1x16x16x128xf32, #tpu.memory_space<vmem>>
    %dma_start3A_383 = tpu.memref_squeeze %dma_start3A_382 : memref<1x16x16x128xf32, #tpu.memory_space<vmem>> -> memref<16x16x128xf32, #tpu.memory_space<vmem>>
    %dma_start3A_384 = arith.constant 0 : i32
    %dma_start3A_385 = arith.constant 0 : i32
    %dma_start3A_386 = tpu.memref_slice %dma_start3A_383[%dma_start3A_378, %dma_start3A_384, %dma_start3A_385] : memref<16x16x128xf32, #tpu.memory_space<vmem>> -> memref<1x16x128xf32, #tpu.memory_space<vmem>>
    %dma_start3A_387 = tpu.memref_squeeze %dma_start3A_386 : memref<1x16x128xf32, #tpu.memory_space<vmem>> -> memref<16x128xf32, #tpu.memory_space<vmem>>
    %dma_start3A_388 = arith.constant 0 : i32
    %dma_start3A_389 = tpu.memref_slice %arg2[%dma_start3A_388, %multiple_of3A_376] : memref<16x1000001xf32, #tpu.memory_space<hbm>> -> memref<16x128xf32, #tpu.memory_space<hbm>>
    %dma_start3A_390 = arith.constant 0 : i32
    %dma_start3A_391 = arith.constant 0 : i32
    %dma_start3A_392 = arith.constant 0 : i32
    %dma_start3A_393 = tpu.memref_slice %arg6[%dma_start3A_377, %dma_start3A_390, %dma_start3A_391, %dma_start3A_392] : memref<3x16x16x128xf32, #tpu.memory_space<vmem>> -> memref<1x16x16x128xf32, #tpu.memory_space<vmem>>
    %dma_start3A_394 = tpu.memref_squeeze %dma_start3A_393 : memref<1x16x16x128xf32, #tpu.memory_space<vmem>> -> memref<16x16x128xf32, #tpu.memory_space<vmem>>
    %dma_start3A_395 = arith.constant 0 : i32
    %dma_start3A_396 = arith.constant 0 : i32
    %dma_start3A_397 = tpu.memref_slice %dma_start3A_394[%dma_start3A_378, %dma_start3A_395, %dma_start3A_396] : memref<16x16x128xf32, #tpu.memory_space<vmem>> -> memref<1x16x128xf32, #tpu.memory_space<vmem>>
    %dma_start3A_398 = tpu.memref_squeeze %dma_start3A_397 : memref<1x16x128xf32, #tpu.memory_space<vmem>> -> memref<16x128xf32, #tpu.memory_space<vmem>>
    %dma_start3A_399 = arith.constant 0 : i32
    %dma_start3A_400 = tpu.memref_slice %arg2[%dma_start3A_399, %multiple_of3A_376] : memref<16x1000001xf32, #tpu.memory_space<hbm>> -> memref<16x128xf32, #tpu.memory_space<hbm>>
    tpu.enqueue_dma source(%dma_start3A_400 : memref<16x128xf32, #tpu.memory_space<hbm>>) target(%dma_start3A_398 : memref<16x128xf32, #tpu.memory_space<vmem>>) target_semaphore(%arg8 : memref<!tpu.dma_semaphore, #tpu.memory_space<semaphore_mem>>)
    %slice3A_401 = vector.extract_strided_slice %get3A_3 {offsets = [13], sizes = [1], strides = [1]} : vector<16xi32> to vector<1xi32>
    %squeeze3A_402 = vector.extract %slice3A_401[0] : i32 from vector<1xi32>
    %shift_right_arithmetic3A_403 = arith.constant 7 : i32
    %shift_right_arithmetic3A_404 = arith.shrsi %squeeze3A_402, %shift_right_arithmetic3A_403 : i32
    %shift_left3A_405 = arith.constant 7 : i32
    %shift_left3A_406 = arith.shli %shift_right_arithmetic3A_404, %shift_left3A_405 : i32
    %multiple_of3A_407 = tpu.assume_multiple %shift_left3A_406, 128 : i32
    %dma_start3A_408 = arith.constant 0 : i32
    %dma_start3A_409 = arith.constant 13 : i32
    %dma_start3A_410 = arith.constant 0 : i32
    %dma_start3A_411 = arith.constant 0 : i32
    %dma_start3A_412 = arith.constant 0 : i32
    %dma_start3A_413 = tpu.memref_slice %arg6[%dma_start3A_408, %dma_start3A_410, %dma_start3A_411, %dma_start3A_412] : memref<3x16x16x128xf32, #tpu.memory_space<vmem>> -> memref<1x16x16x128xf32, #tpu.memory_space<vmem>>
    %dma_start3A_414 = tpu.memref_squeeze %dma_start3A_413 : memref<1x16x16x128xf32, #tpu.memory_space<vmem>> -> memref<16x16x128xf32, #tpu.memory_space<vmem>>
    %dma_start3A_415 = arith.constant 0 : i32
    %dma_start3A_416 = arith.constant 0 : i32
    %dma_start3A_417 = tpu.memref_slice %dma_start3A_414[%dma_start3A_409, %dma_start3A_415, %dma_start3A_416] : memref<16x16x128xf32, #tpu.memory_space<vmem>> -> memref<1x16x128xf32, #tpu.memory_space<vmem>>
    %dma_start3A_418 = tpu.memref_squeeze %dma_start3A_417 : memref<1x16x128xf32, #tpu.memory_space<vmem>> -> memref<16x128xf32, #tpu.memory_space<vmem>>
    %dma_start3A_419 = arith.constant 0 : i32
    %dma_start3A_420 = tpu.memref_slice %arg2[%dma_start3A_419, %multiple_of3A_407] : memref<16x1000001xf32, #tpu.memory_space<hbm>> -> memref<16x128xf32, #tpu.memory_space<hbm>>
    %dma_start3A_421 = arith.constant 0 : i32
    %dma_start3A_422 = arith.constant 0 : i32
    %dma_start3A_423 = arith.constant 0 : i32
    %dma_start3A_424 = tpu.memref_slice %arg6[%dma_start3A_408, %dma_start3A_421, %dma_start3A_422, %dma_start3A_423] : memref<3x16x16x128xf32, #tpu.memory_space<vmem>> -> memref<1x16x16x128xf32, #tpu.memory_space<vmem>>
    %dma_start3A_425 = tpu.memref_squeeze %dma_start3A_424 : memref<1x16x16x128xf32, #tpu.memory_space<vmem>> -> memref<16x16x128xf32, #tpu.memory_space<vmem>>
    %dma_start3A_426 = arith.constant 0 : i32
    %dma_start3A_427 = arith.constant 0 : i32
    %dma_start3A_428 = tpu.memref_slice %dma_start3A_425[%dma_start3A_409, %dma_start3A_426, %dma_start3A_427] : memref<16x16x128xf32, #tpu.memory_space<vmem>> -> memref<1x16x128xf32, #tpu.memory_space<vmem>>
    %dma_start3A_429 = tpu.memref_squeeze %dma_start3A_428 : memref<1x16x128xf32, #tpu.memory_space<vmem>> -> memref<16x128xf32, #tpu.memory_space<vmem>>
    %dma_start3A_430 = arith.constant 0 : i32
    %dma_start3A_431 = tpu.memref_slice %arg2[%dma_start3A_430, %multiple_of3A_407] : memref<16x1000001xf32, #tpu.memory_space<hbm>> -> memref<16x128xf32, #tpu.memory_space<hbm>>
    tpu.enqueue_dma source(%dma_start3A_431 : memref<16x128xf32, #tpu.memory_space<hbm>>) target(%dma_start3A_429 : memref<16x128xf32, #tpu.memory_space<vmem>>) target_semaphore(%arg8 : memref<!tpu.dma_semaphore, #tpu.memory_space<semaphore_mem>>)
    %slice3A_432 = vector.extract_strided_slice %get3A_3 {offsets = [14], sizes = [1], strides = [1]} : vector<16xi32> to vector<1xi32>
    %squeeze3A_433 = vector.extract %slice3A_432[0] : i32 from vector<1xi32>
    %shift_right_arithmetic3A_434 = arith.constant 7 : i32
    %shift_right_arithmetic3A_435 = arith.shrsi %squeeze3A_433, %shift_right_arithmetic3A_434 : i32
    %shift_left3A_436 = arith.constant 7 : i32
    %shift_left3A_437 = arith.shli %shift_right_arithmetic3A_435, %shift_left3A_436 : i32
    %multiple_of3A_438 = tpu.assume_multiple %shift_left3A_437, 128 : i32
    %dma_start3A_439 = arith.constant 0 : i32
    %dma_start3A_440 = arith.constant 14 : i32
    %dma_start3A_441 = arith.constant 0 : i32
    %dma_start3A_442 = arith.constant 0 : i32
    %dma_start3A_443 = arith.constant 0 : i32
    %dma_start3A_444 = tpu.memref_slice %arg6[%dma_start3A_439, %dma_start3A_441, %dma_start3A_442, %dma_start3A_443] : memref<3x16x16x128xf32, #tpu.memory_space<vmem>> -> memref<1x16x16x128xf32, #tpu.memory_space<vmem>>
    %dma_start3A_445 = tpu.memref_squeeze %dma_start3A_444 : memref<1x16x16x128xf32, #tpu.memory_space<vmem>> -> memref<16x16x128xf32, #tpu.memory_space<vmem>>
    %dma_start3A_446 = arith.constant 0 : i32
    %dma_start3A_447 = arith.constant 0 : i32
    %dma_start3A_448 = tpu.memref_slice %dma_start3A_445[%dma_start3A_440, %dma_start3A_446, %dma_start3A_447] : memref<16x16x128xf32, #tpu.memory_space<vmem>> -> memref<1x16x128xf32, #tpu.memory_space<vmem>>
    %dma_start3A_449 = tpu.memref_squeeze %dma_start3A_448 : memref<1x16x128xf32, #tpu.memory_space<vmem>> -> memref<16x128xf32, #tpu.memory_space<vmem>>
    %dma_start3A_450 = arith.constant 0 : i32
    %dma_start3A_451 = tpu.memref_slice %arg2[%dma_start3A_450, %multiple_of3A_438] : memref<16x1000001xf32, #tpu.memory_space<hbm>> -> memref<16x128xf32, #tpu.memory_space<hbm>>
    %dma_start3A_452 = arith.constant 0 : i32
    %dma_start3A_453 = arith.constant 0 : i32
    %dma_start3A_454 = arith.constant 0 : i32
    %dma_start3A_455 = tpu.memref_slice %arg6[%dma_start3A_439, %dma_start3A_452, %dma_start3A_453, %dma_start3A_454] : memref<3x16x16x128xf32, #tpu.memory_space<vmem>> -> memref<1x16x16x128xf32, #tpu.memory_space<vmem>>
    %dma_start3A_456 = tpu.memref_squeeze %dma_start3A_455 : memref<1x16x16x128xf32, #tpu.memory_space<vmem>> -> memref<16x16x128xf32, #tpu.memory_space<vmem>>
    %dma_start3A_457 = arith.constant 0 : i32
    %dma_start3A_458 = arith.constant 0 : i32
    %dma_start3A_459 = tpu.memref_slice %dma_start3A_456[%dma_start3A_440, %dma_start3A_457, %dma_start3A_458] : memref<16x16x128xf32, #tpu.memory_space<vmem>> -> memref<1x16x128xf32, #tpu.memory_space<vmem>>
    %dma_start3A_460 = tpu.memref_squeeze %dma_start3A_459 : memref<1x16x128xf32, #tpu.memory_space<vmem>> -> memref<16x128xf32, #tpu.memory_space<vmem>>
    %dma_start3A_461 = arith.constant 0 : i32
    %dma_start3A_462 = tpu.memref_slice %arg2[%dma_start3A_461, %multiple_of3A_438] : memref<16x1000001xf32, #tpu.memory_space<hbm>> -> memref<16x128xf32, #tpu.memory_space<hbm>>
    tpu.enqueue_dma source(%dma_start3A_462 : memref<16x128xf32, #tpu.memory_space<hbm>>) target(%dma_start3A_460 : memref<16x128xf32, #tpu.memory_space<vmem>>) target_semaphore(%arg8 : memref<!tpu.dma_semaphore, #tpu.memory_space<semaphore_mem>>)
    %slice3A_463 = vector.extract_strided_slice %get3A_3 {offsets = [15], sizes = [1], strides = [1]} : vector<16xi32> to vector<1xi32>
    %squeeze3A_464 = vector.extract %slice3A_463[0] : i32 from vector<1xi32>
    %shift_right_arithmetic3A_465 = arith.constant 7 : i32
    %shift_right_arithmetic3A_466 = arith.shrsi %squeeze3A_464, %shift_right_arithmetic3A_465 : i32
    %shift_left3A_467 = arith.constant 7 : i32
    %shift_left3A_468 = arith.shli %shift_right_arithmetic3A_466, %shift_left3A_467 : i32
    %multiple_of3A_469 = tpu.assume_multiple %shift_left3A_468, 128 : i32
    %dma_start3A_470 = arith.constant 0 : i32
    %dma_start3A_471 = arith.constant 15 : i32
    %dma_start3A_472 = arith.constant 0 : i32
    %dma_start3A_473 = arith.constant 0 : i32
    %dma_start3A_474 = arith.constant 0 : i32
    %dma_start3A_475 = tpu.memref_slice %arg6[%dma_start3A_470, %dma_start3A_472, %dma_start3A_473, %dma_start3A_474] : memref<3x16x16x128xf32, #tpu.memory_space<vmem>> -> memref<1x16x16x128xf32, #tpu.memory_space<vmem>>
    %dma_start3A_476 = tpu.memref_squeeze %dma_start3A_475 : memref<1x16x16x128xf32, #tpu.memory_space<vmem>> -> memref<16x16x128xf32, #tpu.memory_space<vmem>>
    %dma_start3A_477 = arith.constant 0 : i32
    %dma_start3A_478 = arith.constant 0 : i32
    %dma_start3A_479 = tpu.memref_slice %dma_start3A_476[%dma_start3A_471, %dma_start3A_477, %dma_start3A_478] : memref<16x16x128xf32, #tpu.memory_space<vmem>> -> memref<1x16x128xf32, #tpu.memory_space<vmem>>
    %dma_start3A_480 = tpu.memref_squeeze %dma_start3A_479 : memref<1x16x128xf32, #tpu.memory_space<vmem>> -> memref<16x128xf32, #tpu.memory_space<vmem>>
    %dma_start3A_481 = arith.constant 0 : i32
    %dma_start3A_482 = tpu.memref_slice %arg2[%dma_start3A_481, %multiple_of3A_469] : memref<16x1000001xf32, #tpu.memory_space<hbm>> -> memref<16x128xf32, #tpu.memory_space<hbm>>
    %dma_start3A_483 = arith.constant 0 : i32
    %dma_start3A_484 = arith.constant 0 : i32
    %dma_start3A_485 = arith.constant 0 : i32
    %dma_start3A_486 = tpu.memref_slice %arg6[%dma_start3A_470, %dma_start3A_483, %dma_start3A_484, %dma_start3A_485] : memref<3x16x16x128xf32, #tpu.memory_space<vmem>> -> memref<1x16x16x128xf32, #tpu.memory_space<vmem>>
    %dma_start3A_487 = tpu.memref_squeeze %dma_start3A_486 : memref<1x16x16x128xf32, #tpu.memory_space<vmem>> -> memref<16x16x128xf32, #tpu.memory_space<vmem>>
    %dma_start3A_488 = arith.constant 0 : i32
    %dma_start3A_489 = arith.constant 0 : i32
    %dma_start3A_490 = tpu.memref_slice %dma_start3A_487[%dma_start3A_471, %dma_start3A_488, %dma_start3A_489] : memref<16x16x128xf32, #tpu.memory_space<vmem>> -> memref<1x16x128xf32, #tpu.memory_space<vmem>>
    %dma_start3A_491 = tpu.memref_squeeze %dma_start3A_490 : memref<1x16x128xf32, #tpu.memory_space<vmem>> -> memref<16x128xf32, #tpu.memory_space<vmem>>
    %dma_start3A_492 = arith.constant 0 : i32
    %dma_start3A_493 = tpu.memref_slice %arg2[%dma_start3A_492, %multiple_of3A_469] : memref<16x1000001xf32, #tpu.memory_space<hbm>> -> memref<16x128xf32, #tpu.memory_space<hbm>>
    tpu.enqueue_dma source(%dma_start3A_493 : memref<16x128xf32, #tpu.memory_space<hbm>>) target(%dma_start3A_491 : memref<16x128xf32, #tpu.memory_space<vmem>>) target_semaphore(%arg8 : memref<!tpu.dma_semaphore, #tpu.memory_space<semaphore_mem>>)
    %get3A_494 = arith.constant 16 : index
    %get3A_495 = tpu.vector_load %arg5[%get3A_494] {strides = array<i32>} : memref<512xi32, #tpu.memory_space<vmem>>, vector<16xi32>,
    %slice3A_496 = vector.extract_strided_slice %get3A_495 {offsets = [0], sizes = [1], strides = [1]} : vector<16xi32> to vector<1xi32>
    %squeeze3A_497 = vector.extract %slice3A_496[0] : i32 from vector<1xi32>
    %shift_right_arithmetic3A_498 = arith.constant 7 : i32
    %shift_right_arithmetic3A_499 = arith.shrsi %squeeze3A_497, %shift_right_arithmetic3A_498 : i32
    %shift_left3A_500 = arith.constant 7 : i32
    %shift_left3A_501 = arith.shli %shift_right_arithmetic3A_499, %shift_left3A_500 : i32
    %multiple_of3A_502 = tpu.assume_multiple %shift_left3A_501, 128 : i32
    %dma_start3A_503 = arith.constant 1 : i32
    %dma_start3A_504 = arith.constant 0 : i32
    %dma_start3A_505 = arith.constant 0 : i32
    %dma_start3A_506 = arith.constant 0 : i32
    %dma_start3A_507 = arith.constant 0 : i32
    %dma_start3A_508 = tpu.memref_slice %arg6[%dma_start3A_503, %dma_start3A_505, %dma_start3A_506, %dma_start3A_507] : memref<3x16x16x128xf32, #tpu.memory_space<vmem>> -> memref<1x16x16x128xf32, #tpu.memory_space<vmem>>
    %dma_start3A_509 = tpu.memref_squeeze %dma_start3A_508 : memref<1x16x16x128xf32, #tpu.memory_space<vmem>> -> memref<16x16x128xf32, #tpu.memory_space<vmem>>
    %dma_start3A_510 = arith.constant 0 : i32
    %dma_start3A_511 = arith.constant 0 : i32
    %dma_start3A_512 = tpu.memref_slice %dma_start3A_509[%dma_start3A_504, %dma_start3A_510, %dma_start3A_511] : memref<16x16x128xf32, #tpu.memory_space<vmem>> -> memref<1x16x128xf32, #tpu.memory_space<vmem>>
    %dma_start3A_513 = tpu.memref_squeeze %dma_start3A_512 : memref<1x16x128xf32, #tpu.memory_space<vmem>> -> memref<16x128xf32, #tpu.memory_space<vmem>>
    %dma_start3A_514 = arith.constant 0 : i32
    %dma_start3A_515 = tpu.memref_slice %arg2[%dma_start3A_514, %multiple_of3A_502] : memref<16x1000001xf32, #tpu.memory_space<hbm>> -> memref<16x128xf32, #tpu.memory_space<hbm>>
    %dma_start3A_516 = arith.constant 0 : i32
    %dma_start3A_517 = arith.constant 0 : i32
    %dma_start3A_518 = arith.constant 0 : i32
    %dma_start3A_519 = tpu.memref_slice %arg6[%dma_start3A_503, %dma_start3A_516, %dma_start3A_517, %dma_start3A_518] : memref<3x16x16x128xf32, #tpu.memory_space<vmem>> -> memref<1x16x16x128xf32, #tpu.memory_space<vmem>>
    %dma_start3A_520 = tpu.memref_squeeze %dma_start3A_519 : memref<1x16x16x128xf32, #tpu.memory_space<vmem>> -> memref<16x16x128xf32, #tpu.memory_space<vmem>>
    %dma_start3A_521 = arith.constant 0 : i32
    %dma_start3A_522 = arith.constant 0 : i32
    %dma_start3A_523 = tpu.memref_slice %dma_start3A_520[%dma_start3A_504, %dma_start3A_521, %dma_start3A_522] : memref<16x16x128xf32, #tpu.memory_space<vmem>> -> memref<1x16x128xf32, #tpu.memory_space<vmem>>
    %dma_start3A_524 = tpu.memref_squeeze %dma_start3A_523 : memref<1x16x128xf32, #tpu.memory_space<vmem>> -> memref<16x128xf32, #tpu.memory_space<vmem>>
    %dma_start3A_525 = arith.constant 0 : i32
    %dma_start3A_526 = tpu.memref_slice %arg2[%dma_start3A_525, %multiple_of3A_502] : memref<16x1000001xf32, #tpu.memory_space<hbm>> -> memref<16x128xf32, #tpu.memory_space<hbm>>
    tpu.enqueue_dma source(%dma_start3A_526 : memref<16x128xf32, #tpu.memory_space<hbm>>) target(%dma_start3A_524 : memref<16x128xf32, #tpu.memory_space<vmem>>) target_semaphore(%arg8 : memref<!tpu.dma_semaphore, #tpu.memory_space<semaphore_mem>>)
    %slice3A_527 = vector.extract_strided_slice %get3A_495 {offsets = [1], sizes = [1], strides = [1]} : vector<16xi32> to vector<1xi32>
    %squeeze3A_528 = vector.extract %slice3A_527[0] : i32 from vector<1xi32>
    %shift_right_arithmetic3A_529 = arith.constant 7 : i32
    %shift_right_arithmetic3A_530 = arith.shrsi %squeeze3A_528, %shift_right_arithmetic3A_529 : i32
    %shift_left3A_531 = arith.constant 7 : i32
    %shift_left3A_532 = arith.shli %shift_right_arithmetic3A_530, %shift_left3A_531 : i32
    %multiple_of3A_533 = tpu.assume_multiple %shift_left3A_532, 128 : i32
    %dma_start3A_534 = arith.constant 1 : i32
    %dma_start3A_535 = arith.constant 1 : i32
    %dma_start3A_536 = arith.constant 0 : i32
    %dma_start3A_537 = arith.constant 0 : i32
    %dma_start3A_538 = arith.constant 0 : i32
    %dma_start3A_539 = tpu.memref_slice %arg6[%dma_start3A_534, %dma_start3A_536, %dma_start3A_537, %dma_start3A_538] : memref<3x16x16x128xf32, #tpu.memory_space<vmem>> -> memref<1x16x16x128xf32, #tpu.memory_space<vmem>>
    %dma_start3A_540 = tpu.memref_squeeze %dma_start3A_539 : memref<1x16x16x128xf32, #tpu.memory_space<vmem>> -> memref<16x16x128xf32, #tpu.memory_space<vmem>>
    %dma_start3A_541 = arith.constant 0 : i32
    %dma_start3A_542 = arith.constant 0 : i32
    %dma_start3A_543 = tpu.memref_slice %dma_start3A_540[%dma_start3A_535, %dma_start3A_541, %dma_start3A_542] : memref<16x16x128xf32, #tpu.memory_space<vmem>> -> memref<1x16x128xf32, #tpu.memory_space<vmem>>
    %dma_start3A_544 = tpu.memref_squeeze %dma_start3A_543 : memref<1x16x128xf32, #tpu.memory_space<vmem>> -> memref<16x128xf32, #tpu.memory_space<vmem>>
    %dma_start3A_545 = arith.constant 0 : i32
    %dma_start3A_546 = tpu.memref_slice %arg2[%dma_start3A_545, %multiple_of3A_533] : memref<16x1000001xf32, #tpu.memory_space<hbm>> -> memref<16x128xf32, #tpu.memory_space<hbm>>
    %dma_start3A_547 = arith.constant 0 : i32
    %dma_start3A_548 = arith.constant 0 : i32
    %dma_start3A_549 = arith.constant 0 : i32
    %dma_start3A_550 = tpu.memref_slice %arg6[%dma_start3A_534, %dma_start3A_547, %dma_start3A_548, %dma_start3A_549] : memref<3x16x16x128xf32, #tpu.memory_space<vmem>> -> memref<1x16x16x128xf32, #tpu.memory_space<vmem>>
    %dma_start3A_551 = tpu.memref_squeeze %dma_start3A_550 : memref<1x16x16x128xf32, #tpu.memory_space<vmem>> -> memref<16x16x128xf32, #tpu.memory_space<vmem>>
    %dma_start3A_552 = arith.constant 0 : i32
    %dma_start3A_553 = arith.constant 0 : i32
    %dma_start3A_554 = tpu.memref_slice %dma_start3A_551[%dma_start3A_535, %dma_start3A_552, %dma_start3A_553] : memref<16x16x128xf32, #tpu.memory_space<vmem>> -> memref<1x16x128xf32, #tpu.memory_space<vmem>>
    %dma_start3A_555 = tpu.memref_squeeze %dma_start3A_554 : memref<1x16x128xf32, #tpu.memory_space<vmem>> -> memref<16x128xf32, #tpu.memory_space<vmem>>
    %dma_start3A_556 = arith.constant 0 : i32
    %dma_start3A_557 = tpu.memref_slice %arg2[%dma_start3A_556, %multiple_of3A_533] : memref<16x1000001xf32, #tpu.memory_space<hbm>> -> memref<16x128xf32, #tpu.memory_space<hbm>>
    tpu.enqueue_dma source(%dma_start3A_557 : memref<16x128xf32, #tpu.memory_space<hbm>>) target(%dma_start3A_555 : memref<16x128xf32, #tpu.memory_space<vmem>>) target_semaphore(%arg8 : memref<!tpu.dma_semaphore, #tpu.memory_space<semaphore_mem>>)
    %slice3A_558 = vector.extract_strided_slice %get3A_495 {offsets = [2], sizes = [1], strides = [1]} : vector<16xi32> to vector<1xi32>
    %squeeze3A_559 = vector.extract %slice3A_558[0] : i32 from vector<1xi32>
    %shift_right_arithmetic3A_560 = arith.constant 7 : i32
    %shift_right_arithmetic3A_561 = arith.shrsi %squeeze3A_559, %shift_right_arithmetic3A_560 : i32
    %shift_left3A_562 = arith.constant 7 : i32
    %shift_left3A_563 = arith.shli %shift_right_arithmetic3A_561, %shift_left3A_562 : i32
    %multiple_of3A_564 = tpu.assume_multiple %shift_left3A_563, 128 : i32
    %dma_start3A_565 = arith.constant 1 : i32
    %dma_start3A_566 = arith.constant 2 : i32
    %dma_start3A_567 = arith.constant 0 : i32
    %dma_start3A_568 = arith.constant 0 : i32
    %dma_start3A_569 = arith.constant 0 : i32
    %dma_start3A_570 = tpu.memref_slice %arg6[%dma_start3A_565, %dma_start3A_567, %dma_start3A_568, %dma_start3A_569] : memref<3x16x16x128xf32, #tpu.memory_space<vmem>> -> memref<1x16x16x128xf32, #tpu.memory_space<vmem>>
    %dma_start3A_571 = tpu.memref_squeeze %dma_start3A_570 : memref<1x16x16x128xf32, #tpu.memory_space<vmem>> -> memref<16x16x128xf32, #tpu.memory_space<vmem>>
    %dma_start3A_572 = arith.constant 0 : i32
    %dma_start3A_573 = arith.constant 0 : i32
    %dma_start3A_574 = tpu.memref_slice %dma_start3A_571[%dma_start3A_566, %dma_start3A_572, %dma_start3A_573] : memref<16x16x128xf32, #tpu.memory_space<vmem>> -> memref<1x16x128xf32, #tpu.memory_space<vmem>>
    %dma_start3A_575 = tpu.memref_squeeze %dma_start3A_574 : memref<1x16x128xf32, #tpu.memory_space<vmem>> -> memref<16x128xf32, #tpu.memory_space<vmem>>
    %dma_start3A_576 = arith.constant 0 : i32
    %dma_start3A_577 = tpu.memref_slice %arg2[%dma_start3A_576, %multiple_of3A_564] : memref<16x1000001xf32, #tpu.memory_space<hbm>> -> memref<16x128xf32, #tpu.memory_space<hbm>>
    %dma_start3A_578 = arith.constant 0 : i32
    %dma_start3A_579 = arith.constant 0 : i32
    %dma_start3A_580 = arith.constant 0 : i32
    %dma_start3A_581 = tpu.memref_slice %arg6[%dma_start3A_565, %dma_start3A_578, %dma_start3A_579, %dma_start3A_580] : memref<3x16x16x128xf32, #tpu.memory_space<vmem>> -> memref<1x16x16x128xf32, #tpu.memory_space<vmem>>
    %dma_start3A_582 = tpu.memref_squeeze %dma_start3A_581 : memref<1x16x16x128xf32, #tpu.memory_space<vmem>> -> memref<16x16x128xf32, #tpu.memory_space<vmem>>
    %dma_start3A_583 = arith.constant 0 : i32
    %dma_start3A_584 = arith.constant 0 : i32
    %dma_start3A_585 = tpu.memref_slice %dma_start3A_582[%dma_start3A_566, %dma_start3A_583, %dma_start3A_584] : memref<16x16x128xf32, #tpu.memory_space<vmem>> -> memref<1x16x128xf32, #tpu.memory_space<vmem>>
    %dma_start3A_586 = tpu.memref_squeeze %dma_start3A_585 : memref<1x16x128xf32, #tpu.memory_space<vmem>> -> memref<16x128xf32, #tpu.memory_space<vmem>>
    %dma_start3A_587 = arith.constant 0 : i32
    %dma_start3A_588 = tpu.memref_slice %arg2[%dma_start3A_587, %multiple_of3A_564] : memref<16x1000001xf32, #tpu.memory_space<hbm>> -> memref<16x128xf32, #tpu.memory_space<hbm>>
    tpu.enqueue_dma source(%dma_start3A_588 : memref<16x128xf32, #tpu.memory_space<hbm>>) target(%dma_start3A_586 : memref<16x128xf32, #tpu.memory_space<vmem>>) target_semaphore(%arg8 : memref<!tpu.dma_semaphore, #tpu.memory_space<semaphore_mem>>)
    %slice3A_589 = vector.extract_strided_slice %get3A_495 {offsets = [3], sizes = [1], strides = [1]} : vector<16xi32> to vector<1xi32>
    %squeeze3A_590 = vector.extract %slice3A_589[0] : i32 from vector<1xi32>
    %shift_right_arithmetic3A_591 = arith.constant 7 : i32
    %shift_right_arithmetic3A_592 = arith.shrsi %squeeze3A_590, %shift_right_arithmetic3A_591 : i32
    %shift_left3A_593 = arith.constant 7 : i32
    %shift_left3A_594 = arith.shli %shift_right_arithmetic3A_592, %shift_left3A_593 : i32
    %multiple_of3A_595 = tpu.assume_multiple %shift_left3A_594, 128 : i32
    %dma_start3A_596 = arith.constant 1 : i32
    %dma_start3A_597 = arith.constant 3 : i32
    %dma_start3A_598 = arith.constant 0 : i32
    %dma_start3A_599 = arith.constant 0 : i32
    %dma_start3A_600 = arith.constant 0 : i32
    %dma_start3A_601 = tpu.memref_slice %arg6[%dma_start3A_596, %dma_start3A_598, %dma_start3A_599, %dma_start3A_600] : memref<3x16x16x128xf32, #tpu.memory_space<vmem>> -> memref<1x16x16x128xf32, #tpu.memory_space<vmem>>
    %dma_start3A_602 = tpu.memref_squeeze %dma_start3A_601 : memref<1x16x16x128xf32, #tpu.memory_space<vmem>> -> memref<16x16x128xf32, #tpu.memory_space<vmem>>
    %dma_start3A_603 = arith.constant 0 : i32
    %dma_start3A_604 = arith.constant 0 : i32
    %dma_start3A_605 = tpu.memref_slice %dma_start3A_602[%dma_start3A_597, %dma_start3A_603, %dma_start3A_604] : memref<16x16x128xf32, #tpu.memory_space<vmem>> -> memref<1x16x128xf32, #tpu.memory_space<vmem>>
    %dma_start3A_606 = tpu.memref_squeeze %dma_start3A_605 : memref<1x16x128xf32, #tpu.memory_space<vmem>> -> memref<16x128xf32, #tpu.memory_space<vmem>>
    %dma_start3A_607 = arith.constant 0 : i32
    %dma_start3A_608 = tpu.memref_slice %arg2[%dma_start3A_607, %multiple_of3A_595] : memref<16x1000001xf32, #tpu.memory_space<hbm>> -> memref<16x128xf32, #tpu.memory_space<hbm>>
    %dma_start3A_609 = arith.constant 0 : i32
    %dma_start3A_610 = arith.constant 0 : i32
    %dma_start3A_611 = arith.constant 0 : i32
    %dma_start3A_612 = tpu.memref_slice %arg6[%dma_start3A_596, %dma_start3A_609, %dma_start3A_610, %dma_start3A_611] : memref<3x16x16x128xf32, #tpu.memory_space<vmem>> -> memref<1x16x16x128xf32, #tpu.memory_space<vmem>>
    %dma_start3A_613 = tpu.memref_squeeze %dma_start3A_612 : memref<1x16x16x128xf32, #tpu.memory_space<vmem>> -> memref<16x16x128xf32, #tpu.memory_space<vmem>>
    %dma_start3A_614 = arith.constant 0 : i32
    %dma_start3A_615 = arith.constant 0 : i32
    %dma_start3A_616 = tpu.memref_slice %dma_start3A_613[%dma_start3A_597, %dma_start3A_614, %dma_start3A_615] : memref<16x16x128xf32, #tpu.memory_space<vmem>> -> memref<1x16x128xf32, #tpu.memory_space<vmem>>
    %dma_start3A_617 = tpu.memref_squeeze %dma_start3A_616 : memref<1x16x128xf32, #tpu.memory_space<vmem>> -> memref<16x128xf32, #tpu.memory_space<vmem>>
    %dma_start3A_618 = arith.constant 0 : i32
    %dma_start3A_619 = tpu.memref_slice %arg2[%dma_start3A_618, %multiple_of3A_595] : memref<16x1000001xf32, #tpu.memory_space<hbm>> -> memref<16x128xf32, #tpu.memory_space<hbm>>
    tpu.enqueue_dma source(%dma_start3A_619 : memref<16x128xf32, #tpu.memory_space<hbm>>) target(%dma_start3A_617 : memref<16x128xf32, #tpu.memory_space<vmem>>) target_semaphore(%arg8 : memref<!tpu.dma_semaphore, #tpu.memory_space<semaphore_mem>>)
    %slice3A_620 = vector.extract_strided_slice %get3A_495 {offsets = [4], sizes = [1], strides = [1]} : vector<16xi32> to vector<1xi32>
    %squeeze3A_621 = vector.extract %slice3A_620[0] : i32 from vector<1xi32>
    %shift_right_arithmetic3A_622 = arith.constant 7 : i32
    %shift_right_arithmetic3A_623 = arith.shrsi %squeeze3A_621, %shift_right_arithmetic3A_622 : i32
    %shift_left3A_624 = arith.constant 7 : i32
    %shift_left3A_625 = arith.shli %shift_right_arithmetic3A_623, %shift_left3A_624 : i32
    %multiple_of3A_626 = tpu.assume_multiple %shift_left3A_625, 128 : i32
    %dma_start3A_627 = arith.constant 1 : i32
    %dma_start3A_628 = arith.constant 4 : i32
    %dma_start3A_629 = arith.constant 0 : i32
    %dma_start3A_630 = arith.constant 0 : i32
    %dma_start3A_631 = arith.constant 0 : i32
    %dma_start3A_632 = tpu.memref_slice %arg6[%dma_start3A_627, %dma_start3A_629, %dma_start3A_630, %dma_start3A_631] : memref<3x16x16x128xf32, #tpu.memory_space<vmem>> -> memref<1x16x16x128xf32, #tpu.memory_space<vmem>>
    %dma_start3A_633 = tpu.memref_squeeze %dma_start3A_632 : memref<1x16x16x128xf32, #tpu.memory_space<vmem>> -> memref<16x16x128xf32, #tpu.memory_space<vmem>>
    %dma_start3A_634 = arith.constant 0 : i32
    %dma_start3A_635 = arith.constant 0 : i32
    %dma_start3A_636 = tpu.memref_slice %dma_start3A_633[%dma_start3A_628, %dma_start3A_634, %dma_start3A_635] : memref<16x16x128xf32, #tpu.memory_space<vmem>> -> memref<1x16x128xf32, #tpu.memory_space<vmem>>
    %dma_start3A_637 = tpu.memref_squeeze %dma_start3A_636 : memref<1x16x128xf32, #tpu.memory_space<vmem>> -> memref<16x128xf32, #tpu.memory_space<vmem>>
    %dma_start3A_638 = arith.constant 0 : i32
    %dma_start3A_639 = tpu.memref_slice %arg2[%dma_start3A_638, %multiple_of3A_626] : memref<16x1000001xf32, #tpu.memory_space<hbm>> -> memref<16x128xf32, #tpu.memory_space<hbm>>
    %dma_start3A_640 = arith.constant 0 : i32
    %dma_start3A_641 = arith.constant 0 : i32
    %dma_start3A_642 = arith.constant 0 : i32
    %dma_start3A_643 = tpu.memref_slice %arg6[%dma_start3A_627, %dma_start3A_640, %dma_start3A_641, %dma_start3A_642] : memref<3x16x16x128xf32, #tpu.memory_space<vmem>> -> memref<1x16x16x128xf32, #tpu.memory_space<vmem>>
    %dma_start3A_644 = tpu.memref_squeeze %dma_start3A_643 : memref<1x16x16x128xf32, #tpu.memory_space<vmem>> -> memref<16x16x128xf32, #tpu.memory_space<vmem>>
    %dma_start3A_645 = arith.constant 0 : i32
    %dma_start3A_646 = arith.constant 0 : i32
    %dma_start3A_647 = tpu.memref_slice %dma_start3A_644[%dma_start3A_628, %dma_start3A_645, %dma_start3A_646] : memref<16x16x128xf32, #tpu.memory_space<vmem>> -> memref<1x16x128xf32, #tpu.memory_space<vmem>>
    %dma_start3A_648 = tpu.memref_squeeze %dma_start3A_647 : memref<1x16x128xf32, #tpu.memory_space<vmem>> -> memref<16x128xf32, #tpu.memory_space<vmem>>
    %dma_start3A_649 = arith.constant 0 : i32
    %dma_start3A_650 = tpu.memref_slice %arg2[%dma_start3A_649, %multiple_of3A_626] : memref<16x1000001xf32, #tpu.memory_space<hbm>> -> memref<16x128xf32, #tpu.memory_space<hbm>>
    tpu.enqueue_dma source(%dma_start3A_650 : memref<16x128xf32, #tpu.memory_space<hbm>>) target(%dma_start3A_648 : memref<16x128xf32, #tpu.memory_space<vmem>>) target_semaphore(%arg8 : memref<!tpu.dma_semaphore, #tpu.memory_space<semaphore_mem>>)
    %slice3A_651 = vector.extract_strided_slice %get3A_495 {offsets = [5], sizes = [1], strides = [1]} : vector<16xi32> to vector<1xi32>
    %squeeze3A_652 = vector.extract %slice3A_651[0] : i32 from vector<1xi32>
    %shift_right_arithmetic3A_653 = arith.constant 7 : i32
    %shift_right_arithmetic3A_654 = arith.shrsi %squeeze3A_652, %shift_right_arithmetic3A_653 : i32
    %shift_left3A_655 = arith.constant 7 : i32
    %shift_left3A_656 = arith.shli %shift_right_arithmetic3A_654, %shift_left3A_655 : i32
    %multiple_of3A_657 = tpu.assume_multiple %shift_left3A_656, 128 : i32
    %dma_start3A_658 = arith.constant 1 : i32
    %dma_start3A_659 = arith.constant 5 : i32
    %dma_start3A_660 = arith.constant 0 : i32
    %dma_start3A_661 = arith.constant 0 : i32
    %dma_start3A_662 = arith.constant 0 : i32
    %dma_start3A_663 = tpu.memref_slice %arg6[%dma_start3A_658, %dma_start3A_660, %dma_start3A_661, %dma_start3A_662] : memref<3x16x16x128xf32, #tpu.memory_space<vmem>> -> memref<1x16x16x128xf32, #tpu.memory_space<vmem>>
    %dma_start3A_664 = tpu.memref_squeeze %dma_start3A_663 : memref<1x16x16x128xf32, #tpu.memory_space<vmem>> -> memref<16x16x128xf32, #tpu.memory_space<vmem>>
    %dma_start3A_665 = arith.constant 0 : i32
    %dma_start3A_666 = arith.constant 0 : i32
    %dma_start3A_667 = tpu.memref_slice %dma_start3A_664[%dma_start3A_659, %dma_start3A_665, %dma_start3A_666] : memref<16x16x128xf32, #tpu.memory_space<vmem>> -> memref<1x16x128xf32, #tpu.memory_space<vmem>>
    %dma_start3A_668 = tpu.memref_squeeze %dma_start3A_667 : memref<1x16x128xf32, #tpu.memory_space<vmem>> -> memref<16x128xf32, #tpu.memory_space<vmem>>
    %dma_start3A_669 = arith.constant 0 : i32
    %dma_start3A_670 = tpu.memref_slice %arg2[%dma_start3A_669, %multiple_of3A_657] : memref<16x1000001xf32, #tpu.memory_space<hbm>> -> memref<16x128xf32, #tpu.memory_space<hbm>>
    %dma_start3A_671 = arith.constant 0 : i32
    %dma_start3A_672 = arith.constant 0 : i32
    %dma_start3A_673 = arith.constant 0 : i32
    %dma_start3A_674 = tpu.memref_slice %arg6[%dma_start3A_658, %dma_start3A_671, %dma_start3A_672, %dma_start3A_673] : memref<3x16x16x128xf32, #tpu.memory_space<vmem>> -> memref<1x16x16x128xf32, #tpu.memory_space<vmem>>
    %dma_start3A_675 = tpu.memref_squeeze %dma_start3A_674 : memref<1x16x16x128xf32, #tpu.memory_space<vmem>> -> memref<16x16x128xf32, #tpu.memory_space<vmem>>
    %dma_start3A_676 = arith.constant 0 : i32
    %dma_start3A_677 = arith.constant 0 : i32
    %dma_start3A_678 = tpu.memref_slice %dma_start3A_675[%dma_start3A_659, %dma_start3A_676, %dma_start3A_677] : memref<16x16x128xf32, #tpu.memory_space<vmem>> -> memref<1x16x128xf32, #tpu.memory_space<vmem>>
    %dma_start3A_679 = tpu.memref_squeeze %dma_start3A_678 : memref<1x16x128xf32, #tpu.memory_space<vmem>> -> memref<16x128xf32, #tpu.memory_space<vmem>>
    %dma_start3A_680 = arith.constant 0 : i32
    %dma_start3A_681 = tpu.memref_slice %arg2[%dma_start3A_680, %multiple_of3A_657] : memref<16x1000001xf32, #tpu.memory_space<hbm>> -> memref<16x128xf32, #tpu.memory_space<hbm>>
    tpu.enqueue_dma source(%dma_start3A_681 : memref<16x128xf32, #tpu.memory_space<hbm>>) target(%dma_start3A_679 : memref<16x128xf32, #tpu.memory_space<vmem>>) target_semaphore(%arg8 : memref<!tpu.dma_semaphore, #tpu.memory_space<semaphore_mem>>)
    %slice3A_682 = vector.extract_strided_slice %get3A_495 {offsets = [6], sizes = [1], strides = [1]} : vector<16xi32> to vector<1xi32>
    %squeeze3A_683 = vector.extract %slice3A_682[0] : i32 from vector<1xi32>
    %shift_right_arithmetic3A_684 = arith.constant 7 : i32
    %shift_right_arithmetic3A_685 = arith.shrsi %squeeze3A_683, %shift_right_arithmetic3A_684 : i32
    %shift_left3A_686 = arith.constant 7 : i32
    %shift_left3A_687 = arith.shli %shift_right_arithmetic3A_685, %shift_left3A_686 : i32
    %multiple_of3A_688 = tpu.assume_multiple %shift_left3A_687, 128 : i32
    %dma_start3A_689 = arith.constant 1 : i32
    %dma_start3A_690 = arith.constant 6 : i32
    %dma_start3A_691 = arith.constant 0 : i32
    %dma_start3A_692 = arith.constant 0 : i32
    %dma_start3A_693 = arith.constant 0 : i32
    %dma_start3A_694 = tpu.memref_slice %arg6[%dma_start3A_689, %dma_start3A_691, %dma_start3A_692, %dma_start3A_693] : memref<3x16x16x128xf32, #tpu.memory_space<vmem>> -> memref<1x16x16x128xf32, #tpu.memory_space<vmem>>
    %dma_start3A_695 = tpu.memref_squeeze %dma_start3A_694 : memref<1x16x16x128xf32, #tpu.memory_space<vmem>> -> memref<16x16x128xf32, #tpu.memory_space<vmem>>
    %dma_start3A_696 = arith.constant 0 : i32
    %dma_start3A_697 = arith.constant 0 : i32
    %dma_start3A_698 = tpu.memref_slice %dma_start3A_695[%dma_start3A_690, %dma_start3A_696, %dma_start3A_697] : memref<16x16x128xf32, #tpu.memory_space<vmem>> -> memref<1x16x128xf32, #tpu.memory_space<vmem>>
    %dma_start3A_699 = tpu.memref_squeeze %dma_start3A_698 : memref<1x16x128xf32, #tpu.memory_space<vmem>> -> memref<16x128xf32, #tpu.memory_space<vmem>>
    %dma_start3A_700 = arith.constant 0 : i32
    %dma_start3A_701 = tpu.memref_slice %arg2[%dma_start3A_700, %multiple_of3A_688] : memref<16x1000001xf32, #tpu.memory_space<hbm>> -> memref<16x128xf32, #tpu.memory_space<hbm>>
    %dma_start3A_702 = arith.constant 0 : i32
    %dma_start3A_703 = arith.constant 0 : i32
    %dma_start3A_704 = arith.constant 0 : i32
    %dma_start3A_705 = tpu.memref_slice %arg6[%dma_start3A_689, %dma_start3A_702, %dma_start3A_703, %dma_start3A_704] : memref<3x16x16x128xf32, #tpu.memory_space<vmem>> -> memref<1x16x16x128xf32, #tpu.memory_space<vmem>>
    %dma_start3A_706 = tpu.memref_squeeze %dma_start3A_705 : memref<1x16x16x128xf32, #tpu.memory_space<vmem>> -> memref<16x16x128xf32, #tpu.memory_space<vmem>>
    %dma_start3A_707 = arith.constant 0 : i32
    %dma_start3A_708 = arith.constant 0 : i32
    %dma_start3A_709 = tpu.memref_slice %dma_start3A_706[%dma_start3A_690, %dma_start3A_707, %dma_start3A_708] : memref<16x16x128xf32, #tpu.memory_space<vmem>> -> memref<1x16x128xf32, #tpu.memory_space<vmem>>
    %dma_start3A_710 = tpu.memref_squeeze %dma_start3A_709 : memref<1x16x128xf32, #tpu.memory_space<vmem>> -> memref<16x128xf32, #tpu.memory_space<vmem>>
    %dma_start3A_711 = arith.constant 0 : i32
    %dma_start3A_712 = tpu.memref_slice %arg2[%dma_start3A_711, %multiple_of3A_688] : memref<16x1000001xf32, #tpu.memory_space<hbm>> -> memref<16x128xf32, #tpu.memory_space<hbm>>
    tpu.enqueue_dma source(%dma_start3A_712 : memref<16x128xf32, #tpu.memory_space<hbm>>) target(%dma_start3A_710 : memref<16x128xf32, #tpu.memory_space<vmem>>) target_semaphore(%arg8 : memref<!tpu.dma_semaphore, #tpu.memory_space<semaphore_mem>>)
    %slice3A_713 = vector.extract_strided_slice %get3A_495 {offsets = [7], sizes = [1], strides = [1]} : vector<16xi32> to vector<1xi32>
    %squeeze3A_714 = vector.extract %slice3A_713[0] : i32 from vector<1xi32>
    %shift_right_arithmetic3A_715 = arith.constant 7 : i32
    %shift_right_arithmetic3A_716 = arith.shrsi %squeeze3A_714, %shift_right_arithmetic3A_715 : i32
    %shift_left3A_717 = arith.constant 7 : i32
    %shift_left3A_718 = arith.shli %shift_right_arithmetic3A_716, %shift_left3A_717 : i32
    %multiple_of3A_719 = tpu.assume_multiple %shift_left3A_718, 128 : i32
    %dma_start3A_720 = arith.constant 1 : i32
    %dma_start3A_721 = arith.constant 7 : i32
    %dma_start3A_722 = arith.constant 0 : i32
    %dma_start3A_723 = arith.constant 0 : i32
    %dma_start3A_724 = arith.constant 0 : i32
    %dma_start3A_725 = tpu.memref_slice %arg6[%dma_start3A_720, %dma_start3A_722, %dma_start3A_723, %dma_start3A_724] : memref<3x16x16x128xf32, #tpu.memory_space<vmem>> -> memref<1x16x16x128xf32, #tpu.memory_space<vmem>>
    %dma_start3A_726 = tpu.memref_squeeze %dma_start3A_725 : memref<1x16x16x128xf32, #tpu.memory_space<vmem>> -> memref<16x16x128xf32, #tpu.memory_space<vmem>>
    %dma_start3A_727 = arith.constant 0 : i32
    %dma_start3A_728 = arith.constant 0 : i32
    %dma_start3A_729 = tpu.memref_slice %dma_start3A_726[%dma_start3A_721, %dma_start3A_727, %dma_start3A_728] : memref<16x16x128xf32, #tpu.memory_space<vmem>> -> memref<1x16x128xf32, #tpu.memory_space<vmem>>
    %dma_start3A_730 = tpu.memref_squeeze %dma_start3A_729 : memref<1x16x128xf32, #tpu.memory_space<vmem>> -> memref<16x128xf32, #tpu.memory_space<vmem>>
    %dma_start3A_731 = arith.constant 0 : i32
    %dma_start3A_732 = tpu.memref_slice %arg2[%dma_start3A_731, %multiple_of3A_719] : memref<16x1000001xf32, #tpu.memory_space<hbm>> -> memref<16x128xf32, #tpu.memory_space<hbm>>
    %dma_start3A_733 = arith.constant 0 : i32
    %dma_start3A_734 = arith.constant 0 : i32
    %dma_start3A_735 = arith.constant 0 : i32
    %dma_start3A_736 = tpu.memref_slice %arg6[%dma_start3A_720, %dma_start3A_733, %dma_start3A_734, %dma_start3A_735] : memref<3x16x16x128xf32, #tpu.memory_space<vmem>> -> memref<1x16x16x128xf32, #tpu.memory_space<vmem>>
    %dma_start3A_737 = tpu.memref_squeeze %dma_start3A_736 : memref<1x16x16x128xf32, #tpu.memory_space<vmem>> -> memref<16x16x128xf32, #tpu.memory_space<vmem>>
    %dma_start3A_738 = arith.constant 0 : i32
    %dma_start3A_739 = arith.constant 0 : i32
    %dma_start3A_740 = tpu.memref_slice %dma_start3A_737[%dma_start3A_721, %dma_start3A_738, %dma_start3A_739] : memref<16x16x128xf32, #tpu.memory_space<vmem>> -> memref<1x16x128xf32, #tpu.memory_space<vmem>>
    %dma_start3A_741 = tpu.memref_squeeze %dma_start3A_740 : memref<1x16x128xf32, #tpu.memory_space<vmem>> -> memref<16x128xf32, #tpu.memory_space<vmem>>
    %dma_start3A_742 = arith.constant 0 : i32
    %dma_start3A_743 = tpu.memref_slice %arg2[%dma_start3A_742, %multiple_of3A_719] : memref<16x1000001xf32, #tpu.memory_space<hbm>> -> memref<16x128xf32, #tpu.memory_space<hbm>>
    tpu.enqueue_dma source(%dma_start3A_743 : memref<16x128xf32, #tpu.memory_space<hbm>>) target(%dma_start3A_741 : memref<16x128xf32, #tpu.memory_space<vmem>>) target_semaphore(%arg8 : memref<!tpu.dma_semaphore, #tpu.memory_space<semaphore_mem>>)
    %slice3A_744 = vector.extract_strided_slice %get3A_495 {offsets = [8], sizes = [1], strides = [1]} : vector<16xi32> to vector<1xi32>
    %squeeze3A_745 = vector.extract %slice3A_744[0] : i32 from vector<1xi32>
    %shift_right_arithmetic3A_746 = arith.constant 7 : i32
    %shift_right_arithmetic3A_747 = arith.shrsi %squeeze3A_745, %shift_right_arithmetic3A_746 : i32
    %shift_left3A_748 = arith.constant 7 : i32
    %shift_left3A_749 = arith.shli %shift_right_arithmetic3A_747, %shift_left3A_748 : i32
    %multiple_of3A_750 = tpu.assume_multiple %shift_left3A_749, 128 : i32
    %dma_start3A_751 = arith.constant 1 : i32
    %dma_start3A_752 = arith.constant 8 : i32
    %dma_start3A_753 = arith.constant 0 : i32
    %dma_start3A_754 = arith.constant 0 : i32
    %dma_start3A_755 = arith.constant 0 : i32
    %dma_start3A_756 = tpu.memref_slice %arg6[%dma_start3A_751, %dma_start3A_753, %dma_start3A_754, %dma_start3A_755] : memref<3x16x16x128xf32, #tpu.memory_space<vmem>> -> memref<1x16x16x128xf32, #tpu.memory_space<vmem>>
    %dma_start3A_757 = tpu.memref_squeeze %dma_start3A_756 : memref<1x16x16x128xf32, #tpu.memory_space<vmem>> -> memref<16x16x128xf32, #tpu.memory_space<vmem>>
    %dma_start3A_758 = arith.constant 0 : i32
    %dma_start3A_759 = arith.constant 0 : i32
    %dma_start3A_760 = tpu.memref_slice %dma_start3A_757[%dma_start3A_752, %dma_start3A_758, %dma_start3A_759] : memref<16x16x128xf32, #tpu.memory_space<vmem>> -> memref<1x16x128xf32, #tpu.memory_space<vmem>>
    %dma_start3A_761 = tpu.memref_squeeze %dma_start3A_760 : memref<1x16x128xf32, #tpu.memory_space<vmem>> -> memref<16x128xf32, #tpu.memory_space<vmem>>
    %dma_start3A_762 = arith.constant 0 : i32
    %dma_start3A_763 = tpu.memref_slice %arg2[%dma_start3A_762, %multiple_of3A_750] : memref<16x1000001xf32, #tpu.memory_space<hbm>> -> memref<16x128xf32, #tpu.memory_space<hbm>>
    %dma_start3A_764 = arith.constant 0 : i32
    %dma_start3A_765 = arith.constant 0 : i32
    %dma_start3A_766 = arith.constant 0 : i32
    %dma_start3A_767 = tpu.memref_slice %arg6[%dma_start3A_751, %dma_start3A_764, %dma_start3A_765, %dma_start3A_766] : memref<3x16x16x128xf32, #tpu.memory_space<vmem>> -> memref<1x16x16x128xf32, #tpu.memory_space<vmem>>
    %dma_start3A_768 = tpu.memref_squeeze %dma_start3A_767 : memref<1x16x16x128xf32, #tpu.memory_space<vmem>> -> memref<16x16x128xf32, #tpu.memory_space<vmem>>
    %dma_start3A_769 = arith.constant 0 : i32
    %dma_start3A_770 = arith.constant 0 : i32
    %dma_start3A_771 = tpu.memref_slice %dma_start3A_768[%dma_start3A_752, %dma_start3A_769, %dma_start3A_770] : memref<16x16x128xf32, #tpu.memory_space<vmem>> -> memref<1x16x128xf32, #tpu.memory_space<vmem>>
    %dma_start3A_772 = tpu.memref_squeeze %dma_start3A_771 : memref<1x16x128xf32, #tpu.memory_space<vmem>> -> memref<16x128xf32, #tpu.memory_space<vmem>>
    %dma_start3A_773 = arith.constant 0 : i32
    %dma_start3A_774 = tpu.memref_slice %arg2[%dma_start3A_773, %multiple_of3A_750] : memref<16x1000001xf32, #tpu.memory_space<hbm>> -> memref<16x128xf32, #tpu.memory_space<hbm>>
    tpu.enqueue_dma source(%dma_start3A_774 : memref<16x128xf32, #tpu.memory_space<hbm>>) target(%dma_start3A_772 : memref<16x128xf32, #tpu.memory_space<vmem>>) target_semaphore(%arg8 : memref<!tpu.dma_semaphore, #tpu.memory_space<semaphore_mem>>)
    %slice3A_775 = vector.extract_strided_slice %get3A_495 {offsets = [9], sizes = [1], strides = [1]} : vector<16xi32> to vector<1xi32>
    %squeeze3A_776 = vector.extract %slice3A_775[0] : i32 from vector<1xi32>
    %shift_right_arithmetic3A_777 = arith.constant 7 : i32
    %shift_right_arithmetic3A_778 = arith.shrsi %squeeze3A_776, %shift_right_arithmetic3A_777 : i32
    %shift_left3A_779 = arith.constant 7 : i32
    %shift_left3A_780 = arith.shli %shift_right_arithmetic3A_778, %shift_left3A_779 : i32
    %multiple_of3A_781 = tpu.assume_multiple %shift_left3A_780, 128 : i32
    %dma_start3A_782 = arith.constant 1 : i32
    %dma_start3A_783 = arith.constant 9 : i32
    %dma_start3A_784 = arith.constant 0 : i32
    %dma_start3A_785 = arith.constant 0 : i32
    %dma_start3A_786 = arith.constant 0 : i32
    %dma_start3A_787 = tpu.memref_slice %arg6[%dma_start3A_782, %dma_start3A_784, %dma_start3A_785, %dma_start3A_786] : memref<3x16x16x128xf32, #tpu.memory_space<vmem>> -> memref<1x16x16x128xf32, #tpu.memory_space<vmem>>
    %dma_start3A_788 = tpu.memref_squeeze %dma_start3A_787 : memref<1x16x16x128xf32, #tpu.memory_space<vmem>> -> memref<16x16x128xf32, #tpu.memory_space<vmem>>
    %dma_start3A_789 = arith.constant 0 : i32
    %dma_start3A_790 = arith.constant 0 : i32
    %dma_start3A_791 = tpu.memref_slice %dma_start3A_788[%dma_start3A_783, %dma_start3A_789, %dma_start3A_790] : memref<16x16x128xf32, #tpu.memory_space<vmem>> -> memref<1x16x128xf32, #tpu.memory_space<vmem>>
    %dma_start3A_792 = tpu.memref_squeeze %dma_start3A_791 : memref<1x16x128xf32, #tpu.memory_space<vmem>> -> memref<16x128xf32, #tpu.memory_space<vmem>>
    %dma_start3A_793 = arith.constant 0 : i32
    %dma_start3A_794 = tpu.memref_slice %arg2[%dma_start3A_793, %multiple_of3A_781] : memref<16x1000001xf32, #tpu.memory_space<hbm>> -> memref<16x128xf32, #tpu.memory_space<hbm>>
    %dma_start3A_795 = arith.constant 0 : i32
    %dma_start3A_796 = arith.constant 0 : i32
    %dma_start3A_797 = arith.constant 0 : i32
    %dma_start3A_798 = tpu.memref_slice %arg6[%dma_start3A_782, %dma_start3A_795, %dma_start3A_796, %dma_start3A_797] : memref<3x16x16x128xf32, #tpu.memory_space<vmem>> -> memref<1x16x16x128xf32, #tpu.memory_space<vmem>>
    %dma_start3A_799 = tpu.memref_squeeze %dma_start3A_798 : memref<1x16x16x128xf32, #tpu.memory_space<vmem>> -> memref<16x16x128xf32, #tpu.memory_space<vmem>>
    %dma_start3A_800 = arith.constant 0 : i32
    %dma_start3A_801 = arith.constant 0 : i32
    %dma_start3A_802 = tpu.memref_slice %dma_start3A_799[%dma_start3A_783, %dma_start3A_800, %dma_start3A_801] : memref<16x16x128xf32, #tpu.memory_space<vmem>> -> memref<1x16x128xf32, #tpu.memory_space<vmem>>
    %dma_start3A_803 = tpu.memref_squeeze %dma_start3A_802 : memref<1x16x128xf32, #tpu.memory_space<vmem>> -> memref<16x128xf32, #tpu.memory_space<vmem>>
    %dma_start3A_804 = arith.constant 0 : i32
    %dma_start3A_805 = tpu.memref_slice %arg2[%dma_start3A_804, %multiple_of3A_781] : memref<16x1000001xf32, #tpu.memory_space<hbm>> -> memref<16x128xf32, #tpu.memory_space<hbm>>
    tpu.enqueue_dma source(%dma_start3A_805 : memref<16x128xf32, #tpu.memory_space<hbm>>) target(%dma_start3A_803 : memref<16x128xf32, #tpu.memory_space<vmem>>) target_semaphore(%arg8 : memref<!tpu.dma_semaphore, #tpu.memory_space<semaphore_mem>>)
    %slice3A_806 = vector.extract_strided_slice %get3A_495 {offsets = [10], sizes = [1], strides = [1]} : vector<16xi32> to vector<1xi32>
    %squeeze3A_807 = vector.extract %slice3A_806[0] : i32 from vector<1xi32>
    %shift_right_arithmetic3A_808 = arith.constant 7 : i32
    %shift_right_arithmetic3A_809 = arith.shrsi %squeeze3A_807, %shift_right_arithmetic3A_808 : i32
    %shift_left3A_810 = arith.constant 7 : i32
    %shift_left3A_811 = arith.shli %shift_right_arithmetic3A_809, %shift_left3A_810 : i32
    %multiple_of3A_812 = tpu.assume_multiple %shift_left3A_811, 128 : i32
    %dma_start3A_813 = arith.constant 1 : i32
    %dma_start3A_814 = arith.constant 10 : i32
    %dma_start3A_815 = arith.constant 0 : i32
    %dma_start3A_816 = arith.constant 0 : i32
    %dma_start3A_817 = arith.constant 0 : i32
    %dma_start3A_818 = tpu.memref_slice %arg6[%dma_start3A_813, %dma_start3A_815, %dma_start3A_816, %dma_start3A_817] : memref<3x16x16x128xf32, #tpu.memory_space<vmem>> -> memref<1x16x16x128xf32, #tpu.memory_space<vmem>>
    %dma_start3A_819 = tpu.memref_squeeze %dma_start3A_818 : memref<1x16x16x128xf32, #tpu.memory_space<vmem>> -> memref<16x16x128xf32, #tpu.memory_space<vmem>>
    %dma_start3A_820 = arith.constant 0 : i32
    %dma_start3A_821 = arith.constant 0 : i32
    %dma_start3A_822 = tpu.memref_slice %dma_start3A_819[%dma_start3A_814, %dma_start3A_820, %dma_start3A_821] : memref<16x16x128xf32, #tpu.memory_space<vmem>> -> memref<1x16x128xf32, #tpu.memory_space<vmem>>
    %dma_start3A_823 = tpu.memref_squeeze %dma_start3A_822 : memref<1x16x128xf32, #tpu.memory_space<vmem>> -> memref<16x128xf32, #tpu.memory_space<vmem>>
    %dma_start3A_824 = arith.constant 0 : i32
    %dma_start3A_825 = tpu.memref_slice %arg2[%dma_start3A_824, %multiple_of3A_812] : memref<16x1000001xf32, #tpu.memory_space<hbm>> -> memref<16x128xf32, #tpu.memory_space<hbm>>
    %dma_start3A_826 = arith.constant 0 : i32
    %dma_start3A_827 = arith.constant 0 : i32
    %dma_start3A_828 = arith.constant 0 : i32
    %dma_start3A_829 = tpu.memref_slice %arg6[%dma_start3A_813, %dma_start3A_826, %dma_start3A_827, %dma_start3A_828] : memref<3x16x16x128xf32, #tpu.memory_space<vmem>> -> memref<1x16x16x128xf32, #tpu.memory_space<vmem>>
    %dma_start3A_830 = tpu.memref_squeeze %dma_start3A_829 : memref<1x16x16x128xf32, #tpu.memory_space<vmem>> -> memref<16x16x128xf32, #tpu.memory_space<vmem>>
    %dma_start3A_831 = arith.constant 0 : i32
    %dma_start3A_832 = arith.constant 0 : i32
    %dma_start3A_833 = tpu.memref_slice %dma_start3A_830[%dma_start3A_814, %dma_start3A_831, %dma_start3A_832] : memref<16x16x128xf32, #tpu.memory_space<vmem>> -> memref<1x16x128xf32, #tpu.memory_space<vmem>>
    %dma_start3A_834 = tpu.memref_squeeze %dma_start3A_833 : memref<1x16x128xf32, #tpu.memory_space<vmem>> -> memref<16x128xf32, #tpu.memory_space<vmem>>
    %dma_start3A_835 = arith.constant 0 : i32
    %dma_start3A_836 = tpu.memref_slice %arg2[%dma_start3A_835, %multiple_of3A_812] : memref<16x1000001xf32, #tpu.memory_space<hbm>> -> memref<16x128xf32, #tpu.memory_space<hbm>>
    tpu.enqueue_dma source(%dma_start3A_836 : memref<16x128xf32, #tpu.memory_space<hbm>>) target(%dma_start3A_834 : memref<16x128xf32, #tpu.memory_space<vmem>>) target_semaphore(%arg8 : memref<!tpu.dma_semaphore, #tpu.memory_space<semaphore_mem>>)
    %slice3A_837 = vector.extract_strided_slice %get3A_495 {offsets = [11], sizes = [1], strides = [1]} : vector<16xi32> to vector<1xi32>
    %squeeze3A_838 = vector.extract %slice3A_837[0] : i32 from vector<1xi32>
    %shift_right_arithmetic3A_839 = arith.constant 7 : i32
    %shift_right_arithmetic3A_840 = arith.shrsi %squeeze3A_838, %shift_right_arithmetic3A_839 : i32
    %shift_left3A_841 = arith.constant 7 : i32
    %shift_left3A_842 = arith.shli %shift_right_arithmetic3A_840, %shift_left3A_841 : i32
    %multiple_of3A_843 = tpu.assume_multiple %shift_left3A_842, 128 : i32
    %dma_start3A_844 = arith.constant 1 : i32
    %dma_start3A_845 = arith.constant 11 : i32
    %dma_start3A_846 = arith.constant 0 : i32
    %dma_start3A_847 = arith.constant 0 : i32
    %dma_start3A_848 = arith.constant 0 : i32
    %dma_start3A_849 = tpu.memref_slice %arg6[%dma_start3A_844, %dma_start3A_846, %dma_start3A_847, %dma_start3A_848] : memref<3x16x16x128xf32, #tpu.memory_space<vmem>> -> memref<1x16x16x128xf32, #tpu.memory_space<vmem>>
    %dma_start3A_850 = tpu.memref_squeeze %dma_start3A_849 : memref<1x16x16x128xf32, #tpu.memory_space<vmem>> -> memref<16x16x128xf32, #tpu.memory_space<vmem>>
    %dma_start3A_851 = arith.constant 0 : i32
    %dma_start3A_852 = arith.constant 0 : i32
    %dma_start3A_853 = tpu.memref_slice %dma_start3A_850[%dma_start3A_845, %dma_start3A_851, %dma_start3A_852] : memref<16x16x128xf32, #tpu.memory_space<vmem>> -> memref<1x16x128xf32, #tpu.memory_space<vmem>>
    %dma_start3A_854 = tpu.memref_squeeze %dma_start3A_853 : memref<1x16x128xf32, #tpu.memory_space<vmem>> -> memref<16x128xf32, #tpu.memory_space<vmem>>
    %dma_start3A_855 = arith.constant 0 : i32
    %dma_start3A_856 = tpu.memref_slice %arg2[%dma_start3A_855, %multiple_of3A_843] : memref<16x1000001xf32, #tpu.memory_space<hbm>> -> memref<16x128xf32, #tpu.memory_space<hbm>>
    %dma_start3A_857 = arith.constant 0 : i32
    %dma_start3A_858 = arith.constant 0 : i32
    %dma_start3A_859 = arith.constant 0 : i32
    %dma_start3A_860 = tpu.memref_slice %arg6[%dma_start3A_844, %dma_start3A_857, %dma_start3A_858, %dma_start3A_859] : memref<3x16x16x128xf32, #tpu.memory_space<vmem>> -> memref<1x16x16x128xf32, #tpu.memory_space<vmem>>
    %dma_start3A_861 = tpu.memref_squeeze %dma_start3A_860 : memref<1x16x16x128xf32, #tpu.memory_space<vmem>> -> memref<16x16x128xf32, #tpu.memory_space<vmem>>
    %dma_start3A_862 = arith.constant 0 : i32
    %dma_start3A_863 = arith.constant 0 : i32
    %dma_start3A_864 = tpu.memref_slice %dma_start3A_861[%dma_start3A_845, %dma_start3A_862, %dma_start3A_863] : memref<16x16x128xf32, #tpu.memory_space<vmem>> -> memref<1x16x128xf32, #tpu.memory_space<vmem>>
    %dma_start3A_865 = tpu.memref_squeeze %dma_start3A_864 : memref<1x16x128xf32, #tpu.memory_space<vmem>> -> memref<16x128xf32, #tpu.memory_space<vmem>>
    %dma_start3A_866 = arith.constant 0 : i32
    %dma_start3A_867 = tpu.memref_slice %arg2[%dma_start3A_866, %multiple_of3A_843] : memref<16x1000001xf32, #tpu.memory_space<hbm>> -> memref<16x128xf32, #tpu.memory_space<hbm>>
    tpu.enqueue_dma source(%dma_start3A_867 : memref<16x128xf32, #tpu.memory_space<hbm>>) target(%dma_start3A_865 : memref<16x128xf32, #tpu.memory_space<vmem>>) target_semaphore(%arg8 : memref<!tpu.dma_semaphore, #tpu.memory_space<semaphore_mem>>)
    %slice3A_868 = vector.extract_strided_slice %get3A_495 {offsets = [12], sizes = [1], strides = [1]} : vector<16xi32> to vector<1xi32>
    %squeeze3A_869 = vector.extract %slice3A_868[0] : i32 from vector<1xi32>
    %shift_right_arithmetic3A_870 = arith.constant 7 : i32
    %shift_right_arithmetic3A_871 = arith.shrsi %squeeze3A_869, %shift_right_arithmetic3A_870 : i32
    %shift_left3A_872 = arith.constant 7 : i32
    %shift_left3A_873 = arith.shli %shift_right_arithmetic3A_871, %shift_left3A_872 : i32
    %multiple_of3A_874 = tpu.assume_multiple %shift_left3A_873, 128 : i32
    %dma_start3A_875 = arith.constant 1 : i32
    %dma_start3A_876 = arith.constant 12 : i32
    %dma_start3A_877 = arith.constant 0 : i32
    %dma_start3A_878 = arith.constant 0 : i32
    %dma_start3A_879 = arith.constant 0 : i32
    %dma_start3A_880 = tpu.memref_slice %arg6[%dma_start3A_875, %dma_start3A_877, %dma_start3A_878, %dma_start3A_879] : memref<3x16x16x128xf32, #tpu.memory_space<vmem>> -> memref<1x16x16x128xf32, #tpu.memory_space<vmem>>
    %dma_start3A_881 = tpu.memref_squeeze %dma_start3A_880 : memref<1x16x16x128xf32, #tpu.memory_space<vmem>> -> memref<16x16x128xf32, #tpu.memory_space<vmem>>
    %dma_start3A_882 = arith.constant 0 : i32
    %dma_start3A_883 = arith.constant 0 : i32
    %dma_start3A_884 = tpu.memref_slice %dma_start3A_881[%dma_start3A_876, %dma_start3A_882, %dma_start3A_883] : memref<16x16x128xf32, #tpu.memory_space<vmem>> -> memref<1x16x128xf32, #tpu.memory_space<vmem>>
    %dma_start3A_885 = tpu.memref_squeeze %dma_start3A_884 : memref<1x16x128xf32, #tpu.memory_space<vmem>> -> memref<16x128xf32, #tpu.memory_space<vmem>>
    %dma_start3A_886 = arith.constant 0 : i32
    %dma_start3A_887 = tpu.memref_slice %arg2[%dma_start3A_886, %multiple_of3A_874] : memref<16x1000001xf32, #tpu.memory_space<hbm>> -> memref<16x128xf32, #tpu.memory_space<hbm>>
    %dma_start3A_888 = arith.constant 0 : i32
    %dma_start3A_889 = arith.constant 0 : i32
    %dma_start3A_890 = arith.constant 0 : i32
    %dma_start3A_891 = tpu.memref_slice %arg6[%dma_start3A_875, %dma_start3A_888, %dma_start3A_889, %dma_start3A_890] : memref<3x16x16x128xf32, #tpu.memory_space<vmem>> -> memref<1x16x16x128xf32, #tpu.memory_space<vmem>>
    %dma_start3A_892 = tpu.memref_squeeze %dma_start3A_891 : memref<1x16x16x128xf32, #tpu.memory_space<vmem>> -> memref<16x16x128xf32, #tpu.memory_space<vmem>>
    %dma_start3A_893 = arith.constant 0 : i32
    %dma_start3A_894 = arith.constant 0 : i32
    %dma_start3A_895 = tpu.memref_slice %dma_start3A_892[%dma_start3A_876, %dma_start3A_893, %dma_start3A_894] : memref<16x16x128xf32, #tpu.memory_space<vmem>> -> memref<1x16x128xf32, #tpu.memory_space<vmem>>
    %dma_start3A_896 = tpu.memref_squeeze %dma_start3A_895 : memref<1x16x128xf32, #tpu.memory_space<vmem>> -> memref<16x128xf32, #tpu.memory_space<vmem>>
    %dma_start3A_897 = arith.constant 0 : i32
    %dma_start3A_898 = tpu.memref_slice %arg2[%dma_start3A_897, %multiple_of3A_874] : memref<16x1000001xf32, #tpu.memory_space<hbm>> -> memref<16x128xf32, #tpu.memory_space<hbm>>
    tpu.enqueue_dma source(%dma_start3A_898 : memref<16x128xf32, #tpu.memory_space<hbm>>) target(%dma_start3A_896 : memref<16x128xf32, #tpu.memory_space<vmem>>) target_semaphore(%arg8 : memref<!tpu.dma_semaphore, #tpu.memory_space<semaphore_mem>>)
    %slice3A_899 = vector.extract_strided_slice %get3A_495 {offsets = [13], sizes = [1], strides = [1]} : vector<16xi32> to vector<1xi32>
    %squeeze3A_900 = vector.extract %slice3A_899[0] : i32 from vector<1xi32>
    %shift_right_arithmetic3A_901 = arith.constant 7 : i32
    %shift_right_arithmetic3A_902 = arith.shrsi %squeeze3A_900, %shift_right_arithmetic3A_901 : i32
    %shift_left3A_903 = arith.constant 7 : i32
    %shift_left3A_904 = arith.shli %shift_right_arithmetic3A_902, %shift_left3A_903 : i32
    %multiple_of3A_905 = tpu.assume_multiple %shift_left3A_904, 128 : i32
    %dma_start3A_906 = arith.constant 1 : i32
    %dma_start3A_907 = arith.constant 13 : i32
    %dma_start3A_908 = arith.constant 0 : i32
    %dma_start3A_909 = arith.constant 0 : i32
    %dma_start3A_910 = arith.constant 0 : i32
    %dma_start3A_911 = tpu.memref_slice %arg6[%dma_start3A_906, %dma_start3A_908, %dma_start3A_909, %dma_start3A_910] : memref<3x16x16x128xf32, #tpu.memory_space<vmem>> -> memref<1x16x16x128xf32, #tpu.memory_space<vmem>>
    %dma_start3A_912 = tpu.memref_squeeze %dma_start3A_911 : memref<1x16x16x128xf32, #tpu.memory_space<vmem>> -> memref<16x16x128xf32, #tpu.memory_space<vmem>>
    %dma_start3A_913 = arith.constant 0 : i32
    %dma_start3A_914 = arith.constant 0 : i32
    %dma_start3A_915 = tpu.memref_slice %dma_start3A_912[%dma_start3A_907, %dma_start3A_913, %dma_start3A_914] : memref<16x16x128xf32, #tpu.memory_space<vmem>> -> memref<1x16x128xf32, #tpu.memory_space<vmem>>
    %dma_start3A_916 = tpu.memref_squeeze %dma_start3A_915 : memref<1x16x128xf32, #tpu.memory_space<vmem>> -> memref<16x128xf32, #tpu.memory_space<vmem>>
    %dma_start3A_917 = arith.constant 0 : i32
    %dma_start3A_918 = tpu.memref_slice %arg2[%dma_start3A_917, %multiple_of3A_905] : memref<16x1000001xf32, #tpu.memory_space<hbm>> -> memref<16x128xf32, #tpu.memory_space<hbm>>
    %dma_start3A_919 = arith.constant 0 : i32
    %dma_start3A_920 = arith.constant 0 : i32
    %dma_start3A_921 = arith.constant 0 : i32
    %dma_start3A_922 = tpu.memref_slice %arg6[%dma_start3A_906, %dma_start3A_919, %dma_start3A_920, %dma_start3A_921] : memref<3x16x16x128xf32, #tpu.memory_space<vmem>> -> memref<1x16x16x128xf32, #tpu.memory_space<vmem>>
    %dma_start3A_923 = tpu.memref_squeeze %dma_start3A_922 : memref<1x16x16x128xf32, #tpu.memory_space<vmem>> -> memref<16x16x128xf32, #tpu.memory_space<vmem>>
    %dma_start3A_924 = arith.constant 0 : i32
    %dma_start3A_925 = arith.constant 0 : i32
    %dma_start3A_926 = tpu.memref_slice %dma_start3A_923[%dma_start3A_907, %dma_start3A_924, %dma_start3A_925] : memref<16x16x128xf32, #tpu.memory_space<vmem>> -> memref<1x16x128xf32, #tpu.memory_space<vmem>>
    %dma_start3A_927 = tpu.memref_squeeze %dma_start3A_926 : memref<1x16x128xf32, #tpu.memory_space<vmem>> -> memref<16x128xf32, #tpu.memory_space<vmem>>
    %dma_start3A_928 = arith.constant 0 : i32
    %dma_start3A_929 = tpu.memref_slice %arg2[%dma_start3A_928, %multiple_of3A_905] : memref<16x1000001xf32, #tpu.memory_space<hbm>> -> memref<16x128xf32, #tpu.memory_space<hbm>>
    tpu.enqueue_dma source(%dma_start3A_929 : memref<16x128xf32, #tpu.memory_space<hbm>>) target(%dma_start3A_927 : memref<16x128xf32, #tpu.memory_space<vmem>>) target_semaphore(%arg8 : memref<!tpu.dma_semaphore, #tpu.memory_space<semaphore_mem>>)
    %slice3A_930 = vector.extract_strided_slice %get3A_495 {offsets = [14], sizes = [1], strides = [1]} : vector<16xi32> to vector<1xi32>
    %squeeze3A_931 = vector.extract %slice3A_930[0] : i32 from vector<1xi32>
    %shift_right_arithmetic3A_932 = arith.constant 7 : i32
    %shift_right_arithmetic3A_933 = arith.shrsi %squeeze3A_931, %shift_right_arithmetic3A_932 : i32
    %shift_left3A_934 = arith.constant 7 : i32
    %shift_left3A_935 = arith.shli %shift_right_arithmetic3A_933, %shift_left3A_934 : i32
    %multiple_of3A_936 = tpu.assume_multiple %shift_left3A_935, 128 : i32
    %dma_start3A_937 = arith.constant 1 : i32
    %dma_start3A_938 = arith.constant 14 : i32
    %dma_start3A_939 = arith.constant 0 : i32
    %dma_start3A_940 = arith.constant 0 : i32
    %dma_start3A_941 = arith.constant 0 : i32
    %dma_start3A_942 = tpu.memref_slice %arg6[%dma_start3A_937, %dma_start3A_939, %dma_start3A_940, %dma_start3A_941] : memref<3x16x16x128xf32, #tpu.memory_space<vmem>> -> memref<1x16x16x128xf32, #tpu.memory_space<vmem>>
    %dma_start3A_943 = tpu.memref_squeeze %dma_start3A_942 : memref<1x16x16x128xf32, #tpu.memory_space<vmem>> -> memref<16x16x128xf32, #tpu.memory_space<vmem>>
    %dma_start3A_944 = arith.constant 0 : i32
    %dma_start3A_945 = arith.constant 0 : i32
    %dma_start3A_946 = tpu.memref_slice %dma_start3A_943[%dma_start3A_938, %dma_start3A_944, %dma_start3A_945] : memref<16x16x128xf32, #tpu.memory_space<vmem>> -> memref<1x16x128xf32, #tpu.memory_space<vmem>>
    %dma_start3A_947 = tpu.memref_squeeze %dma_start3A_946 : memref<1x16x128xf32, #tpu.memory_space<vmem>> -> memref<16x128xf32, #tpu.memory_space<vmem>>
    %dma_start3A_948 = arith.constant 0 : i32
    %dma_start3A_949 = tpu.memref_slice %arg2[%dma_start3A_948, %multiple_of3A_936] : memref<16x1000001xf32, #tpu.memory_space<hbm>> -> memref<16x128xf32, #tpu.memory_space<hbm>>
    %dma_start3A_950 = arith.constant 0 : i32
    %dma_start3A_951 = arith.constant 0 : i32
    %dma_start3A_952 = arith.constant 0 : i32
    %dma_start3A_953 = tpu.memref_slice %arg6[%dma_start3A_937, %dma_start3A_950, %dma_start3A_951, %dma_start3A_952] : memref<3x16x16x128xf32, #tpu.memory_space<vmem>> -> memref<1x16x16x128xf32, #tpu.memory_space<vmem>>
    %dma_start3A_954 = tpu.memref_squeeze %dma_start3A_953 : memref<1x16x16x128xf32, #tpu.memory_space<vmem>> -> memref<16x16x128xf32, #tpu.memory_space<vmem>>
    %dma_start3A_955 = arith.constant 0 : i32
    %dma_start3A_956 = arith.constant 0 : i32
    %dma_start3A_957 = tpu.memref_slice %dma_start3A_954[%dma_start3A_938, %dma_start3A_955, %dma_start3A_956] : memref<16x16x128xf32, #tpu.memory_space<vmem>> -> memref<1x16x128xf32, #tpu.memory_space<vmem>>
    %dma_start3A_958 = tpu.memref_squeeze %dma_start3A_957 : memref<1x16x128xf32, #tpu.memory_space<vmem>> -> memref<16x128xf32, #tpu.memory_space<vmem>>
    %dma_start3A_959 = arith.constant 0 : i32
    %dma_start3A_960 = tpu.memref_slice %arg2[%dma_start3A_959, %multiple_of3A_936] : memref<16x1000001xf32, #tpu.memory_space<hbm>> -> memref<16x128xf32, #tpu.memory_space<hbm>>
    tpu.enqueue_dma source(%dma_start3A_960 : memref<16x128xf32, #tpu.memory_space<hbm>>) target(%dma_start3A_958 : memref<16x128xf32, #tpu.memory_space<vmem>>) target_semaphore(%arg8 : memref<!tpu.dma_semaphore, #tpu.memory_space<semaphore_mem>>)
    %slice3A_961 = vector.extract_strided_slice %get3A_495 {offsets = [15], sizes = [1], strides = [1]} : vector<16xi32> to vector<1xi32>
    %squeeze3A_962 = vector.extract %slice3A_961[0] : i32 from vector<1xi32>
    %shift_right_arithmetic3A_963 = arith.constant 7 : i32
    %shift_right_arithmetic3A_964 = arith.shrsi %squeeze3A_962, %shift_right_arithmetic3A_963 : i32
    %shift_left3A_965 = arith.constant 7 : i32
    %shift_left3A_966 = arith.shli %shift_right_arithmetic3A_964, %shift_left3A_965 : i32
    %multiple_of3A_967 = tpu.assume_multiple %shift_left3A_966, 128 : i32
    %dma_start3A_968 = arith.constant 1 : i32
    %dma_start3A_969 = arith.constant 15 : i32
    %dma_start3A_970 = arith.constant 0 : i32
    %dma_start3A_971 = arith.constant 0 : i32
    %dma_start3A_972 = arith.constant 0 : i32
    %dma_start3A_973 = tpu.memref_slice %arg6[%dma_start3A_968, %dma_start3A_970, %dma_start3A_971, %dma_start3A_972] : memref<3x16x16x128xf32, #tpu.memory_space<vmem>> -> memref<1x16x16x128xf32, #tpu.memory_space<vmem>>
    %dma_start3A_974 = tpu.memref_squeeze %dma_start3A_973 : memref<1x16x16x128xf32, #tpu.memory_space<vmem>> -> memref<16x16x128xf32, #tpu.memory_space<vmem>>
    %dma_start3A_975 = arith.constant 0 : i32
    %dma_start3A_976 = arith.constant 0 : i32
    %dma_start3A_977 = tpu.memref_slice %dma_start3A_974[%dma_start3A_969, %dma_start3A_975, %dma_start3A_976] : memref<16x16x128xf32, #tpu.memory_space<vmem>> -> memref<1x16x128xf32, #tpu.memory_space<vmem>>
    %dma_start3A_978 = tpu.memref_squeeze %dma_start3A_977 : memref<1x16x128xf32, #tpu.memory_space<vmem>> -> memref<16x128xf32, #tpu.memory_space<vmem>>
    %dma_start3A_979 = arith.constant 0 : i32
    %dma_start3A_980 = tpu.memref_slice %arg2[%dma_start3A_979, %multiple_of3A_967] : memref<16x1000001xf32, #tpu.memory_space<hbm>> -> memref<16x128xf32, #tpu.memory_space<hbm>>
    %dma_start3A_981 = arith.constant 0 : i32
    %dma_start3A_982 = arith.constant 0 : i32
    %dma_start3A_983 = arith.constant 0 : i32
    %dma_start3A_984 = tpu.memref_slice %arg6[%dma_start3A_968, %dma_start3A_981, %dma_start3A_982, %dma_start3A_983] : memref<3x16x16x128xf32, #tpu.memory_space<vmem>> -> memref<1x16x16x128xf32, #tpu.memory_space<vmem>>
    %dma_start3A_985 = tpu.memref_squeeze %dma_start3A_984 : memref<1x16x16x128xf32, #tpu.memory_space<vmem>> -> memref<16x16x128xf32, #tpu.memory_space<vmem>>
    %dma_start3A_986 = arith.constant 0 : i32
    %dma_start3A_987 = arith.constant 0 : i32
    %dma_start3A_988 = tpu.memref_slice %dma_start3A_985[%dma_start3A_969, %dma_start3A_986, %dma_start3A_987] : memref<16x16x128xf32, #tpu.memory_space<vmem>> -> memref<1x16x128xf32, #tpu.memory_space<vmem>>
    %dma_start3A_989 = tpu.memref_squeeze %dma_start3A_988 : memref<1x16x128xf32, #tpu.memory_space<vmem>> -> memref<16x128xf32, #tpu.memory_space<vmem>>
    %dma_start3A_990 = arith.constant 0 : i32
    %dma_start3A_991 = tpu.memref_slice %arg2[%dma_start3A_990, %multiple_of3A_967] : memref<16x1000001xf32, #tpu.memory_space<hbm>> -> memref<16x128xf32, #tpu.memory_space<hbm>>
    tpu.enqueue_dma source(%dma_start3A_991 : memref<16x128xf32, #tpu.memory_space<hbm>>) target(%dma_start3A_989 : memref<16x128xf32, #tpu.memory_space<vmem>>) target_semaphore(%arg8 : memref<!tpu.dma_semaphore, #tpu.memory_space<semaphore_mem>>)
    %scan3A = arith.constant 2 : i32
    %scan3A_992 = arith.constant 0 : i32
    %scan3A_993 = arith.constant 32 : i32
    %scan3A_994 = arith.addi %scan3A_992, %scan3A_993 : i32
    %scan3A_995 = arith.constant 1 : i32
    %scan3A_996 = scf.for %scan3A_1010 = %scan3A_992 to %scan3A_994 step %scan3A_995 iter_args(%scan3A_1011 = %scan3A) -> (i32)  : i32 {
      %lt3A = arith.constant 30 : i32
      %lt3A_1012 = arith.cmpi slt, %scan3A_1010, %lt3A : i32
      %convert_element_type3A = arith.extui %lt3A_1012 : i1 to i32
      %cond3A = arith.constant 0 : i32
      %cond3A_1013 = arith.cmpi ne, %convert_element_type3A, %cond3A : i32
      scf.if %cond3A_1013 {
        %add3A_1447 = arith.constant 2 : i32
        %add3A_1448 = arith.addi %scan3A_1010, %add3A_1447 : i32
        %mul3A_1449 = arith.constant 16 : i32
        %mul3A_1450 = arith.muli %add3A_1448, %mul3A_1449 : i32
        %get3A_1451 = arith.index_cast %mul3A_1450 : i32 to index
        %get3A_1452 = tpu.vector_load %arg5[%get3A_1451] {strides = array<i32>} : memref<512xi32, #tpu.memory_space<vmem>>, vector<16xi32>,
        %slice3A_1453 = vector.extract_strided_slice %get3A_1452 {offsets = [0], sizes = [1], strides = [1]} : vector<16xi32> to vector<1xi32>
        %squeeze3A_1454 = vector.extract %slice3A_1453[0] : i32 from vector<1xi32>
        %shift_right_arithmetic3A_1455 = arith.constant 7 : i32
        %shift_right_arithmetic3A_1456 = arith.shrsi %squeeze3A_1454, %shift_right_arithmetic3A_1455 : i32
        %shift_left3A_1457 = arith.constant 7 : i32
        %shift_left3A_1458 = arith.shli %shift_right_arithmetic3A_1456, %shift_left3A_1457 : i32
        %multiple_of3A_1459 = tpu.assume_multiple %shift_left3A_1458, 128 : i32
        %dma_start3A_1460 = arith.constant 0 : i32
        %dma_start3A_1461 = arith.constant 0 : i32
        %dma_start3A_1462 = arith.constant 0 : i32
        %dma_start3A_1463 = arith.constant 0 : i32
        %dma_start3A_1464 = tpu.memref_slice %arg6[%scan3A_1011, %dma_start3A_1461, %dma_start3A_1462, %dma_start3A_1463] : memref<3x16x16x128xf32, #tpu.memory_space<vmem>> -> memref<1x16x16x128xf32, #tpu.memory_space<vmem>>
        %dma_start3A_1465 = tpu.memref_squeeze %dma_start3A_1464 : memref<1x16x16x128xf32, #tpu.memory_space<vmem>> -> memref<16x16x128xf32, #tpu.memory_space<vmem>>
        %dma_start3A_1466 = arith.constant 0 : i32
        %dma_start3A_1467 = arith.constant 0 : i32
        %dma_start3A_1468 = tpu.memref_slice %dma_start3A_1465[%dma_start3A_1460, %dma_start3A_1466, %dma_start3A_1467] : memref<16x16x128xf32, #tpu.memory_space<vmem>> -> memref<1x16x128xf32, #tpu.memory_space<vmem>>
        %dma_start3A_1469 = tpu.memref_squeeze %dma_start3A_1468 : memref<1x16x128xf32, #tpu.memory_space<vmem>> -> memref<16x128xf32, #tpu.memory_space<vmem>>
        %dma_start3A_1470 = arith.constant 0 : i32
        %dma_start3A_1471 = tpu.memref_slice %arg2[%dma_start3A_1470, %multiple_of3A_1459] : memref<16x1000001xf32, #tpu.memory_space<hbm>> -> memref<16x128xf32, #tpu.memory_space<hbm>>
        %dma_start3A_1472 = arith.constant 0 : i32
        %dma_start3A_1473 = arith.constant 0 : i32
        %dma_start3A_1474 = arith.constant 0 : i32
        %dma_start3A_1475 = tpu.memref_slice %arg6[%scan3A_1011, %dma_start3A_1472, %dma_start3A_1473, %dma_start3A_1474] : memref<3x16x16x128xf32, #tpu.memory_space<vmem>> -> memref<1x16x16x128xf32, #tpu.memory_space<vmem>>
        %dma_start3A_1476 = tpu.memref_squeeze %dma_start3A_1475 : memref<1x16x16x128xf32, #tpu.memory_space<vmem>> -> memref<16x16x128xf32, #tpu.memory_space<vmem>>
        %dma_start3A_1477 = arith.constant 0 : i32
        %dma_start3A_1478 = arith.constant 0 : i32
        %dma_start3A_1479 = tpu.memref_slice %dma_start3A_1476[%dma_start3A_1460, %dma_start3A_1477, %dma_start3A_1478] : memref<16x16x128xf32, #tpu.memory_space<vmem>> -> memref<1x16x128xf32, #tpu.memory_space<vmem>>
        %dma_start3A_1480 = tpu.memref_squeeze %dma_start3A_1479 : memref<1x16x128xf32, #tpu.memory_space<vmem>> -> memref<16x128xf32, #tpu.memory_space<vmem>>
        %dma_start3A_1481 = arith.constant 0 : i32
        %dma_start3A_1482 = tpu.memref_slice %arg2[%dma_start3A_1481, %multiple_of3A_1459] : memref<16x1000001xf32, #tpu.memory_space<hbm>> -> memref<16x128xf32, #tpu.memory_space<hbm>>
        tpu.enqueue_dma source(%dma_start3A_1482 : memref<16x128xf32, #tpu.memory_space<hbm>>) target(%dma_start3A_1480 : memref<16x128xf32, #tpu.memory_space<vmem>>) target_semaphore(%arg8 : memref<!tpu.dma_semaphore, #tpu.memory_space<semaphore_mem>>)
        %slice3A_1483 = vector.extract_strided_slice %get3A_1452 {offsets = [1], sizes = [1], strides = [1]} : vector<16xi32> to vector<1xi32>
        %squeeze3A_1484 = vector.extract %slice3A_1483[0] : i32 from vector<1xi32>
        %shift_right_arithmetic3A_1485 = arith.constant 7 : i32
        %shift_right_arithmetic3A_1486 = arith.shrsi %squeeze3A_1484, %shift_right_arithmetic3A_1485 : i32
        %shift_left3A_1487 = arith.constant 7 : i32
        %shift_left3A_1488 = arith.shli %shift_right_arithmetic3A_1486, %shift_left3A_1487 : i32
        %multiple_of3A_1489 = tpu.assume_multiple %shift_left3A_1488, 128 : i32
        %dma_start3A_1490 = arith.constant 1 : i32
        %dma_start3A_1491 = arith.constant 0 : i32
        %dma_start3A_1492 = arith.constant 0 : i32
        %dma_start3A_1493 = arith.constant 0 : i32
        %dma_start3A_1494 = tpu.memref_slice %arg6[%scan3A_1011, %dma_start3A_1491, %dma_start3A_1492, %dma_start3A_1493] : memref<3x16x16x128xf32, #tpu.memory_space<vmem>> -> memref<1x16x16x128xf32, #tpu.memory_space<vmem>>
        %dma_start3A_1495 = tpu.memref_squeeze %dma_start3A_1494 : memref<1x16x16x128xf32, #tpu.memory_space<vmem>> -> memref<16x16x128xf32, #tpu.memory_space<vmem>>
        %dma_start3A_1496 = arith.constant 0 : i32
        %dma_start3A_1497 = arith.constant 0 : i32
        %dma_start3A_1498 = tpu.memref_slice %dma_start3A_1495[%dma_start3A_1490, %dma_start3A_1496, %dma_start3A_1497] : memref<16x16x128xf32, #tpu.memory_space<vmem>> -> memref<1x16x128xf32, #tpu.memory_space<vmem>>
        %dma_start3A_1499 = tpu.memref_squeeze %dma_start3A_1498 : memref<1x16x128xf32, #tpu.memory_space<vmem>> -> memref<16x128xf32, #tpu.memory_space<vmem>>
        %dma_start3A_1500 = arith.constant 0 : i32
        %dma_start3A_1501 = tpu.memref_slice %arg2[%dma_start3A_1500, %multiple_of3A_1489] : memref<16x1000001xf32, #tpu.memory_space<hbm>> -> memref<16x128xf32, #tpu.memory_space<hbm>>
        %dma_start3A_1502 = arith.constant 0 : i32
        %dma_start3A_1503 = arith.constant 0 : i32
        %dma_start3A_1504 = arith.constant 0 : i32
        %dma_start3A_1505 = tpu.memref_slice %arg6[%scan3A_1011, %dma_start3A_1502, %dma_start3A_1503, %dma_start3A_1504] : memref<3x16x16x128xf32, #tpu.memory_space<vmem>> -> memref<1x16x16x128xf32, #tpu.memory_space<vmem>>
        %dma_start3A_1506 = tpu.memref_squeeze %dma_start3A_1505 : memref<1x16x16x128xf32, #tpu.memory_space<vmem>> -> memref<16x16x128xf32, #tpu.memory_space<vmem>>
        %dma_start3A_1507 = arith.constant 0 : i32
        %dma_start3A_1508 = arith.constant 0 : i32
        %dma_start3A_1509 = tpu.memref_slice %dma_start3A_1506[%dma_start3A_1490, %dma_start3A_1507, %dma_start3A_1508] : memref<16x16x128xf32, #tpu.memory_space<vmem>> -> memref<1x16x128xf32, #tpu.memory_space<vmem>>
        %dma_start3A_1510 = tpu.memref_squeeze %dma_start3A_1509 : memref<1x16x128xf32, #tpu.memory_space<vmem>> -> memref<16x128xf32, #tpu.memory_space<vmem>>
        %dma_start3A_1511 = arith.constant 0 : i32
        %dma_start3A_1512 = tpu.memref_slice %arg2[%dma_start3A_1511, %multiple_of3A_1489] : memref<16x1000001xf32, #tpu.memory_space<hbm>> -> memref<16x128xf32, #tpu.memory_space<hbm>>
        tpu.enqueue_dma source(%dma_start3A_1512 : memref<16x128xf32, #tpu.memory_space<hbm>>) target(%dma_start3A_1510 : memref<16x128xf32, #tpu.memory_space<vmem>>) target_semaphore(%arg8 : memref<!tpu.dma_semaphore, #tpu.memory_space<semaphore_mem>>)
        %slice3A_1513 = vector.extract_strided_slice %get3A_1452 {offsets = [2], sizes = [1], strides = [1]} : vector<16xi32> to vector<1xi32>
        %squeeze3A_1514 = vector.extract %slice3A_1513[0] : i32 from vector<1xi32>
        %shift_right_arithmetic3A_1515 = arith.constant 7 : i32
        %shift_right_arithmetic3A_1516 = arith.shrsi %squeeze3A_1514, %shift_right_arithmetic3A_1515 : i32
        %shift_left3A_1517 = arith.constant 7 : i32
        %shift_left3A_1518 = arith.shli %shift_right_arithmetic3A_1516, %shift_left3A_1517 : i32
        %multiple_of3A_1519 = tpu.assume_multiple %shift_left3A_1518, 128 : i32
        %dma_start3A_1520 = arith.constant 2 : i32
        %dma_start3A_1521 = arith.constant 0 : i32
        %dma_start3A_1522 = arith.constant 0 : i32
        %dma_start3A_1523 = arith.constant 0 : i32
        %dma_start3A_1524 = tpu.memref_slice %arg6[%scan3A_1011, %dma_start3A_1521, %dma_start3A_1522, %dma_start3A_1523] : memref<3x16x16x128xf32, #tpu.memory_space<vmem>> -> memref<1x16x16x128xf32, #tpu.memory_space<vmem>>
        %dma_start3A_1525 = tpu.memref_squeeze %dma_start3A_1524 : memref<1x16x16x128xf32, #tpu.memory_space<vmem>> -> memref<16x16x128xf32, #tpu.memory_space<vmem>>
        %dma_start3A_1526 = arith.constant 0 : i32
        %dma_start3A_1527 = arith.constant 0 : i32
        %dma_start3A_1528 = tpu.memref_slice %dma_start3A_1525[%dma_start3A_1520, %dma_start3A_1526, %dma_start3A_1527] : memref<16x16x128xf32, #tpu.memory_space<vmem>> -> memref<1x16x128xf32, #tpu.memory_space<vmem>>
        %dma_start3A_1529 = tpu.memref_squeeze %dma_start3A_1528 : memref<1x16x128xf32, #tpu.memory_space<vmem>> -> memref<16x128xf32, #tpu.memory_space<vmem>>
        %dma_start3A_1530 = arith.constant 0 : i32
        %dma_start3A_1531 = tpu.memref_slice %arg2[%dma_start3A_1530, %multiple_of3A_1519] : memref<16x1000001xf32, #tpu.memory_space<hbm>> -> memref<16x128xf32, #tpu.memory_space<hbm>>
        %dma_start3A_1532 = arith.constant 0 : i32
        %dma_start3A_1533 = arith.constant 0 : i32
        %dma_start3A_1534 = arith.constant 0 : i32
        %dma_start3A_1535 = tpu.memref_slice %arg6[%scan3A_1011, %dma_start3A_1532, %dma_start3A_1533, %dma_start3A_1534] : memref<3x16x16x128xf32, #tpu.memory_space<vmem>> -> memref<1x16x16x128xf32, #tpu.memory_space<vmem>>
        %dma_start3A_1536 = tpu.memref_squeeze %dma_start3A_1535 : memref<1x16x16x128xf32, #tpu.memory_space<vmem>> -> memref<16x16x128xf32, #tpu.memory_space<vmem>>
        %dma_start3A_1537 = arith.constant 0 : i32
        %dma_start3A_1538 = arith.constant 0 : i32
        %dma_start3A_1539 = tpu.memref_slice %dma_start3A_1536[%dma_start3A_1520, %dma_start3A_1537, %dma_start3A_1538] : memref<16x16x128xf32, #tpu.memory_space<vmem>> -> memref<1x16x128xf32, #tpu.memory_space<vmem>>
        %dma_start3A_1540 = tpu.memref_squeeze %dma_start3A_1539 : memref<1x16x128xf32, #tpu.memory_space<vmem>> -> memref<16x128xf32, #tpu.memory_space<vmem>>
        %dma_start3A_1541 = arith.constant 0 : i32
        %dma_start3A_1542 = tpu.memref_slice %arg2[%dma_start3A_1541, %multiple_of3A_1519] : memref<16x1000001xf32, #tpu.memory_space<hbm>> -> memref<16x128xf32, #tpu.memory_space<hbm>>
        tpu.enqueue_dma source(%dma_start3A_1542 : memref<16x128xf32, #tpu.memory_space<hbm>>) target(%dma_start3A_1540 : memref<16x128xf32, #tpu.memory_space<vmem>>) target_semaphore(%arg8 : memref<!tpu.dma_semaphore, #tpu.memory_space<semaphore_mem>>)
        %slice3A_1543 = vector.extract_strided_slice %get3A_1452 {offsets = [3], sizes = [1], strides = [1]} : vector<16xi32> to vector<1xi32>
        %squeeze3A_1544 = vector.extract %slice3A_1543[0] : i32 from vector<1xi32>
        %shift_right_arithmetic3A_1545 = arith.constant 7 : i32
        %shift_right_arithmetic3A_1546 = arith.shrsi %squeeze3A_1544, %shift_right_arithmetic3A_1545 : i32
        %shift_left3A_1547 = arith.constant 7 : i32
        %shift_left3A_1548 = arith.shli %shift_right_arithmetic3A_1546, %shift_left3A_1547 : i32
        %multiple_of3A_1549 = tpu.assume_multiple %shift_left3A_1548, 128 : i32
        %dma_start3A_1550 = arith.constant 3 : i32
        %dma_start3A_1551 = arith.constant 0 : i32
        %dma_start3A_1552 = arith.constant 0 : i32
        %dma_start3A_1553 = arith.constant 0 : i32
        %dma_start3A_1554 = tpu.memref_slice %arg6[%scan3A_1011, %dma_start3A_1551, %dma_start3A_1552, %dma_start3A_1553] : memref<3x16x16x128xf32, #tpu.memory_space<vmem>> -> memref<1x16x16x128xf32, #tpu.memory_space<vmem>>
        %dma_start3A_1555 = tpu.memref_squeeze %dma_start3A_1554 : memref<1x16x16x128xf32, #tpu.memory_space<vmem>> -> memref<16x16x128xf32, #tpu.memory_space<vmem>>
        %dma_start3A_1556 = arith.constant 0 : i32
        %dma_start3A_1557 = arith.constant 0 : i32
        %dma_start3A_1558 = tpu.memref_slice %dma_start3A_1555[%dma_start3A_1550, %dma_start3A_1556, %dma_start3A_1557] : memref<16x16x128xf32, #tpu.memory_space<vmem>> -> memref<1x16x128xf32, #tpu.memory_space<vmem>>
        %dma_start3A_1559 = tpu.memref_squeeze %dma_start3A_1558 : memref<1x16x128xf32, #tpu.memory_space<vmem>> -> memref<16x128xf32, #tpu.memory_space<vmem>>
        %dma_start3A_1560 = arith.constant 0 : i32
        %dma_start3A_1561 = tpu.memref_slice %arg2[%dma_start3A_1560, %multiple_of3A_1549] : memref<16x1000001xf32, #tpu.memory_space<hbm>> -> memref<16x128xf32, #tpu.memory_space<hbm>>
        %dma_start3A_1562 = arith.constant 0 : i32
        %dma_start3A_1563 = arith.constant 0 : i32
        %dma_start3A_1564 = arith.constant 0 : i32
        %dma_start3A_1565 = tpu.memref_slice %arg6[%scan3A_1011, %dma_start3A_1562, %dma_start3A_1563, %dma_start3A_1564] : memref<3x16x16x128xf32, #tpu.memory_space<vmem>> -> memref<1x16x16x128xf32, #tpu.memory_space<vmem>>
        %dma_start3A_1566 = tpu.memref_squeeze %dma_start3A_1565 : memref<1x16x16x128xf32, #tpu.memory_space<vmem>> -> memref<16x16x128xf32, #tpu.memory_space<vmem>>
        %dma_start3A_1567 = arith.constant 0 : i32
        %dma_start3A_1568 = arith.constant 0 : i32
        %dma_start3A_1569 = tpu.memref_slice %dma_start3A_1566[%dma_start3A_1550, %dma_start3A_1567, %dma_start3A_1568] : memref<16x16x128xf32, #tpu.memory_space<vmem>> -> memref<1x16x128xf32, #tpu.memory_space<vmem>>
        %dma_start3A_1570 = tpu.memref_squeeze %dma_start3A_1569 : memref<1x16x128xf32, #tpu.memory_space<vmem>> -> memref<16x128xf32, #tpu.memory_space<vmem>>
        %dma_start3A_1571 = arith.constant 0 : i32
        %dma_start3A_1572 = tpu.memref_slice %arg2[%dma_start3A_1571, %multiple_of3A_1549] : memref<16x1000001xf32, #tpu.memory_space<hbm>> -> memref<16x128xf32, #tpu.memory_space<hbm>>
        tpu.enqueue_dma source(%dma_start3A_1572 : memref<16x128xf32, #tpu.memory_space<hbm>>) target(%dma_start3A_1570 : memref<16x128xf32, #tpu.memory_space<vmem>>) target_semaphore(%arg8 : memref<!tpu.dma_semaphore, #tpu.memory_space<semaphore_mem>>)
        %slice3A_1573 = vector.extract_strided_slice %get3A_1452 {offsets = [4], sizes = [1], strides = [1]} : vector<16xi32> to vector<1xi32>
        %squeeze3A_1574 = vector.extract %slice3A_1573[0] : i32 from vector<1xi32>
        %shift_right_arithmetic3A_1575 = arith.constant 7 : i32
        %shift_right_arithmetic3A_1576 = arith.shrsi %squeeze3A_1574, %shift_right_arithmetic3A_1575 : i32
        %shift_left3A_1577 = arith.constant 7 : i32
        %shift_left3A_1578 = arith.shli %shift_right_arithmetic3A_1576, %shift_left3A_1577 : i32
        %multiple_of3A_1579 = tpu.assume_multiple %shift_left3A_1578, 128 : i32
        %dma_start3A_1580 = arith.constant 4 : i32
        %dma_start3A_1581 = arith.constant 0 : i32
        %dma_start3A_1582 = arith.constant 0 : i32
        %dma_start3A_1583 = arith.constant 0 : i32
        %dma_start3A_1584 = tpu.memref_slice %arg6[%scan3A_1011, %dma_start3A_1581, %dma_start3A_1582, %dma_start3A_1583] : memref<3x16x16x128xf32, #tpu.memory_space<vmem>> -> memref<1x16x16x128xf32, #tpu.memory_space<vmem>>
        %dma_start3A_1585 = tpu.memref_squeeze %dma_start3A_1584 : memref<1x16x16x128xf32, #tpu.memory_space<vmem>> -> memref<16x16x128xf32, #tpu.memory_space<vmem>>
        %dma_start3A_1586 = arith.constant 0 : i32
        %dma_start3A_1587 = arith.constant 0 : i32
        %dma_start3A_1588 = tpu.memref_slice %dma_start3A_1585[%dma_start3A_1580, %dma_start3A_1586, %dma_start3A_1587] : memref<16x16x128xf32, #tpu.memory_space<vmem>> -> memref<1x16x128xf32, #tpu.memory_space<vmem>>
        %dma_start3A_1589 = tpu.memref_squeeze %dma_start3A_1588 : memref<1x16x128xf32, #tpu.memory_space<vmem>> -> memref<16x128xf32, #tpu.memory_space<vmem>>
        %dma_start3A_1590 = arith.constant 0 : i32
        %dma_start3A_1591 = tpu.memref_slice %arg2[%dma_start3A_1590, %multiple_of3A_1579] : memref<16x1000001xf32, #tpu.memory_space<hbm>> -> memref<16x128xf32, #tpu.memory_space<hbm>>
        %dma_start3A_1592 = arith.constant 0 : i32
        %dma_start3A_1593 = arith.constant 0 : i32
        %dma_start3A_1594 = arith.constant 0 : i32
        %dma_start3A_1595 = tpu.memref_slice %arg6[%scan3A_1011, %dma_start3A_1592, %dma_start3A_1593, %dma_start3A_1594] : memref<3x16x16x128xf32, #tpu.memory_space<vmem>> -> memref<1x16x16x128xf32, #tpu.memory_space<vmem>>
        %dma_start3A_1596 = tpu.memref_squeeze %dma_start3A_1595 : memref<1x16x16x128xf32, #tpu.memory_space<vmem>> -> memref<16x16x128xf32, #tpu.memory_space<vmem>>
        %dma_start3A_1597 = arith.constant 0 : i32
        %dma_start3A_1598 = arith.constant 0 : i32
        %dma_start3A_1599 = tpu.memref_slice %dma_start3A_1596[%dma_start3A_1580, %dma_start3A_1597, %dma_start3A_1598] : memref<16x16x128xf32, #tpu.memory_space<vmem>> -> memref<1x16x128xf32, #tpu.memory_space<vmem>>
        %dma_start3A_1600 = tpu.memref_squeeze %dma_start3A_1599 : memref<1x16x128xf32, #tpu.memory_space<vmem>> -> memref<16x128xf32, #tpu.memory_space<vmem>>
        %dma_start3A_1601 = arith.constant 0 : i32
        %dma_start3A_1602 = tpu.memref_slice %arg2[%dma_start3A_1601, %multiple_of3A_1579] : memref<16x1000001xf32, #tpu.memory_space<hbm>> -> memref<16x128xf32, #tpu.memory_space<hbm>>
        tpu.enqueue_dma source(%dma_start3A_1602 : memref<16x128xf32, #tpu.memory_space<hbm>>) target(%dma_start3A_1600 : memref<16x128xf32, #tpu.memory_space<vmem>>) target_semaphore(%arg8 : memref<!tpu.dma_semaphore, #tpu.memory_space<semaphore_mem>>)
        %slice3A_1603 = vector.extract_strided_slice %get3A_1452 {offsets = [5], sizes = [1], strides = [1]} : vector<16xi32> to vector<1xi32>
        %squeeze3A_1604 = vector.extract %slice3A_1603[0] : i32 from vector<1xi32>
        %shift_right_arithmetic3A_1605 = arith.constant 7 : i32
        %shift_right_arithmetic3A_1606 = arith.shrsi %squeeze3A_1604, %shift_right_arithmetic3A_1605 : i32
        %shift_left3A_1607 = arith.constant 7 : i32
        %shift_left3A_1608 = arith.shli %shift_right_arithmetic3A_1606, %shift_left3A_1607 : i32
        %multiple_of3A_1609 = tpu.assume_multiple %shift_left3A_1608, 128 : i32
        %dma_start3A_1610 = arith.constant 5 : i32
        %dma_start3A_1611 = arith.constant 0 : i32
        %dma_start3A_1612 = arith.constant 0 : i32
        %dma_start3A_1613 = arith.constant 0 : i32
        %dma_start3A_1614 = tpu.memref_slice %arg6[%scan3A_1011, %dma_start3A_1611, %dma_start3A_1612, %dma_start3A_1613] : memref<3x16x16x128xf32, #tpu.memory_space<vmem>> -> memref<1x16x16x128xf32, #tpu.memory_space<vmem>>
        %dma_start3A_1615 = tpu.memref_squeeze %dma_start3A_1614 : memref<1x16x16x128xf32, #tpu.memory_space<vmem>> -> memref<16x16x128xf32, #tpu.memory_space<vmem>>
        %dma_start3A_1616 = arith.constant 0 : i32
        %dma_start3A_1617 = arith.constant 0 : i32
        %dma_start3A_1618 = tpu.memref_slice %dma_start3A_1615[%dma_start3A_1610, %dma_start3A_1616, %dma_start3A_1617] : memref<16x16x128xf32, #tpu.memory_space<vmem>> -> memref<1x16x128xf32, #tpu.memory_space<vmem>>
        %dma_start3A_1619 = tpu.memref_squeeze %dma_start3A_1618 : memref<1x16x128xf32, #tpu.memory_space<vmem>> -> memref<16x128xf32, #tpu.memory_space<vmem>>
        %dma_start3A_1620 = arith.constant 0 : i32
        %dma_start3A_1621 = tpu.memref_slice %arg2[%dma_start3A_1620, %multiple_of3A_1609] : memref<16x1000001xf32, #tpu.memory_space<hbm>> -> memref<16x128xf32, #tpu.memory_space<hbm>>
        %dma_start3A_1622 = arith.constant 0 : i32
        %dma_start3A_1623 = arith.constant 0 : i32
        %dma_start3A_1624 = arith.constant 0 : i32
        %dma_start3A_1625 = tpu.memref_slice %arg6[%scan3A_1011, %dma_start3A_1622, %dma_start3A_1623, %dma_start3A_1624] : memref<3x16x16x128xf32, #tpu.memory_space<vmem>> -> memref<1x16x16x128xf32, #tpu.memory_space<vmem>>
        %dma_start3A_1626 = tpu.memref_squeeze %dma_start3A_1625 : memref<1x16x16x128xf32, #tpu.memory_space<vmem>> -> memref<16x16x128xf32, #tpu.memory_space<vmem>>
        %dma_start3A_1627 = arith.constant 0 : i32
        %dma_start3A_1628 = arith.constant 0 : i32
        %dma_start3A_1629 = tpu.memref_slice %dma_start3A_1626[%dma_start3A_1610, %dma_start3A_1627, %dma_start3A_1628] : memref<16x16x128xf32, #tpu.memory_space<vmem>> -> memref<1x16x128xf32, #tpu.memory_space<vmem>>
        %dma_start3A_1630 = tpu.memref_squeeze %dma_start3A_1629 : memref<1x16x128xf32, #tpu.memory_space<vmem>> -> memref<16x128xf32, #tpu.memory_space<vmem>>
        %dma_start3A_1631 = arith.constant 0 : i32
        %dma_start3A_1632 = tpu.memref_slice %arg2[%dma_start3A_1631, %multiple_of3A_1609] : memref<16x1000001xf32, #tpu.memory_space<hbm>> -> memref<16x128xf32, #tpu.memory_space<hbm>>
        tpu.enqueue_dma source(%dma_start3A_1632 : memref<16x128xf32, #tpu.memory_space<hbm>>) target(%dma_start3A_1630 : memref<16x128xf32, #tpu.memory_space<vmem>>) target_semaphore(%arg8 : memref<!tpu.dma_semaphore, #tpu.memory_space<semaphore_mem>>)
        %slice3A_1633 = vector.extract_strided_slice %get3A_1452 {offsets = [6], sizes = [1], strides = [1]} : vector<16xi32> to vector<1xi32>
        %squeeze3A_1634 = vector.extract %slice3A_1633[0] : i32 from vector<1xi32>
        %shift_right_arithmetic3A_1635 = arith.constant 7 : i32
        %shift_right_arithmetic3A_1636 = arith.shrsi %squeeze3A_1634, %shift_right_arithmetic3A_1635 : i32
        %shift_left3A_1637 = arith.constant 7 : i32
        %shift_left3A_1638 = arith.shli %shift_right_arithmetic3A_1636, %shift_left3A_1637 : i32
        %multiple_of3A_1639 = tpu.assume_multiple %shift_left3A_1638, 128 : i32
        %dma_start3A_1640 = arith.constant 6 : i32
        %dma_start3A_1641 = arith.constant 0 : i32
        %dma_start3A_1642 = arith.constant 0 : i32
        %dma_start3A_1643 = arith.constant 0 : i32
        %dma_start3A_1644 = tpu.memref_slice %arg6[%scan3A_1011, %dma_start3A_1641, %dma_start3A_1642, %dma_start3A_1643] : memref<3x16x16x128xf32, #tpu.memory_space<vmem>> -> memref<1x16x16x128xf32, #tpu.memory_space<vmem>>
        %dma_start3A_1645 = tpu.memref_squeeze %dma_start3A_1644 : memref<1x16x16x128xf32, #tpu.memory_space<vmem>> -> memref<16x16x128xf32, #tpu.memory_space<vmem>>
        %dma_start3A_1646 = arith.constant 0 : i32
        %dma_start3A_1647 = arith.constant 0 : i32
        %dma_start3A_1648 = tpu.memref_slice %dma_start3A_1645[%dma_start3A_1640, %dma_start3A_1646, %dma_start3A_1647] : memref<16x16x128xf32, #tpu.memory_space<vmem>> -> memref<1x16x128xf32, #tpu.memory_space<vmem>>
        %dma_start3A_1649 = tpu.memref_squeeze %dma_start3A_1648 : memref<1x16x128xf32, #tpu.memory_space<vmem>> -> memref<16x128xf32, #tpu.memory_space<vmem>>
        %dma_start3A_1650 = arith.constant 0 : i32
        %dma_start3A_1651 = tpu.memref_slice %arg2[%dma_start3A_1650, %multiple_of3A_1639] : memref<16x1000001xf32, #tpu.memory_space<hbm>> -> memref<16x128xf32, #tpu.memory_space<hbm>>
        %dma_start3A_1652 = arith.constant 0 : i32
        %dma_start3A_1653 = arith.constant 0 : i32
        %dma_start3A_1654 = arith.constant 0 : i32
        %dma_start3A_1655 = tpu.memref_slice %arg6[%scan3A_1011, %dma_start3A_1652, %dma_start3A_1653, %dma_start3A_1654] : memref<3x16x16x128xf32, #tpu.memory_space<vmem>> -> memref<1x16x16x128xf32, #tpu.memory_space<vmem>>
        %dma_start3A_1656 = tpu.memref_squeeze %dma_start3A_1655 : memref<1x16x16x128xf32, #tpu.memory_space<vmem>> -> memref<16x16x128xf32, #tpu.memory_space<vmem>>
        %dma_start3A_1657 = arith.constant 0 : i32
        %dma_start3A_1658 = arith.constant 0 : i32
        %dma_start3A_1659 = tpu.memref_slice %dma_start3A_1656[%dma_start3A_1640, %dma_start3A_1657, %dma_start3A_1658] : memref<16x16x128xf32, #tpu.memory_space<vmem>> -> memref<1x16x128xf32, #tpu.memory_space<vmem>>
        %dma_start3A_1660 = tpu.memref_squeeze %dma_start3A_1659 : memref<1x16x128xf32, #tpu.memory_space<vmem>> -> memref<16x128xf32, #tpu.memory_space<vmem>>
        %dma_start3A_1661 = arith.constant 0 : i32
        %dma_start3A_1662 = tpu.memref_slice %arg2[%dma_start3A_1661, %multiple_of3A_1639] : memref<16x1000001xf32, #tpu.memory_space<hbm>> -> memref<16x128xf32, #tpu.memory_space<hbm>>
        tpu.enqueue_dma source(%dma_start3A_1662 : memref<16x128xf32, #tpu.memory_space<hbm>>) target(%dma_start3A_1660 : memref<16x128xf32, #tpu.memory_space<vmem>>) target_semaphore(%arg8 : memref<!tpu.dma_semaphore, #tpu.memory_space<semaphore_mem>>)
        %slice3A_1663 = vector.extract_strided_slice %get3A_1452 {offsets = [7], sizes = [1], strides = [1]} : vector<16xi32> to vector<1xi32>
        %squeeze3A_1664 = vector.extract %slice3A_1663[0] : i32 from vector<1xi32>
        %shift_right_arithmetic3A_1665 = arith.constant 7 : i32
        %shift_right_arithmetic3A_1666 = arith.shrsi %squeeze3A_1664, %shift_right_arithmetic3A_1665 : i32
        %shift_left3A_1667 = arith.constant 7 : i32
        %shift_left3A_1668 = arith.shli %shift_right_arithmetic3A_1666, %shift_left3A_1667 : i32
        %multiple_of3A_1669 = tpu.assume_multiple %shift_left3A_1668, 128 : i32
        %dma_start3A_1670 = arith.constant 7 : i32
        %dma_start3A_1671 = arith.constant 0 : i32
        %dma_start3A_1672 = arith.constant 0 : i32
        %dma_start3A_1673 = arith.constant 0 : i32
        %dma_start3A_1674 = tpu.memref_slice %arg6[%scan3A_1011, %dma_start3A_1671, %dma_start3A_1672, %dma_start3A_1673] : memref<3x16x16x128xf32, #tpu.memory_space<vmem>> -> memref<1x16x16x128xf32, #tpu.memory_space<vmem>>
        %dma_start3A_1675 = tpu.memref_squeeze %dma_start3A_1674 : memref<1x16x16x128xf32, #tpu.memory_space<vmem>> -> memref<16x16x128xf32, #tpu.memory_space<vmem>>
        %dma_start3A_1676 = arith.constant 0 : i32
        %dma_start3A_1677 = arith.constant 0 : i32
        %dma_start3A_1678 = tpu.memref_slice %dma_start3A_1675[%dma_start3A_1670, %dma_start3A_1676, %dma_start3A_1677] : memref<16x16x128xf32, #tpu.memory_space<vmem>> -> memref<1x16x128xf32, #tpu.memory_space<vmem>>
        %dma_start3A_1679 = tpu.memref_squeeze %dma_start3A_1678 : memref<1x16x128xf32, #tpu.memory_space<vmem>> -> memref<16x128xf32, #tpu.memory_space<vmem>>
        %dma_start3A_1680 = arith.constant 0 : i32
        %dma_start3A_1681 = tpu.memref_slice %arg2[%dma_start3A_1680, %multiple_of3A_1669] : memref<16x1000001xf32, #tpu.memory_space<hbm>> -> memref<16x128xf32, #tpu.memory_space<hbm>>
        %dma_start3A_1682 = arith.constant 0 : i32
        %dma_start3A_1683 = arith.constant 0 : i32
        %dma_start3A_1684 = arith.constant 0 : i32
        %dma_start3A_1685 = tpu.memref_slice %arg6[%scan3A_1011, %dma_start3A_1682, %dma_start3A_1683, %dma_start3A_1684] : memref<3x16x16x128xf32, #tpu.memory_space<vmem>> -> memref<1x16x16x128xf32, #tpu.memory_space<vmem>>
        %dma_start3A_1686 = tpu.memref_squeeze %dma_start3A_1685 : memref<1x16x16x128xf32, #tpu.memory_space<vmem>> -> memref<16x16x128xf32, #tpu.memory_space<vmem>>
        %dma_start3A_1687 = arith.constant 0 : i32
        %dma_start3A_1688 = arith.constant 0 : i32
        %dma_start3A_1689 = tpu.memref_slice %dma_start3A_1686[%dma_start3A_1670, %dma_start3A_1687, %dma_start3A_1688] : memref<16x16x128xf32, #tpu.memory_space<vmem>> -> memref<1x16x128xf32, #tpu.memory_space<vmem>>
        %dma_start3A_1690 = tpu.memref_squeeze %dma_start3A_1689 : memref<1x16x128xf32, #tpu.memory_space<vmem>> -> memref<16x128xf32, #tpu.memory_space<vmem>>
        %dma_start3A_1691 = arith.constant 0 : i32
        %dma_start3A_1692 = tpu.memref_slice %arg2[%dma_start3A_1691, %multiple_of3A_1669] : memref<16x1000001xf32, #tpu.memory_space<hbm>> -> memref<16x128xf32, #tpu.memory_space<hbm>>
        tpu.enqueue_dma source(%dma_start3A_1692 : memref<16x128xf32, #tpu.memory_space<hbm>>) target(%dma_start3A_1690 : memref<16x128xf32, #tpu.memory_space<vmem>>) target_semaphore(%arg8 : memref<!tpu.dma_semaphore, #tpu.memory_space<semaphore_mem>>)
        %slice3A_1693 = vector.extract_strided_slice %get3A_1452 {offsets = [8], sizes = [1], strides = [1]} : vector<16xi32> to vector<1xi32>
        %squeeze3A_1694 = vector.extract %slice3A_1693[0] : i32 from vector<1xi32>
        %shift_right_arithmetic3A_1695 = arith.constant 7 : i32
        %shift_right_arithmetic3A_1696 = arith.shrsi %squeeze3A_1694, %shift_right_arithmetic3A_1695 : i32
        %shift_left3A_1697 = arith.constant 7 : i32
        %shift_left3A_1698 = arith.shli %shift_right_arithmetic3A_1696, %shift_left3A_1697 : i32
        %multiple_of3A_1699 = tpu.assume_multiple %shift_left3A_1698, 128 : i32
        %dma_start3A_1700 = arith.constant 8 : i32
        %dma_start3A_1701 = arith.constant 0 : i32
        %dma_start3A_1702 = arith.constant 0 : i32
        %dma_start3A_1703 = arith.constant 0 : i32
        %dma_start3A_1704 = tpu.memref_slice %arg6[%scan3A_1011, %dma_start3A_1701, %dma_start3A_1702, %dma_start3A_1703] : memref<3x16x16x128xf32, #tpu.memory_space<vmem>> -> memref<1x16x16x128xf32, #tpu.memory_space<vmem>>
        %dma_start3A_1705 = tpu.memref_squeeze %dma_start3A_1704 : memref<1x16x16x128xf32, #tpu.memory_space<vmem>> -> memref<16x16x128xf32, #tpu.memory_space<vmem>>
        %dma_start3A_1706 = arith.constant 0 : i32
        %dma_start3A_1707 = arith.constant 0 : i32
        %dma_start3A_1708 = tpu.memref_slice %dma_start3A_1705[%dma_start3A_1700, %dma_start3A_1706, %dma_start3A_1707] : memref<16x16x128xf32, #tpu.memory_space<vmem>> -> memref<1x16x128xf32, #tpu.memory_space<vmem>>
        %dma_start3A_1709 = tpu.memref_squeeze %dma_start3A_1708 : memref<1x16x128xf32, #tpu.memory_space<vmem>> -> memref<16x128xf32, #tpu.memory_space<vmem>>
        %dma_start3A_1710 = arith.constant 0 : i32
        %dma_start3A_1711 = tpu.memref_slice %arg2[%dma_start3A_1710, %multiple_of3A_1699] : memref<16x1000001xf32, #tpu.memory_space<hbm>> -> memref<16x128xf32, #tpu.memory_space<hbm>>
        %dma_start3A_1712 = arith.constant 0 : i32
        %dma_start3A_1713 = arith.constant 0 : i32
        %dma_start3A_1714 = arith.constant 0 : i32
        %dma_start3A_1715 = tpu.memref_slice %arg6[%scan3A_1011, %dma_start3A_1712, %dma_start3A_1713, %dma_start3A_1714] : memref<3x16x16x128xf32, #tpu.memory_space<vmem>> -> memref<1x16x16x128xf32, #tpu.memory_space<vmem>>
        %dma_start3A_1716 = tpu.memref_squeeze %dma_start3A_1715 : memref<1x16x16x128xf32, #tpu.memory_space<vmem>> -> memref<16x16x128xf32, #tpu.memory_space<vmem>>
        %dma_start3A_1717 = arith.constant 0 : i32
        %dma_start3A_1718 = arith.constant 0 : i32
        %dma_start3A_1719 = tpu.memref_slice %dma_start3A_1716[%dma_start3A_1700, %dma_start3A_1717, %dma_start3A_1718] : memref<16x16x128xf32, #tpu.memory_space<vmem>> -> memref<1x16x128xf32, #tpu.memory_space<vmem>>
        %dma_start3A_1720 = tpu.memref_squeeze %dma_start3A_1719 : memref<1x16x128xf32, #tpu.memory_space<vmem>> -> memref<16x128xf32, #tpu.memory_space<vmem>>
        %dma_start3A_1721 = arith.constant 0 : i32
        %dma_start3A_1722 = tpu.memref_slice %arg2[%dma_start3A_1721, %multiple_of3A_1699] : memref<16x1000001xf32, #tpu.memory_space<hbm>> -> memref<16x128xf32, #tpu.memory_space<hbm>>
        tpu.enqueue_dma source(%dma_start3A_1722 : memref<16x128xf32, #tpu.memory_space<hbm>>) target(%dma_start3A_1720 : memref<16x128xf32, #tpu.memory_space<vmem>>) target_semaphore(%arg8 : memref<!tpu.dma_semaphore, #tpu.memory_space<semaphore_mem>>)
        %slice3A_1723 = vector.extract_strided_slice %get3A_1452 {offsets = [9], sizes = [1], strides = [1]} : vector<16xi32> to vector<1xi32>
        %squeeze3A_1724 = vector.extract %slice3A_1723[0] : i32 from vector<1xi32>
        %shift_right_arithmetic3A_1725 = arith.constant 7 : i32
        %shift_right_arithmetic3A_1726 = arith.shrsi %squeeze3A_1724, %shift_right_arithmetic3A_1725 : i32
        %shift_left3A_1727 = arith.constant 7 : i32
        %shift_left3A_1728 = arith.shli %shift_right_arithmetic3A_1726, %shift_left3A_1727 : i32
        %multiple_of3A_1729 = tpu.assume_multiple %shift_left3A_1728, 128 : i32
        %dma_start3A_1730 = arith.constant 9 : i32
        %dma_start3A_1731 = arith.constant 0 : i32
        %dma_start3A_1732 = arith.constant 0 : i32
        %dma_start3A_1733 = arith.constant 0 : i32
        %dma_start3A_1734 = tpu.memref_slice %arg6[%scan3A_1011, %dma_start3A_1731, %dma_start3A_1732, %dma_start3A_1733] : memref<3x16x16x128xf32, #tpu.memory_space<vmem>> -> memref<1x16x16x128xf32, #tpu.memory_space<vmem>>
        %dma_start3A_1735 = tpu.memref_squeeze %dma_start3A_1734 : memref<1x16x16x128xf32, #tpu.memory_space<vmem>> -> memref<16x16x128xf32, #tpu.memory_space<vmem>>
        %dma_start3A_1736 = arith.constant 0 : i32
        %dma_start3A_1737 = arith.constant 0 : i32
        %dma_start3A_1738 = tpu.memref_slice %dma_start3A_1735[%dma_start3A_1730, %dma_start3A_1736, %dma_start3A_1737] : memref<16x16x128xf32, #tpu.memory_space<vmem>> -> memref<1x16x128xf32, #tpu.memory_space<vmem>>
        %dma_start3A_1739 = tpu.memref_squeeze %dma_start3A_1738 : memref<1x16x128xf32, #tpu.memory_space<vmem>> -> memref<16x128xf32, #tpu.memory_space<vmem>>
        %dma_start3A_1740 = arith.constant 0 : i32
        %dma_start3A_1741 = tpu.memref_slice %arg2[%dma_start3A_1740, %multiple_of3A_1729] : memref<16x1000001xf32, #tpu.memory_space<hbm>> -> memref<16x128xf32, #tpu.memory_space<hbm>>
        %dma_start3A_1742 = arith.constant 0 : i32
        %dma_start3A_1743 = arith.constant 0 : i32
        %dma_start3A_1744 = arith.constant 0 : i32
        %dma_start3A_1745 = tpu.memref_slice %arg6[%scan3A_1011, %dma_start3A_1742, %dma_start3A_1743, %dma_start3A_1744] : memref<3x16x16x128xf32, #tpu.memory_space<vmem>> -> memref<1x16x16x128xf32, #tpu.memory_space<vmem>>
        %dma_start3A_1746 = tpu.memref_squeeze %dma_start3A_1745 : memref<1x16x16x128xf32, #tpu.memory_space<vmem>> -> memref<16x16x128xf32, #tpu.memory_space<vmem>>
        %dma_start3A_1747 = arith.constant 0 : i32
        %dma_start3A_1748 = arith.constant 0 : i32
        %dma_start3A_1749 = tpu.memref_slice %dma_start3A_1746[%dma_start3A_1730, %dma_start3A_1747, %dma_start3A_1748] : memref<16x16x128xf32, #tpu.memory_space<vmem>> -> memref<1x16x128xf32, #tpu.memory_space<vmem>>
        %dma_start3A_1750 = tpu.memref_squeeze %dma_start3A_1749 : memref<1x16x128xf32, #tpu.memory_space<vmem>> -> memref<16x128xf32, #tpu.memory_space<vmem>>
        %dma_start3A_1751 = arith.constant 0 : i32
        %dma_start3A_1752 = tpu.memref_slice %arg2[%dma_start3A_1751, %multiple_of3A_1729] : memref<16x1000001xf32, #tpu.memory_space<hbm>> -> memref<16x128xf32, #tpu.memory_space<hbm>>
        tpu.enqueue_dma source(%dma_start3A_1752 : memref<16x128xf32, #tpu.memory_space<hbm>>) target(%dma_start3A_1750 : memref<16x128xf32, #tpu.memory_space<vmem>>) target_semaphore(%arg8 : memref<!tpu.dma_semaphore, #tpu.memory_space<semaphore_mem>>)
        %slice3A_1753 = vector.extract_strided_slice %get3A_1452 {offsets = [10], sizes = [1], strides = [1]} : vector<16xi32> to vector<1xi32>
        %squeeze3A_1754 = vector.extract %slice3A_1753[0] : i32 from vector<1xi32>
        %shift_right_arithmetic3A_1755 = arith.constant 7 : i32
        %shift_right_arithmetic3A_1756 = arith.shrsi %squeeze3A_1754, %shift_right_arithmetic3A_1755 : i32
        %shift_left3A_1757 = arith.constant 7 : i32
        %shift_left3A_1758 = arith.shli %shift_right_arithmetic3A_1756, %shift_left3A_1757 : i32
        %multiple_of3A_1759 = tpu.assume_multiple %shift_left3A_1758, 128 : i32
        %dma_start3A_1760 = arith.constant 10 : i32
        %dma_start3A_1761 = arith.constant 0 : i32
        %dma_start3A_1762 = arith.constant 0 : i32
        %dma_start3A_1763 = arith.constant 0 : i32
        %dma_start3A_1764 = tpu.memref_slice %arg6[%scan3A_1011, %dma_start3A_1761, %dma_start3A_1762, %dma_start3A_1763] : memref<3x16x16x128xf32, #tpu.memory_space<vmem>> -> memref<1x16x16x128xf32, #tpu.memory_space<vmem>>
        %dma_start3A_1765 = tpu.memref_squeeze %dma_start3A_1764 : memref<1x16x16x128xf32, #tpu.memory_space<vmem>> -> memref<16x16x128xf32, #tpu.memory_space<vmem>>
        %dma_start3A_1766 = arith.constant 0 : i32
        %dma_start3A_1767 = arith.constant 0 : i32
        %dma_start3A_1768 = tpu.memref_slice %dma_start3A_1765[%dma_start3A_1760, %dma_start3A_1766, %dma_start3A_1767] : memref<16x16x128xf32, #tpu.memory_space<vmem>> -> memref<1x16x128xf32, #tpu.memory_space<vmem>>
        %dma_start3A_1769 = tpu.memref_squeeze %dma_start3A_1768 : memref<1x16x128xf32, #tpu.memory_space<vmem>> -> memref<16x128xf32, #tpu.memory_space<vmem>>
        %dma_start3A_1770 = arith.constant 0 : i32
        %dma_start3A_1771 = tpu.memref_slice %arg2[%dma_start3A_1770, %multiple_of3A_1759] : memref<16x1000001xf32, #tpu.memory_space<hbm>> -> memref<16x128xf32, #tpu.memory_space<hbm>>
        %dma_start3A_1772 = arith.constant 0 : i32
        %dma_start3A_1773 = arith.constant 0 : i32
        %dma_start3A_1774 = arith.constant 0 : i32
        %dma_start3A_1775 = tpu.memref_slice %arg6[%scan3A_1011, %dma_start3A_1772, %dma_start3A_1773, %dma_start3A_1774] : memref<3x16x16x128xf32, #tpu.memory_space<vmem>> -> memref<1x16x16x128xf32, #tpu.memory_space<vmem>>
        %dma_start3A_1776 = tpu.memref_squeeze %dma_start3A_1775 : memref<1x16x16x128xf32, #tpu.memory_space<vmem>> -> memref<16x16x128xf32, #tpu.memory_space<vmem>>
        %dma_start3A_1777 = arith.constant 0 : i32
        %dma_start3A_1778 = arith.constant 0 : i32
        %dma_start3A_1779 = tpu.memref_slice %dma_start3A_1776[%dma_start3A_1760, %dma_start3A_1777, %dma_start3A_1778] : memref<16x16x128xf32, #tpu.memory_space<vmem>> -> memref<1x16x128xf32, #tpu.memory_space<vmem>>
        %dma_start3A_1780 = tpu.memref_squeeze %dma_start3A_1779 : memref<1x16x128xf32, #tpu.memory_space<vmem>> -> memref<16x128xf32, #tpu.memory_space<vmem>>
        %dma_start3A_1781 = arith.constant 0 : i32
        %dma_start3A_1782 = tpu.memref_slice %arg2[%dma_start3A_1781, %multiple_of3A_1759] : memref<16x1000001xf32, #tpu.memory_space<hbm>> -> memref<16x128xf32, #tpu.memory_space<hbm>>
        tpu.enqueue_dma source(%dma_start3A_1782 : memref<16x128xf32, #tpu.memory_space<hbm>>) target(%dma_start3A_1780 : memref<16x128xf32, #tpu.memory_space<vmem>>) target_semaphore(%arg8 : memref<!tpu.dma_semaphore, #tpu.memory_space<semaphore_mem>>)
        %slice3A_1783 = vector.extract_strided_slice %get3A_1452 {offsets = [11], sizes = [1], strides = [1]} : vector<16xi32> to vector<1xi32>
        %squeeze3A_1784 = vector.extract %slice3A_1783[0] : i32 from vector<1xi32>
        %shift_right_arithmetic3A_1785 = arith.constant 7 : i32
        %shift_right_arithmetic3A_1786 = arith.shrsi %squeeze3A_1784, %shift_right_arithmetic3A_1785 : i32
        %shift_left3A_1787 = arith.constant 7 : i32
        %shift_left3A_1788 = arith.shli %shift_right_arithmetic3A_1786, %shift_left3A_1787 : i32
        %multiple_of3A_1789 = tpu.assume_multiple %shift_left3A_1788, 128 : i32
        %dma_start3A_1790 = arith.constant 11 : i32
        %dma_start3A_1791 = arith.constant 0 : i32
        %dma_start3A_1792 = arith.constant 0 : i32
        %dma_start3A_1793 = arith.constant 0 : i32
        %dma_start3A_1794 = tpu.memref_slice %arg6[%scan3A_1011, %dma_start3A_1791, %dma_start3A_1792, %dma_start3A_1793] : memref<3x16x16x128xf32, #tpu.memory_space<vmem>> -> memref<1x16x16x128xf32, #tpu.memory_space<vmem>>
        %dma_start3A_1795 = tpu.memref_squeeze %dma_start3A_1794 : memref<1x16x16x128xf32, #tpu.memory_space<vmem>> -> memref<16x16x128xf32, #tpu.memory_space<vmem>>
        %dma_start3A_1796 = arith.constant 0 : i32
        %dma_start3A_1797 = arith.constant 0 : i32
        %dma_start3A_1798 = tpu.memref_slice %dma_start3A_1795[%dma_start3A_1790, %dma_start3A_1796, %dma_start3A_1797] : memref<16x16x128xf32, #tpu.memory_space<vmem>> -> memref<1x16x128xf32, #tpu.memory_space<vmem>>
        %dma_start3A_1799 = tpu.memref_squeeze %dma_start3A_1798 : memref<1x16x128xf32, #tpu.memory_space<vmem>> -> memref<16x128xf32, #tpu.memory_space<vmem>>
        %dma_start3A_1800 = arith.constant 0 : i32
        %dma_start3A_1801 = tpu.memref_slice %arg2[%dma_start3A_1800, %multiple_of3A_1789] : memref<16x1000001xf32, #tpu.memory_space<hbm>> -> memref<16x128xf32, #tpu.memory_space<hbm>>
        %dma_start3A_1802 = arith.constant 0 : i32
        %dma_start3A_1803 = arith.constant 0 : i32
        %dma_start3A_1804 = arith.constant 0 : i32
        %dma_start3A_1805 = tpu.memref_slice %arg6[%scan3A_1011, %dma_start3A_1802, %dma_start3A_1803, %dma_start3A_1804] : memref<3x16x16x128xf32, #tpu.memory_space<vmem>> -> memref<1x16x16x128xf32, #tpu.memory_space<vmem>>
        %dma_start3A_1806 = tpu.memref_squeeze %dma_start3A_1805 : memref<1x16x16x128xf32, #tpu.memory_space<vmem>> -> memref<16x16x128xf32, #tpu.memory_space<vmem>>
        %dma_start3A_1807 = arith.constant 0 : i32
        %dma_start3A_1808 = arith.constant 0 : i32
        %dma_start3A_1809 = tpu.memref_slice %dma_start3A_1806[%dma_start3A_1790, %dma_start3A_1807, %dma_start3A_1808] : memref<16x16x128xf32, #tpu.memory_space<vmem>> -> memref<1x16x128xf32, #tpu.memory_space<vmem>>
        %dma_start3A_1810 = tpu.memref_squeeze %dma_start3A_1809 : memref<1x16x128xf32, #tpu.memory_space<vmem>> -> memref<16x128xf32, #tpu.memory_space<vmem>>
        %dma_start3A_1811 = arith.constant 0 : i32
        %dma_start3A_1812 = tpu.memref_slice %arg2[%dma_start3A_1811, %multiple_of3A_1789] : memref<16x1000001xf32, #tpu.memory_space<hbm>> -> memref<16x128xf32, #tpu.memory_space<hbm>>
        tpu.enqueue_dma source(%dma_start3A_1812 : memref<16x128xf32, #tpu.memory_space<hbm>>) target(%dma_start3A_1810 : memref<16x128xf32, #tpu.memory_space<vmem>>) target_semaphore(%arg8 : memref<!tpu.dma_semaphore, #tpu.memory_space<semaphore_mem>>)
        %slice3A_1813 = vector.extract_strided_slice %get3A_1452 {offsets = [12], sizes = [1], strides = [1]} : vector<16xi32> to vector<1xi32>
        %squeeze3A_1814 = vector.extract %slice3A_1813[0] : i32 from vector<1xi32>
        %shift_right_arithmetic3A_1815 = arith.constant 7 : i32
        %shift_right_arithmetic3A_1816 = arith.shrsi %squeeze3A_1814, %shift_right_arithmetic3A_1815 : i32
        %shift_left3A_1817 = arith.constant 7 : i32
        %shift_left3A_1818 = arith.shli %shift_right_arithmetic3A_1816, %shift_left3A_1817 : i32
        %multiple_of3A_1819 = tpu.assume_multiple %shift_left3A_1818, 128 : i32
        %dma_start3A_1820 = arith.constant 12 : i32
        %dma_start3A_1821 = arith.constant 0 : i32
        %dma_start3A_1822 = arith.constant 0 : i32
        %dma_start3A_1823 = arith.constant 0 : i32
        %dma_start3A_1824 = tpu.memref_slice %arg6[%scan3A_1011, %dma_start3A_1821, %dma_start3A_1822, %dma_start3A_1823] : memref<3x16x16x128xf32, #tpu.memory_space<vmem>> -> memref<1x16x16x128xf32, #tpu.memory_space<vmem>>
        %dma_start3A_1825 = tpu.memref_squeeze %dma_start3A_1824 : memref<1x16x16x128xf32, #tpu.memory_space<vmem>> -> memref<16x16x128xf32, #tpu.memory_space<vmem>>
        %dma_start3A_1826 = arith.constant 0 : i32
        %dma_start3A_1827 = arith.constant 0 : i32
        %dma_start3A_1828 = tpu.memref_slice %dma_start3A_1825[%dma_start3A_1820, %dma_start3A_1826, %dma_start3A_1827] : memref<16x16x128xf32, #tpu.memory_space<vmem>> -> memref<1x16x128xf32, #tpu.memory_space<vmem>>
        %dma_start3A_1829 = tpu.memref_squeeze %dma_start3A_1828 : memref<1x16x128xf32, #tpu.memory_space<vmem>> -> memref<16x128xf32, #tpu.memory_space<vmem>>
        %dma_start3A_1830 = arith.constant 0 : i32
        %dma_start3A_1831 = tpu.memref_slice %arg2[%dma_start3A_1830, %multiple_of3A_1819] : memref<16x1000001xf32, #tpu.memory_space<hbm>> -> memref<16x128xf32, #tpu.memory_space<hbm>>
        %dma_start3A_1832 = arith.constant 0 : i32
        %dma_start3A_1833 = arith.constant 0 : i32
        %dma_start3A_1834 = arith.constant 0 : i32
        %dma_start3A_1835 = tpu.memref_slice %arg6[%scan3A_1011, %dma_start3A_1832, %dma_start3A_1833, %dma_start3A_1834] : memref<3x16x16x128xf32, #tpu.memory_space<vmem>> -> memref<1x16x16x128xf32, #tpu.memory_space<vmem>>
        %dma_start3A_1836 = tpu.memref_squeeze %dma_start3A_1835 : memref<1x16x16x128xf32, #tpu.memory_space<vmem>> -> memref<16x16x128xf32, #tpu.memory_space<vmem>>
        %dma_start3A_1837 = arith.constant 0 : i32
        %dma_start3A_1838 = arith.constant 0 : i32
        %dma_start3A_1839 = tpu.memref_slice %dma_start3A_1836[%dma_start3A_1820, %dma_start3A_1837, %dma_start3A_1838] : memref<16x16x128xf32, #tpu.memory_space<vmem>> -> memref<1x16x128xf32, #tpu.memory_space<vmem>>
        %dma_start3A_1840 = tpu.memref_squeeze %dma_start3A_1839 : memref<1x16x128xf32, #tpu.memory_space<vmem>> -> memref<16x128xf32, #tpu.memory_space<vmem>>
        %dma_start3A_1841 = arith.constant 0 : i32
        %dma_start3A_1842 = tpu.memref_slice %arg2[%dma_start3A_1841, %multiple_of3A_1819] : memref<16x1000001xf32, #tpu.memory_space<hbm>> -> memref<16x128xf32, #tpu.memory_space<hbm>>
        tpu.enqueue_dma source(%dma_start3A_1842 : memref<16x128xf32, #tpu.memory_space<hbm>>) target(%dma_start3A_1840 : memref<16x128xf32, #tpu.memory_space<vmem>>) target_semaphore(%arg8 : memref<!tpu.dma_semaphore, #tpu.memory_space<semaphore_mem>>)
        %slice3A_1843 = vector.extract_strided_slice %get3A_1452 {offsets = [13], sizes = [1], strides = [1]} : vector<16xi32> to vector<1xi32>
        %squeeze3A_1844 = vector.extract %slice3A_1843[0] : i32 from vector<1xi32>
        %shift_right_arithmetic3A_1845 = arith.constant 7 : i32
        %shift_right_arithmetic3A_1846 = arith.shrsi %squeeze3A_1844, %shift_right_arithmetic3A_1845 : i32
        %shift_left3A_1847 = arith.constant 7 : i32
        %shift_left3A_1848 = arith.shli %shift_right_arithmetic3A_1846, %shift_left3A_1847 : i32
        %multiple_of3A_1849 = tpu.assume_multiple %shift_left3A_1848, 128 : i32
        %dma_start3A_1850 = arith.constant 13 : i32
        %dma_start3A_1851 = arith.constant 0 : i32
        %dma_start3A_1852 = arith.constant 0 : i32
        %dma_start3A_1853 = arith.constant 0 : i32
        %dma_start3A_1854 = tpu.memref_slice %arg6[%scan3A_1011, %dma_start3A_1851, %dma_start3A_1852, %dma_start3A_1853] : memref<3x16x16x128xf32, #tpu.memory_space<vmem>> -> memref<1x16x16x128xf32, #tpu.memory_space<vmem>>
        %dma_start3A_1855 = tpu.memref_squeeze %dma_start3A_1854 : memref<1x16x16x128xf32, #tpu.memory_space<vmem>> -> memref<16x16x128xf32, #tpu.memory_space<vmem>>
        %dma_start3A_1856 = arith.constant 0 : i32
        %dma_start3A_1857 = arith.constant 0 : i32
        %dma_start3A_1858 = tpu.memref_slice %dma_start3A_1855[%dma_start3A_1850, %dma_start3A_1856, %dma_start3A_1857] : memref<16x16x128xf32, #tpu.memory_space<vmem>> -> memref<1x16x128xf32, #tpu.memory_space<vmem>>
        %dma_start3A_1859 = tpu.memref_squeeze %dma_start3A_1858 : memref<1x16x128xf32, #tpu.memory_space<vmem>> -> memref<16x128xf32, #tpu.memory_space<vmem>>
        %dma_start3A_1860 = arith.constant 0 : i32
        %dma_start3A_1861 = tpu.memref_slice %arg2[%dma_start3A_1860, %multiple_of3A_1849] : memref<16x1000001xf32, #tpu.memory_space<hbm>> -> memref<16x128xf32, #tpu.memory_space<hbm>>
        %dma_start3A_1862 = arith.constant 0 : i32
        %dma_start3A_1863 = arith.constant 0 : i32
        %dma_start3A_1864 = arith.constant 0 : i32
        %dma_start3A_1865 = tpu.memref_slice %arg6[%scan3A_1011, %dma_start3A_1862, %dma_start3A_1863, %dma_start3A_1864] : memref<3x16x16x128xf32, #tpu.memory_space<vmem>> -> memref<1x16x16x128xf32, #tpu.memory_space<vmem>>
        %dma_start3A_1866 = tpu.memref_squeeze %dma_start3A_1865 : memref<1x16x16x128xf32, #tpu.memory_space<vmem>> -> memref<16x16x128xf32, #tpu.memory_space<vmem>>
        %dma_start3A_1867 = arith.constant 0 : i32
        %dma_start3A_1868 = arith.constant 0 : i32
        %dma_start3A_1869 = tpu.memref_slice %dma_start3A_1866[%dma_start3A_1850, %dma_start3A_1867, %dma_start3A_1868] : memref<16x16x128xf32, #tpu.memory_space<vmem>> -> memref<1x16x128xf32, #tpu.memory_space<vmem>>
        %dma_start3A_1870 = tpu.memref_squeeze %dma_start3A_1869 : memref<1x16x128xf32, #tpu.memory_space<vmem>> -> memref<16x128xf32, #tpu.memory_space<vmem>>
        %dma_start3A_1871 = arith.constant 0 : i32
        %dma_start3A_1872 = tpu.memref_slice %arg2[%dma_start3A_1871, %multiple_of3A_1849] : memref<16x1000001xf32, #tpu.memory_space<hbm>> -> memref<16x128xf32, #tpu.memory_space<hbm>>
        tpu.enqueue_dma source(%dma_start3A_1872 : memref<16x128xf32, #tpu.memory_space<hbm>>) target(%dma_start3A_1870 : memref<16x128xf32, #tpu.memory_space<vmem>>) target_semaphore(%arg8 : memref<!tpu.dma_semaphore, #tpu.memory_space<semaphore_mem>>)
        %slice3A_1873 = vector.extract_strided_slice %get3A_1452 {offsets = [14], sizes = [1], strides = [1]} : vector<16xi32> to vector<1xi32>
        %squeeze3A_1874 = vector.extract %slice3A_1873[0] : i32 from vector<1xi32>
        %shift_right_arithmetic3A_1875 = arith.constant 7 : i32
        %shift_right_arithmetic3A_1876 = arith.shrsi %squeeze3A_1874, %shift_right_arithmetic3A_1875 : i32
        %shift_left3A_1877 = arith.constant 7 : i32
        %shift_left3A_1878 = arith.shli %shift_right_arithmetic3A_1876, %shift_left3A_1877 : i32
        %multiple_of3A_1879 = tpu.assume_multiple %shift_left3A_1878, 128 : i32
        %dma_start3A_1880 = arith.constant 14 : i32
        %dma_start3A_1881 = arith.constant 0 : i32
        %dma_start3A_1882 = arith.constant 0 : i32
        %dma_start3A_1883 = arith.constant 0 : i32
        %dma_start3A_1884 = tpu.memref_slice %arg6[%scan3A_1011, %dma_start3A_1881, %dma_start3A_1882, %dma_start3A_1883] : memref<3x16x16x128xf32, #tpu.memory_space<vmem>> -> memref<1x16x16x128xf32, #tpu.memory_space<vmem>>
        %dma_start3A_1885 = tpu.memref_squeeze %dma_start3A_1884 : memref<1x16x16x128xf32, #tpu.memory_space<vmem>> -> memref<16x16x128xf32, #tpu.memory_space<vmem>>
        %dma_start3A_1886 = arith.constant 0 : i32
        %dma_start3A_1887 = arith.constant 0 : i32
        %dma_start3A_1888 = tpu.memref_slice %dma_start3A_1885[%dma_start3A_1880, %dma_start3A_1886, %dma_start3A_1887] : memref<16x16x128xf32, #tpu.memory_space<vmem>> -> memref<1x16x128xf32, #tpu.memory_space<vmem>>
        %dma_start3A_1889 = tpu.memref_squeeze %dma_start3A_1888 : memref<1x16x128xf32, #tpu.memory_space<vmem>> -> memref<16x128xf32, #tpu.memory_space<vmem>>
        %dma_start3A_1890 = arith.constant 0 : i32
        %dma_start3A_1891 = tpu.memref_slice %arg2[%dma_start3A_1890, %multiple_of3A_1879] : memref<16x1000001xf32, #tpu.memory_space<hbm>> -> memref<16x128xf32, #tpu.memory_space<hbm>>
        %dma_start3A_1892 = arith.constant 0 : i32
        %dma_start3A_1893 = arith.constant 0 : i32
        %dma_start3A_1894 = arith.constant 0 : i32
        %dma_start3A_1895 = tpu.memref_slice %arg6[%scan3A_1011, %dma_start3A_1892, %dma_start3A_1893, %dma_start3A_1894] : memref<3x16x16x128xf32, #tpu.memory_space<vmem>> -> memref<1x16x16x128xf32, #tpu.memory_space<vmem>>
        %dma_start3A_1896 = tpu.memref_squeeze %dma_start3A_1895 : memref<1x16x16x128xf32, #tpu.memory_space<vmem>> -> memref<16x16x128xf32, #tpu.memory_space<vmem>>
        %dma_start3A_1897 = arith.constant 0 : i32
        %dma_start3A_1898 = arith.constant 0 : i32
        %dma_start3A_1899 = tpu.memref_slice %dma_start3A_1896[%dma_start3A_1880, %dma_start3A_1897, %dma_start3A_1898] : memref<16x16x128xf32, #tpu.memory_space<vmem>> -> memref<1x16x128xf32, #tpu.memory_space<vmem>>
        %dma_start3A_1900 = tpu.memref_squeeze %dma_start3A_1899 : memref<1x16x128xf32, #tpu.memory_space<vmem>> -> memref<16x128xf32, #tpu.memory_space<vmem>>
        %dma_start3A_1901 = arith.constant 0 : i32
        %dma_start3A_1902 = tpu.memref_slice %arg2[%dma_start3A_1901, %multiple_of3A_1879] : memref<16x1000001xf32, #tpu.memory_space<hbm>> -> memref<16x128xf32, #tpu.memory_space<hbm>>
        tpu.enqueue_dma source(%dma_start3A_1902 : memref<16x128xf32, #tpu.memory_space<hbm>>) target(%dma_start3A_1900 : memref<16x128xf32, #tpu.memory_space<vmem>>) target_semaphore(%arg8 : memref<!tpu.dma_semaphore, #tpu.memory_space<semaphore_mem>>)
        %slice3A_1903 = vector.extract_strided_slice %get3A_1452 {offsets = [15], sizes = [1], strides = [1]} : vector<16xi32> to vector<1xi32>
        %squeeze3A_1904 = vector.extract %slice3A_1903[0] : i32 from vector<1xi32>
        %shift_right_arithmetic3A_1905 = arith.constant 7 : i32
        %shift_right_arithmetic3A_1906 = arith.shrsi %squeeze3A_1904, %shift_right_arithmetic3A_1905 : i32
        %shift_left3A_1907 = arith.constant 7 : i32
        %shift_left3A_1908 = arith.shli %shift_right_arithmetic3A_1906, %shift_left3A_1907 : i32
        %multiple_of3A_1909 = tpu.assume_multiple %shift_left3A_1908, 128 : i32
        %dma_start3A_1910 = arith.constant 15 : i32
        %dma_start3A_1911 = arith.constant 0 : i32
        %dma_start3A_1912 = arith.constant 0 : i32
        %dma_start3A_1913 = arith.constant 0 : i32
        %dma_start3A_1914 = tpu.memref_slice %arg6[%scan3A_1011, %dma_start3A_1911, %dma_start3A_1912, %dma_start3A_1913] : memref<3x16x16x128xf32, #tpu.memory_space<vmem>> -> memref<1x16x16x128xf32, #tpu.memory_space<vmem>>
        %dma_start3A_1915 = tpu.memref_squeeze %dma_start3A_1914 : memref<1x16x16x128xf32, #tpu.memory_space<vmem>> -> memref<16x16x128xf32, #tpu.memory_space<vmem>>
        %dma_start3A_1916 = arith.constant 0 : i32
        %dma_start3A_1917 = arith.constant 0 : i32
        %dma_start3A_1918 = tpu.memref_slice %dma_start3A_1915[%dma_start3A_1910, %dma_start3A_1916, %dma_start3A_1917] : memref<16x16x128xf32, #tpu.memory_space<vmem>> -> memref<1x16x128xf32, #tpu.memory_space<vmem>>
        %dma_start3A_1919 = tpu.memref_squeeze %dma_start3A_1918 : memref<1x16x128xf32, #tpu.memory_space<vmem>> -> memref<16x128xf32, #tpu.memory_space<vmem>>
        %dma_start3A_1920 = arith.constant 0 : i32
        %dma_start3A_1921 = tpu.memref_slice %arg2[%dma_start3A_1920, %multiple_of3A_1909] : memref<16x1000001xf32, #tpu.memory_space<hbm>> -> memref<16x128xf32, #tpu.memory_space<hbm>>
        %dma_start3A_1922 = arith.constant 0 : i32
        %dma_start3A_1923 = arith.constant 0 : i32
        %dma_start3A_1924 = arith.constant 0 : i32
        %dma_start3A_1925 = tpu.memref_slice %arg6[%scan3A_1011, %dma_start3A_1922, %dma_start3A_1923, %dma_start3A_1924] : memref<3x16x16x128xf32, #tpu.memory_space<vmem>> -> memref<1x16x16x128xf32, #tpu.memory_space<vmem>>
        %dma_start3A_1926 = tpu.memref_squeeze %dma_start3A_1925 : memref<1x16x16x128xf32, #tpu.memory_space<vmem>> -> memref<16x16x128xf32, #tpu.memory_space<vmem>>
        %dma_start3A_1927 = arith.constant 0 : i32
        %dma_start3A_1928 = arith.constant 0 : i32
        %dma_start3A_1929 = tpu.memref_slice %dma_start3A_1926[%dma_start3A_1910, %dma_start3A_1927, %dma_start3A_1928] : memref<16x16x128xf32, #tpu.memory_space<vmem>> -> memref<1x16x128xf32, #tpu.memory_space<vmem>>
        %dma_start3A_1930 = tpu.memref_squeeze %dma_start3A_1929 : memref<1x16x128xf32, #tpu.memory_space<vmem>> -> memref<16x128xf32, #tpu.memory_space<vmem>>
        %dma_start3A_1931 = arith.constant 0 : i32
        %dma_start3A_1932 = tpu.memref_slice %arg2[%dma_start3A_1931, %multiple_of3A_1909] : memref<16x1000001xf32, #tpu.memory_space<hbm>> -> memref<16x128xf32, #tpu.memory_space<hbm>>
        tpu.enqueue_dma source(%dma_start3A_1932 : memref<16x128xf32, #tpu.memory_space<hbm>>) target(%dma_start3A_1930 : memref<16x128xf32, #tpu.memory_space<vmem>>) target_semaphore(%arg8 : memref<!tpu.dma_semaphore, #tpu.memory_space<semaphore_mem>>)
      } else {
      }
      %add3A_1014 = arith.constant 1 : i32
      %add3A_1015 = arith.addi %scan3A_1011, %add3A_1014 : i32
      %ge3A = arith.constant 2 : i32
      %ge3A_1016 = arith.cmpi sge, %scan3A_1011, %ge3A : i32
      %jit3A = arith.constant 3 : i32
      %jit3A_1017 = arith.constant 0 : i32
      %select_n3A = arith.select %ge3A_1016, %jit3A, %jit3A_1017 : i32
      %sub3A = arith.subi %add3A_1015, %select_n3A : i32
      %mul3A_1018 = arith.constant 16 : i32
      %mul3A_1019 = arith.muli %scan3A_1010, %mul3A_1018 : i32
      %get3A_1020 = arith.index_cast %mul3A_1019 : i32 to index
      %get3A_1021 = tpu.vector_load %arg5[%get3A_1020] {strides = array<i32>} : memref<512xi32, #tpu.memory_space<vmem>>, vector<16xi32>,
      %dma_wait3A_1022 = arith.constant 0 : i32
      %dma_wait3A_1023 = arith.constant 0 : i32
      %dma_wait3A_1024 = arith.constant 0 : i32
      %dma_wait3A_1025 = tpu.memref_slice %arg6[%sub3A, %dma_wait3A_1022, %dma_wait3A_1023, %dma_wait3A_1024] : memref<3x16x16x128xf32, #tpu.memory_space<vmem>> -> memref<1x16x16x128xf32, #tpu.memory_space<vmem>>
      %dma_wait3A_1026 = tpu.memref_squeeze %dma_wait3A_1025 : memref<1x16x16x128xf32, #tpu.memory_space<vmem>> -> memref<16x16x128xf32, #tpu.memory_space<vmem>>
      %dma_wait3A_1027 = arith.constant 0 : i32
      %dma_wait3A_1028 = arith.constant 0 : i32
      %dma_wait3A_1029 = tpu.memref_slice %arg2[%dma_wait3A_1027, %dma_wait3A_1028] : memref<16x1000001xf32, #tpu.memory_space<hbm>> -> memref<16x128xf32, #tpu.memory_space<hbm>>
      %dma_wait3A_1030 = arith.constant 0 : i32
      %dma_wait3A_1031 = arith.constant 0 : i32
      %dma_wait3A_1032 = arith.constant 0 : i32
      %dma_wait3A_1033 = tpu.memref_slice %arg6[%sub3A, %dma_wait3A_1030, %dma_wait3A_1031, %dma_wait3A_1032] : memref<3x16x16x128xf32, #tpu.memory_space<vmem>> -> memref<1x16x16x128xf32, #tpu.memory_space<vmem>>
      %dma_wait3A_1034 = tpu.memref_squeeze %dma_wait3A_1033 : memref<1x16x16x128xf32, #tpu.memory_space<vmem>> -> memref<16x16x128xf32, #tpu.memory_space<vmem>>
      %dma_wait3A_1035 = arith.constant 0 : i32
      %dma_wait3A_1036 = arith.constant 0 : i32
      %dma_wait3A_1037 = tpu.memref_slice %arg2[%dma_wait3A_1035, %dma_wait3A_1036] : memref<16x1000001xf32, #tpu.memory_space<hbm>> -> memref<16x128xf32, #tpu.memory_space<hbm>>
      tpu.wait_dma2 semaphore(%arg8 : memref<!tpu.dma_semaphore, #tpu.memory_space<semaphore_mem>>) src(%dma_wait3A_1037 : memref<16x128xf32, #tpu.memory_space<hbm>>) dst(%dma_wait3A_1034 : memref<16x16x128xf32, #tpu.memory_space<vmem>>)
      %and3A = arith.constant 127 : i32
      %and3A_1038 = vector.broadcast %and3A : i32 to vector<16xi32>
      %and3A_1039 = arith.andi %get3A_1021, %and3A_1038 : vector<16xi32>
      %and3A_1040 = arith.constant 7 : i32
      %and3A_1041 = arith.andi %scan3A_1010, %and3A_1040 : i32
      %mul3A_1042 = arith.constant 16 : i32
      %mul3A_1043 = arith.muli %and3A_1041, %mul3A_1042 : i32
      %slice3A_1044 = vector.extract_strided_slice %and3A_1039 {offsets = [0], sizes = [1], strides = [1]} : vector<16xi32> to vector<1xi32>
      %squeeze3A_1045 = vector.extract %slice3A_1044[0] : i32 from vector<1xi32>
      %broadcast_in_dim3A = vector.broadcast %squeeze3A_1045 : i32 to vector<16xi32>
      %gather3A = arith.constant 0 : i32
      %gather3A_1046 = arith.constant 0 : i32
      %gather3A_1047 = arith.constant 0 : i32
      %gather3A_1048 = arith.constant 0 : i32
      %gather3A_1049 = tpu.memref_slice %arg6[%sub3A, %gather3A_1046, %gather3A_1047, %gather3A_1048] : memref<3x16x16x128xf32, #tpu.memory_space<vmem>> -> memref<1x16x16x128xf32, #tpu.memory_space<vmem>>
      %gather3A_1050 = tpu.memref_squeeze %gather3A_1049 : memref<1x16x16x128xf32, #tpu.memory_space<vmem>> -> memref<16x16x128xf32, #tpu.memory_space<vmem>>
      %gather3A_1051 = arith.constant 0 : i32
      %gather3A_1052 = arith.constant 0 : i32
      %gather3A_1053 = tpu.memref_slice %gather3A_1050[%gather3A, %gather3A_1051, %gather3A_1052] : memref<16x16x128xf32, #tpu.memory_space<vmem>> -> memref<1x16x128xf32, #tpu.memory_space<vmem>>
      %gather3A_1054 = tpu.memref_squeeze %gather3A_1053 : memref<1x16x128xf32, #tpu.memory_space<vmem>> -> memref<16x128xf32, #tpu.memory_space<vmem>>
      %gather3A_1055 = tpu.vector_load_idx %gather3A_1054[%iota3A, %broadcast_in_dim3A] : memref<16x128xf32, #tpu.memory_space<vmem>>[vector<16xi32>, vector<16xi32>], vector<16xf32>,
      %add3A_1056 = arith.constant 0 : i32
      %add3A_1057 = arith.addi %mul3A_1043, %add3A_1056 : i32
      %broadcast_in_dim3A_1058 = vector.broadcast %add3A_1057 : i32 to vector<16xi32>
      %shift_right_arithmetic3A_1059 = arith.constant 3 : i32
      %shift_right_arithmetic3A_1060 = arith.shrsi %scan3A_1010, %shift_right_arithmetic3A_1059 : i32
      %and3A_1061 = arith.constant 1 : i32
      %and3A_1062 = arith.andi %shift_right_arithmetic3A_1060, %and3A_1061 : i32
      %scatter3A = arith.constant 0 : i32
      %scatter3A_1063 = arith.constant 0 : i32
      %scatter3A_1064 = tpu.memref_slice %arg7[%and3A_1062, %scatter3A, %scatter3A_1063] : memref<2x16x128xf32, #tpu.memory_space<vmem>> -> memref<1x16x128xf32, #tpu.memory_space<vmem>>
      %scatter3A_1065 = tpu.memref_squeeze %scatter3A_1064 : memref<1x16x128xf32, #tpu.memory_space<vmem>> -> memref<16x128xf32, #tpu.memory_space<vmem>>
      tpu.vector_store_idx %scatter3A_1065[%iota3A, %broadcast_in_dim3A_1058], %gather3A_1055 : memref<16x128xf32, #tpu.memory_space<vmem>>[vector<16xi32>, vector<16xi32>], vector<16xf32>,
      %slice3A_1066 = vector.extract_strided_slice %and3A_1039 {offsets = [1], sizes = [1], strides = [1]} : vector<16xi32> to vector<1xi32>
      %squeeze3A_1067 = vector.extract %slice3A_1066[0] : i32 from vector<1xi32>
      %broadcast_in_dim3A_1068 = vector.broadcast %squeeze3A_1067 : i32 to vector<16xi32>
      %gather3A_1069 = arith.constant 1 : i32
      %gather3A_1070 = arith.constant 0 : i32
      %gather3A_1071 = arith.constant 0 : i32
      %gather3A_1072 = arith.constant 0 : i32
      %gather3A_1073 = tpu.memref_slice %arg6[%sub3A, %gather3A_1070, %gather3A_1071, %gather3A_1072] : memref<3x16x16x128xf32, #tpu.memory_space<vmem>> -> memref<1x16x16x128xf32, #tpu.memory_space<vmem>>
      %gather3A_1074 = tpu.memref_squeeze %gather3A_1073 : memref<1x16x16x128xf32, #tpu.memory_space<vmem>> -> memref<16x16x128xf32, #tpu.memory_space<vmem>>
      %gather3A_1075 = arith.constant 0 : i32
      %gather3A_1076 = arith.constant 0 : i32
      %gather3A_1077 = tpu.memref_slice %gather3A_1074[%gather3A_1069, %gather3A_1075, %gather3A_1076] : memref<16x16x128xf32, #tpu.memory_space<vmem>> -> memref<1x16x128xf32, #tpu.memory_space<vmem>>
      %gather3A_1078 = tpu.memref_squeeze %gather3A_1077 : memref<1x16x128xf32, #tpu.memory_space<vmem>> -> memref<16x128xf32, #tpu.memory_space<vmem>>
      %gather3A_1079 = tpu.vector_load_idx %gather3A_1078[%iota3A, %broadcast_in_dim3A_1068] : memref<16x128xf32, #tpu.memory_space<vmem>>[vector<16xi32>, vector<16xi32>], vector<16xf32>,
      %add3A_1080 = arith.constant 1 : i32
      %add3A_1081 = arith.addi %mul3A_1043, %add3A_1080 : i32
      %broadcast_in_dim3A_1082 = vector.broadcast %add3A_1081 : i32 to vector<16xi32>
      %shift_right_arithmetic3A_1083 = arith.constant 3 : i32
      %shift_right_arithmetic3A_1084 = arith.shrsi %scan3A_1010, %shift_right_arithmetic3A_1083 : i32
      %and3A_1085 = arith.constant 1 : i32
      %and3A_1086 = arith.andi %shift_right_arithmetic3A_1084, %and3A_1085 : i32
      %scatter3A_1087 = arith.constant 0 : i32
      %scatter3A_1088 = arith.constant 0 : i32
      %scatter3A_1089 = tpu.memref_slice %arg7[%and3A_1086, %scatter3A_1087, %scatter3A_1088] : memref<2x16x128xf32, #tpu.memory_space<vmem>> -> memref<1x16x128xf32, #tpu.memory_space<vmem>>
      %scatter3A_1090 = tpu.memref_squeeze %scatter3A_1089 : memref<1x16x128xf32, #tpu.memory_space<vmem>> -> memref<16x128xf32, #tpu.memory_space<vmem>>
      tpu.vector_store_idx %scatter3A_1090[%iota3A, %broadcast_in_dim3A_1082], %gather3A_1079 : memref<16x128xf32, #tpu.memory_space<vmem>>[vector<16xi32>, vector<16xi32>], vector<16xf32>,
      %slice3A_1091 = vector.extract_strided_slice %and3A_1039 {offsets = [2], sizes = [1], strides = [1]} : vector<16xi32> to vector<1xi32>
      %squeeze3A_1092 = vector.extract %slice3A_1091[0] : i32 from vector<1xi32>
      %broadcast_in_dim3A_1093 = vector.broadcast %squeeze3A_1092 : i32 to vector<16xi32>
      %gather3A_1094 = arith.constant 2 : i32
      %gather3A_1095 = arith.constant 0 : i32
      %gather3A_1096 = arith.constant 0 : i32
      %gather3A_1097 = arith.constant 0 : i32
      %gather3A_1098 = tpu.memref_slice %arg6[%sub3A, %gather3A_1095, %gather3A_1096, %gather3A_1097] : memref<3x16x16x128xf32, #tpu.memory_space<vmem>> -> memref<1x16x16x128xf32, #tpu.memory_space<vmem>>
      %gather3A_1099 = tpu.memref_squeeze %gather3A_1098 : memref<1x16x16x128xf32, #tpu.memory_space<vmem>> -> memref<16x16x128xf32, #tpu.memory_space<vmem>>
      %gather3A_1100 = arith.constant 0 : i32
      %gather3A_1101 = arith.constant 0 : i32
      %gather3A_1102 = tpu.memref_slice %gather3A_1099[%gather3A_1094, %gather3A_1100, %gather3A_1101] : memref<16x16x128xf32, #tpu.memory_space<vmem>> -> memref<1x16x128xf32, #tpu.memory_space<vmem>>
      %gather3A_1103 = tpu.memref_squeeze %gather3A_1102 : memref<1x16x128xf32, #tpu.memory_space<vmem>> -> memref<16x128xf32, #tpu.memory_space<vmem>>
      %gather3A_1104 = tpu.vector_load_idx %gather3A_1103[%iota3A, %broadcast_in_dim3A_1093] : memref<16x128xf32, #tpu.memory_space<vmem>>[vector<16xi32>, vector<16xi32>], vector<16xf32>,
      %add3A_1105 = arith.constant 2 : i32
      %add3A_1106 = arith.addi %mul3A_1043, %add3A_1105 : i32
      %broadcast_in_dim3A_1107 = vector.broadcast %add3A_1106 : i32 to vector<16xi32>
      %shift_right_arithmetic3A_1108 = arith.constant 3 : i32
      %shift_right_arithmetic3A_1109 = arith.shrsi %scan3A_1010, %shift_right_arithmetic3A_1108 : i32
      %and3A_1110 = arith.constant 1 : i32
      %and3A_1111 = arith.andi %shift_right_arithmetic3A_1109, %and3A_1110 : i32
      %scatter3A_1112 = arith.constant 0 : i32
      %scatter3A_1113 = arith.constant 0 : i32
      %scatter3A_1114 = tpu.memref_slice %arg7[%and3A_1111, %scatter3A_1112, %scatter3A_1113] : memref<2x16x128xf32, #tpu.memory_space<vmem>> -> memref<1x16x128xf32, #tpu.memory_space<vmem>>
      %scatter3A_1115 = tpu.memref_squeeze %scatter3A_1114 : memref<1x16x128xf32, #tpu.memory_space<vmem>> -> memref<16x128xf32, #tpu.memory_space<vmem>>
      tpu.vector_store_idx %scatter3A_1115[%iota3A, %broadcast_in_dim3A_1107], %gather3A_1104 : memref<16x128xf32, #tpu.memory_space<vmem>>[vector<16xi32>, vector<16xi32>], vector<16xf32>,
      %slice3A_1116 = vector.extract_strided_slice %and3A_1039 {offsets = [3], sizes = [1], strides = [1]} : vector<16xi32> to vector<1xi32>
      %squeeze3A_1117 = vector.extract %slice3A_1116[0] : i32 from vector<1xi32>
      %broadcast_in_dim3A_1118 = vector.broadcast %squeeze3A_1117 : i32 to vector<16xi32>
      %gather3A_1119 = arith.constant 3 : i32
      %gather3A_1120 = arith.constant 0 : i32
      %gather3A_1121 = arith.constant 0 : i32
      %gather3A_1122 = arith.constant 0 : i32
      %gather3A_1123 = tpu.memref_slice %arg6[%sub3A, %gather3A_1120, %gather3A_1121, %gather3A_1122] : memref<3x16x16x128xf32, #tpu.memory_space<vmem>> -> memref<1x16x16x128xf32, #tpu.memory_space<vmem>>
      %gather3A_1124 = tpu.memref_squeeze %gather3A_1123 : memref<1x16x16x128xf32, #tpu.memory_space<vmem>> -> memref<16x16x128xf32, #tpu.memory_space<vmem>>
      %gather3A_1125 = arith.constant 0 : i32
      %gather3A_1126 = arith.constant 0 : i32
      %gather3A_1127 = tpu.memref_slice %gather3A_1124[%gather3A_1119, %gather3A_1125, %gather3A_1126] : memref<16x16x128xf32, #tpu.memory_space<vmem>> -> memref<1x16x128xf32, #tpu.memory_space<vmem>>
      %gather3A_1128 = tpu.memref_squeeze %gather3A_1127 : memref<1x16x128xf32, #tpu.memory_space<vmem>> -> memref<16x128xf32, #tpu.memory_space<vmem>>
      %gather3A_1129 = tpu.vector_load_idx %gather3A_1128[%iota3A, %broadcast_in_dim3A_1118] : memref<16x128xf32, #tpu.memory_space<vmem>>[vector<16xi32>, vector<16xi32>], vector<16xf32>,
      %add3A_1130 = arith.constant 3 : i32
      %add3A_1131 = arith.addi %mul3A_1043, %add3A_1130 : i32
      %broadcast_in_dim3A_1132 = vector.broadcast %add3A_1131 : i32 to vector<16xi32>
      %shift_right_arithmetic3A_1133 = arith.constant 3 : i32
      %shift_right_arithmetic3A_1134 = arith.shrsi %scan3A_1010, %shift_right_arithmetic3A_1133 : i32
      %and3A_1135 = arith.constant 1 : i32
      %and3A_1136 = arith.andi %shift_right_arithmetic3A_1134, %and3A_1135 : i32
      %scatter3A_1137 = arith.constant 0 : i32
      %scatter3A_1138 = arith.constant 0 : i32
      %scatter3A_1139 = tpu.memref_slice %arg7[%and3A_1136, %scatter3A_1137, %scatter3A_1138] : memref<2x16x128xf32, #tpu.memory_space<vmem>> -> memref<1x16x128xf32, #tpu.memory_space<vmem>>
      %scatter3A_1140 = tpu.memref_squeeze %scatter3A_1139 : memref<1x16x128xf32, #tpu.memory_space<vmem>> -> memref<16x128xf32, #tpu.memory_space<vmem>>
      tpu.vector_store_idx %scatter3A_1140[%iota3A, %broadcast_in_dim3A_1132], %gather3A_1129 : memref<16x128xf32, #tpu.memory_space<vmem>>[vector<16xi32>, vector<16xi32>], vector<16xf32>,
      %slice3A_1141 = vector.extract_strided_slice %and3A_1039 {offsets = [4], sizes = [1], strides = [1]} : vector<16xi32> to vector<1xi32>
      %squeeze3A_1142 = vector.extract %slice3A_1141[0] : i32 from vector<1xi32>
      %broadcast_in_dim3A_1143 = vector.broadcast %squeeze3A_1142 : i32 to vector<16xi32>
      %gather3A_1144 = arith.constant 4 : i32
      %gather3A_1145 = arith.constant 0 : i32
      %gather3A_1146 = arith.constant 0 : i32
      %gather3A_1147 = arith.constant 0 : i32
      %gather3A_1148 = tpu.memref_slice %arg6[%sub3A, %gather3A_1145, %gather3A_1146, %gather3A_1147] : memref<3x16x16x128xf32, #tpu.memory_space<vmem>> -> memref<1x16x16x128xf32, #tpu.memory_space<vmem>>
      %gather3A_1149 = tpu.memref_squeeze %gather3A_1148 : memref<1x16x16x128xf32, #tpu.memory_space<vmem>> -> memref<16x16x128xf32, #tpu.memory_space<vmem>>
      %gather3A_1150 = arith.constant 0 : i32
      %gather3A_1151 = arith.constant 0 : i32
      %gather3A_1152 = tpu.memref_slice %gather3A_1149[%gather3A_1144, %gather3A_1150, %gather3A_1151] : memref<16x16x128xf32, #tpu.memory_space<vmem>> -> memref<1x16x128xf32, #tpu.memory_space<vmem>>
      %gather3A_1153 = tpu.memref_squeeze %gather3A_1152 : memref<1x16x128xf32, #tpu.memory_space<vmem>> -> memref<16x128xf32, #tpu.memory_space<vmem>>
      %gather3A_1154 = tpu.vector_load_idx %gather3A_1153[%iota3A, %broadcast_in_dim3A_1143] : memref<16x128xf32, #tpu.memory_space<vmem>>[vector<16xi32>, vector<16xi32>], vector<16xf32>,
      %add3A_1155 = arith.constant 4 : i32
      %add3A_1156 = arith.addi %mul3A_1043, %add3A_1155 : i32
      %broadcast_in_dim3A_1157 = vector.broadcast %add3A_1156 : i32 to vector<16xi32>
      %shift_right_arithmetic3A_1158 = arith.constant 3 : i32
      %shift_right_arithmetic3A_1159 = arith.shrsi %scan3A_1010, %shift_right_arithmetic3A_1158 : i32
      %and3A_1160 = arith.constant 1 : i32
      %and3A_1161 = arith.andi %shift_right_arithmetic3A_1159, %and3A_1160 : i32
      %scatter3A_1162 = arith.constant 0 : i32
      %scatter3A_1163 = arith.constant 0 : i32
      %scatter3A_1164 = tpu.memref_slice %arg7[%and3A_1161, %scatter3A_1162, %scatter3A_1163] : memref<2x16x128xf32, #tpu.memory_space<vmem>> -> memref<1x16x128xf32, #tpu.memory_space<vmem>>
      %scatter3A_1165 = tpu.memref_squeeze %scatter3A_1164 : memref<1x16x128xf32, #tpu.memory_space<vmem>> -> memref<16x128xf32, #tpu.memory_space<vmem>>
      tpu.vector_store_idx %scatter3A_1165[%iota3A, %broadcast_in_dim3A_1157], %gather3A_1154 : memref<16x128xf32, #tpu.memory_space<vmem>>[vector<16xi32>, vector<16xi32>], vector<16xf32>,
      %slice3A_1166 = vector.extract_strided_slice %and3A_1039 {offsets = [5], sizes = [1], strides = [1]} : vector<16xi32> to vector<1xi32>
      %squeeze3A_1167 = vector.extract %slice3A_1166[0] : i32 from vector<1xi32>
      %broadcast_in_dim3A_1168 = vector.broadcast %squeeze3A_1167 : i32 to vector<16xi32>
      %gather3A_1169 = arith.constant 5 : i32
      %gather3A_1170 = arith.constant 0 : i32
      %gather3A_1171 = arith.constant 0 : i32
      %gather3A_1172 = arith.constant 0 : i32
      %gather3A_1173 = tpu.memref_slice %arg6[%sub3A, %gather3A_1170, %gather3A_1171, %gather3A_1172] : memref<3x16x16x128xf32, #tpu.memory_space<vmem>> -> memref<1x16x16x128xf32, #tpu.memory_space<vmem>>
      %gather3A_1174 = tpu.memref_squeeze %gather3A_1173 : memref<1x16x16x128xf32, #tpu.memory_space<vmem>> -> memref<16x16x128xf32, #tpu.memory_space<vmem>>
      %gather3A_1175 = arith.constant 0 : i32
      %gather3A_1176 = arith.constant 0 : i32
      %gather3A_1177 = tpu.memref_slice %gather3A_1174[%gather3A_1169, %gather3A_1175, %gather3A_1176] : memref<16x16x128xf32, #tpu.memory_space<vmem>> -> memref<1x16x128xf32, #tpu.memory_space<vmem>>
      %gather3A_1178 = tpu.memref_squeeze %gather3A_1177 : memref<1x16x128xf32, #tpu.memory_space<vmem>> -> memref<16x128xf32, #tpu.memory_space<vmem>>
      %gather3A_1179 = tpu.vector_load_idx %gather3A_1178[%iota3A, %broadcast_in_dim3A_1168] : memref<16x128xf32, #tpu.memory_space<vmem>>[vector<16xi32>, vector<16xi32>], vector<16xf32>,
      %add3A_1180 = arith.constant 5 : i32
      %add3A_1181 = arith.addi %mul3A_1043, %add3A_1180 : i32
      %broadcast_in_dim3A_1182 = vector.broadcast %add3A_1181 : i32 to vector<16xi32>
      %shift_right_arithmetic3A_1183 = arith.constant 3 : i32
      %shift_right_arithmetic3A_1184 = arith.shrsi %scan3A_1010, %shift_right_arithmetic3A_1183 : i32
      %and3A_1185 = arith.constant 1 : i32
      %and3A_1186 = arith.andi %shift_right_arithmetic3A_1184, %and3A_1185 : i32
      %scatter3A_1187 = arith.constant 0 : i32
      %scatter3A_1188 = arith.constant 0 : i32
      %scatter3A_1189 = tpu.memref_slice %arg7[%and3A_1186, %scatter3A_1187, %scatter3A_1188] : memref<2x16x128xf32, #tpu.memory_space<vmem>> -> memref<1x16x128xf32, #tpu.memory_space<vmem>>
      %scatter3A_1190 = tpu.memref_squeeze %scatter3A_1189 : memref<1x16x128xf32, #tpu.memory_space<vmem>> -> memref<16x128xf32, #tpu.memory_space<vmem>>
      tpu.vector_store_idx %scatter3A_1190[%iota3A, %broadcast_in_dim3A_1182], %gather3A_1179 : memref<16x128xf32, #tpu.memory_space<vmem>>[vector<16xi32>, vector<16xi32>], vector<16xf32>,
      %slice3A_1191 = vector.extract_strided_slice %and3A_1039 {offsets = [6], sizes = [1], strides = [1]} : vector<16xi32> to vector<1xi32>
      %squeeze3A_1192 = vector.extract %slice3A_1191[0] : i32 from vector<1xi32>
      %broadcast_in_dim3A_1193 = vector.broadcast %squeeze3A_1192 : i32 to vector<16xi32>
      %gather3A_1194 = arith.constant 6 : i32
      %gather3A_1195 = arith.constant 0 : i32
      %gather3A_1196 = arith.constant 0 : i32
      %gather3A_1197 = arith.constant 0 : i32
      %gather3A_1198 = tpu.memref_slice %arg6[%sub3A, %gather3A_1195, %gather3A_1196, %gather3A_1197] : memref<3x16x16x128xf32, #tpu.memory_space<vmem>> -> memref<1x16x16x128xf32, #tpu.memory_space<vmem>>
      %gather3A_1199 = tpu.memref_squeeze %gather3A_1198 : memref<1x16x16x128xf32, #tpu.memory_space<vmem>> -> memref<16x16x128xf32, #tpu.memory_space<vmem>>
      %gather3A_1200 = arith.constant 0 : i32
      %gather3A_1201 = arith.constant 0 : i32
      %gather3A_1202 = tpu.memref_slice %gather3A_1199[%gather3A_1194, %gather3A_1200, %gather3A_1201] : memref<16x16x128xf32, #tpu.memory_space<vmem>> -> memref<1x16x128xf32, #tpu.memory_space<vmem>>
      %gather3A_1203 = tpu.memref_squeeze %gather3A_1202 : memref<1x16x128xf32, #tpu.memory_space<vmem>> -> memref<16x128xf32, #tpu.memory_space<vmem>>
      %gather3A_1204 = tpu.vector_load_idx %gather3A_1203[%iota3A, %broadcast_in_dim3A_1193] : memref<16x128xf32, #tpu.memory_space<vmem>>[vector<16xi32>, vector<16xi32>], vector<16xf32>,
      %add3A_1205 = arith.constant 6 : i32
      %add3A_1206 = arith.addi %mul3A_1043, %add3A_1205 : i32
      %broadcast_in_dim3A_1207 = vector.broadcast %add3A_1206 : i32 to vector<16xi32>
      %shift_right_arithmetic3A_1208 = arith.constant 3 : i32
      %shift_right_arithmetic3A_1209 = arith.shrsi %scan3A_1010, %shift_right_arithmetic3A_1208 : i32
      %and3A_1210 = arith.constant 1 : i32
      %and3A_1211 = arith.andi %shift_right_arithmetic3A_1209, %and3A_1210 : i32
      %scatter3A_1212 = arith.constant 0 : i32
      %scatter3A_1213 = arith.constant 0 : i32
      %scatter3A_1214 = tpu.memref_slice %arg7[%and3A_1211, %scatter3A_1212, %scatter3A_1213] : memref<2x16x128xf32, #tpu.memory_space<vmem>> -> memref<1x16x128xf32, #tpu.memory_space<vmem>>
      %scatter3A_1215 = tpu.memref_squeeze %scatter3A_1214 : memref<1x16x128xf32, #tpu.memory_space<vmem>> -> memref<16x128xf32, #tpu.memory_space<vmem>>
      tpu.vector_store_idx %scatter3A_1215[%iota3A, %broadcast_in_dim3A_1207], %gather3A_1204 : memref<16x128xf32, #tpu.memory_space<vmem>>[vector<16xi32>, vector<16xi32>], vector<16xf32>,
      %slice3A_1216 = vector.extract_strided_slice %and3A_1039 {offsets = [7], sizes = [1], strides = [1]} : vector<16xi32> to vector<1xi32>
      %squeeze3A_1217 = vector.extract %slice3A_1216[0] : i32 from vector<1xi32>
      %broadcast_in_dim3A_1218 = vector.broadcast %squeeze3A_1217 : i32 to vector<16xi32>
      %gather3A_1219 = arith.constant 7 : i32
      %gather3A_1220 = arith.constant 0 : i32
      %gather3A_1221 = arith.constant 0 : i32
      %gather3A_1222 = arith.constant 0 : i32
      %gather3A_1223 = tpu.memref_slice %arg6[%sub3A, %gather3A_1220, %gather3A_1221, %gather3A_1222] : memref<3x16x16x128xf32, #tpu.memory_space<vmem>> -> memref<1x16x16x128xf32, #tpu.memory_space<vmem>>
      %gather3A_1224 = tpu.memref_squeeze %gather3A_1223 : memref<1x16x16x128xf32, #tpu.memory_space<vmem>> -> memref<16x16x128xf32, #tpu.memory_space<vmem>>
      %gather3A_1225 = arith.constant 0 : i32
      %gather3A_1226 = arith.constant 0 : i32
      %gather3A_1227 = tpu.memref_slice %gather3A_1224[%gather3A_1219, %gather3A_1225, %gather3A_1226] : memref<16x16x128xf32, #tpu.memory_space<vmem>> -> memref<1x16x128xf32, #tpu.memory_space<vmem>>
      %gather3A_1228 = tpu.memref_squeeze %gather3A_1227 : memref<1x16x128xf32, #tpu.memory_space<vmem>> -> memref<16x128xf32, #tpu.memory_space<vmem>>
      %gather3A_1229 = tpu.vector_load_idx %gather3A_1228[%iota3A, %broadcast_in_dim3A_1218] : memref<16x128xf32, #tpu.memory_space<vmem>>[vector<16xi32>, vector<16xi32>], vector<16xf32>,
      %add3A_1230 = arith.constant 7 : i32
      %add3A_1231 = arith.addi %mul3A_1043, %add3A_1230 : i32
      %broadcast_in_dim3A_1232 = vector.broadcast %add3A_1231 : i32 to vector<16xi32>
      %shift_right_arithmetic3A_1233 = arith.constant 3 : i32
      %shift_right_arithmetic3A_1234 = arith.shrsi %scan3A_1010, %shift_right_arithmetic3A_1233 : i32
      %and3A_1235 = arith.constant 1 : i32
      %and3A_1236 = arith.andi %shift_right_arithmetic3A_1234, %and3A_1235 : i32
      %scatter3A_1237 = arith.constant 0 : i32
      %scatter3A_1238 = arith.constant 0 : i32
      %scatter3A_1239 = tpu.memref_slice %arg7[%and3A_1236, %scatter3A_1237, %scatter3A_1238] : memref<2x16x128xf32, #tpu.memory_space<vmem>> -> memref<1x16x128xf32, #tpu.memory_space<vmem>>
      %scatter3A_1240 = tpu.memref_squeeze %scatter3A_1239 : memref<1x16x128xf32, #tpu.memory_space<vmem>> -> memref<16x128xf32, #tpu.memory_space<vmem>>
      tpu.vector_store_idx %scatter3A_1240[%iota3A, %broadcast_in_dim3A_1232], %gather3A_1229 : memref<16x128xf32, #tpu.memory_space<vmem>>[vector<16xi32>, vector<16xi32>], vector<16xf32>,
      %slice3A_1241 = vector.extract_strided_slice %and3A_1039 {offsets = [8], sizes = [1], strides = [1]} : vector<16xi32> to vector<1xi32>
      %squeeze3A_1242 = vector.extract %slice3A_1241[0] : i32 from vector<1xi32>
      %broadcast_in_dim3A_1243 = vector.broadcast %squeeze3A_1242 : i32 to vector<16xi32>
      %gather3A_1244 = arith.constant 8 : i32
      %gather3A_1245 = arith.constant 0 : i32
      %gather3A_1246 = arith.constant 0 : i32
      %gather3A_1247 = arith.constant 0 : i32
      %gather3A_1248 = tpu.memref_slice %arg6[%sub3A, %gather3A_1245, %gather3A_1246, %gather3A_1247] : memref<3x16x16x128xf32, #tpu.memory_space<vmem>> -> memref<1x16x16x128xf32, #tpu.memory_space<vmem>>
      %gather3A_1249 = tpu.memref_squeeze %gather3A_1248 : memref<1x16x16x128xf32, #tpu.memory_space<vmem>> -> memref<16x16x128xf32, #tpu.memory_space<vmem>>
      %gather3A_1250 = arith.constant 0 : i32
      %gather3A_1251 = arith.constant 0 : i32
      %gather3A_1252 = tpu.memref_slice %gather3A_1249[%gather3A_1244, %gather3A_1250, %gather3A_1251] : memref<16x16x128xf32, #tpu.memory_space<vmem>> -> memref<1x16x128xf32, #tpu.memory_space<vmem>>
      %gather3A_1253 = tpu.memref_squeeze %gather3A_1252 : memref<1x16x128xf32, #tpu.memory_space<vmem>> -> memref<16x128xf32, #tpu.memory_space<vmem>>
      %gather3A_1254 = tpu.vector_load_idx %gather3A_1253[%iota3A, %broadcast_in_dim3A_1243] : memref<16x128xf32, #tpu.memory_space<vmem>>[vector<16xi32>, vector<16xi32>], vector<16xf32>,
      %add3A_1255 = arith.constant 8 : i32
      %add3A_1256 = arith.addi %mul3A_1043, %add3A_1255 : i32
      %broadcast_in_dim3A_1257 = vector.broadcast %add3A_1256 : i32 to vector<16xi32>
      %shift_right_arithmetic3A_1258 = arith.constant 3 : i32
      %shift_right_arithmetic3A_1259 = arith.shrsi %scan3A_1010, %shift_right_arithmetic3A_1258 : i32
      %and3A_1260 = arith.constant 1 : i32
      %and3A_1261 = arith.andi %shift_right_arithmetic3A_1259, %and3A_1260 : i32
      %scatter3A_1262 = arith.constant 0 : i32
      %scatter3A_1263 = arith.constant 0 : i32
      %scatter3A_1264 = tpu.memref_slice %arg7[%and3A_1261, %scatter3A_1262, %scatter3A_1263] : memref<2x16x128xf32, #tpu.memory_space<vmem>> -> memref<1x16x128xf32, #tpu.memory_space<vmem>>
      %scatter3A_1265 = tpu.memref_squeeze %scatter3A_1264 : memref<1x16x128xf32, #tpu.memory_space<vmem>> -> memref<16x128xf32, #tpu.memory_space<vmem>>
      tpu.vector_store_idx %scatter3A_1265[%iota3A, %broadcast_in_dim3A_1257], %gather3A_1254 : memref<16x128xf32, #tpu.memory_space<vmem>>[vector<16xi32>, vector<16xi32>], vector<16xf32>,
      %slice3A_1266 = vector.extract_strided_slice %and3A_1039 {offsets = [9], sizes = [1], strides = [1]} : vector<16xi32> to vector<1xi32>
      %squeeze3A_1267 = vector.extract %slice3A_1266[0] : i32 from vector<1xi32>
      %broadcast_in_dim3A_1268 = vector.broadcast %squeeze3A_1267 : i32 to vector<16xi32>
      %gather3A_1269 = arith.constant 9 : i32
      %gather3A_1270 = arith.constant 0 : i32
      %gather3A_1271 = arith.constant 0 : i32
      %gather3A_1272 = arith.constant 0 : i32
      %gather3A_1273 = tpu.memref_slice %arg6[%sub3A, %gather3A_1270, %gather3A_1271, %gather3A_1272] : memref<3x16x16x128xf32, #tpu.memory_space<vmem>> -> memref<1x16x16x128xf32, #tpu.memory_space<vmem>>
      %gather3A_1274 = tpu.memref_squeeze %gather3A_1273 : memref<1x16x16x128xf32, #tpu.memory_space<vmem>> -> memref<16x16x128xf32, #tpu.memory_space<vmem>>
      %gather3A_1275 = arith.constant 0 : i32
      %gather3A_1276 = arith.constant 0 : i32
      %gather3A_1277 = tpu.memref_slice %gather3A_1274[%gather3A_1269, %gather3A_1275, %gather3A_1276] : memref<16x16x128xf32, #tpu.memory_space<vmem>> -> memref<1x16x128xf32, #tpu.memory_space<vmem>>
      %gather3A_1278 = tpu.memref_squeeze %gather3A_1277 : memref<1x16x128xf32, #tpu.memory_space<vmem>> -> memref<16x128xf32, #tpu.memory_space<vmem>>
      %gather3A_1279 = tpu.vector_load_idx %gather3A_1278[%iota3A, %broadcast_in_dim3A_1268] : memref<16x128xf32, #tpu.memory_space<vmem>>[vector<16xi32>, vector<16xi32>], vector<16xf32>,
      %add3A_1280 = arith.constant 9 : i32
      %add3A_1281 = arith.addi %mul3A_1043, %add3A_1280 : i32
      %broadcast_in_dim3A_1282 = vector.broadcast %add3A_1281 : i32 to vector<16xi32>
      %shift_right_arithmetic3A_1283 = arith.constant 3 : i32
      %shift_right_arithmetic3A_1284 = arith.shrsi %scan3A_1010, %shift_right_arithmetic3A_1283 : i32
      %and3A_1285 = arith.constant 1 : i32
      %and3A_1286 = arith.andi %shift_right_arithmetic3A_1284, %and3A_1285 : i32
      %scatter3A_1287 = arith.constant 0 : i32
      %scatter3A_1288 = arith.constant 0 : i32
      %scatter3A_1289 = tpu.memref_slice %arg7[%and3A_1286, %scatter3A_1287, %scatter3A_1288] : memref<2x16x128xf32, #tpu.memory_space<vmem>> -> memref<1x16x128xf32, #tpu.memory_space<vmem>>
      %scatter3A_1290 = tpu.memref_squeeze %scatter3A_1289 : memref<1x16x128xf32, #tpu.memory_space<vmem>> -> memref<16x128xf32, #tpu.memory_space<vmem>>
      tpu.vector_store_idx %scatter3A_1290[%iota3A, %broadcast_in_dim3A_1282], %gather3A_1279 : memref<16x128xf32, #tpu.memory_space<vmem>>[vector<16xi32>, vector<16xi32>], vector<16xf32>,
      %slice3A_1291 = vector.extract_strided_slice %and3A_1039 {offsets = [10], sizes = [1], strides = [1]} : vector<16xi32> to vector<1xi32>
      %squeeze3A_1292 = vector.extract %slice3A_1291[0] : i32 from vector<1xi32>
      %broadcast_in_dim3A_1293 = vector.broadcast %squeeze3A_1292 : i32 to vector<16xi32>
      %gather3A_1294 = arith.constant 10 : i32
      %gather3A_1295 = arith.constant 0 : i32
      %gather3A_1296 = arith.constant 0 : i32
      %gather3A_1297 = arith.constant 0 : i32
      %gather3A_1298 = tpu.memref_slice %arg6[%sub3A, %gather3A_1295, %gather3A_1296, %gather3A_1297] : memref<3x16x16x128xf32, #tpu.memory_space<vmem>> -> memref<1x16x16x128xf32, #tpu.memory_space<vmem>>
      %gather3A_1299 = tpu.memref_squeeze %gather3A_1298 : memref<1x16x16x128xf32, #tpu.memory_space<vmem>> -> memref<16x16x128xf32, #tpu.memory_space<vmem>>
      %gather3A_1300 = arith.constant 0 : i32
      %gather3A_1301 = arith.constant 0 : i32
      %gather3A_1302 = tpu.memref_slice %gather3A_1299[%gather3A_1294, %gather3A_1300, %gather3A_1301] : memref<16x16x128xf32, #tpu.memory_space<vmem>> -> memref<1x16x128xf32, #tpu.memory_space<vmem>>
      %gather3A_1303 = tpu.memref_squeeze %gather3A_1302 : memref<1x16x128xf32, #tpu.memory_space<vmem>> -> memref<16x128xf32, #tpu.memory_space<vmem>>
      %gather3A_1304 = tpu.vector_load_idx %gather3A_1303[%iota3A, %broadcast_in_dim3A_1293] : memref<16x128xf32, #tpu.memory_space<vmem>>[vector<16xi32>, vector<16xi32>], vector<16xf32>,
      %add3A_1305 = arith.constant 10 : i32
      %add3A_1306 = arith.addi %mul3A_1043, %add3A_1305 : i32
      %broadcast_in_dim3A_1307 = vector.broadcast %add3A_1306 : i32 to vector<16xi32>
      %shift_right_arithmetic3A_1308 = arith.constant 3 : i32
      %shift_right_arithmetic3A_1309 = arith.shrsi %scan3A_1010, %shift_right_arithmetic3A_1308 : i32
      %and3A_1310 = arith.constant 1 : i32
      %and3A_1311 = arith.andi %shift_right_arithmetic3A_1309, %and3A_1310 : i32
      %scatter3A_1312 = arith.constant 0 : i32
      %scatter3A_1313 = arith.constant 0 : i32
      %scatter3A_1314 = tpu.memref_slice %arg7[%and3A_1311, %scatter3A_1312, %scatter3A_1313] : memref<2x16x128xf32, #tpu.memory_space<vmem>> -> memref<1x16x128xf32, #tpu.memory_space<vmem>>
      %scatter3A_1315 = tpu.memref_squeeze %scatter3A_1314 : memref<1x16x128xf32, #tpu.memory_space<vmem>> -> memref<16x128xf32, #tpu.memory_space<vmem>>
      tpu.vector_store_idx %scatter3A_1315[%iota3A, %broadcast_in_dim3A_1307], %gather3A_1304 : memref<16x128xf32, #tpu.memory_space<vmem>>[vector<16xi32>, vector<16xi32>], vector<16xf32>,
      %slice3A_1316 = vector.extract_strided_slice %and3A_1039 {offsets = [11], sizes = [1], strides = [1]} : vector<16xi32> to vector<1xi32>
      %squeeze3A_1317 = vector.extract %slice3A_1316[0] : i32 from vector<1xi32>
      %broadcast_in_dim3A_1318 = vector.broadcast %squeeze3A_1317 : i32 to vector<16xi32>
      %gather3A_1319 = arith.constant 11 : i32
      %gather3A_1320 = arith.constant 0 : i32
      %gather3A_1321 = arith.constant 0 : i32
      %gather3A_1322 = arith.constant 0 : i32
      %gather3A_1323 = tpu.memref_slice %arg6[%sub3A, %gather3A_1320, %gather3A_1321, %gather3A_1322] : memref<3x16x16x128xf32, #tpu.memory_space<vmem>> -> memref<1x16x16x128xf32, #tpu.memory_space<vmem>>
      %gather3A_1324 = tpu.memref_squeeze %gather3A_1323 : memref<1x16x16x128xf32, #tpu.memory_space<vmem>> -> memref<16x16x128xf32, #tpu.memory_space<vmem>>
      %gather3A_1325 = arith.constant 0 : i32
      %gather3A_1326 = arith.constant 0 : i32
      %gather3A_1327 = tpu.memref_slice %gather3A_1324[%gather3A_1319, %gather3A_1325, %gather3A_1326] : memref<16x16x128xf32, #tpu.memory_space<vmem>> -> memref<1x16x128xf32, #tpu.memory_space<vmem>>
      %gather3A_1328 = tpu.memref_squeeze %gather3A_1327 : memref<1x16x128xf32, #tpu.memory_space<vmem>> -> memref<16x128xf32, #tpu.memory_space<vmem>>
      %gather3A_1329 = tpu.vector_load_idx %gather3A_1328[%iota3A, %broadcast_in_dim3A_1318] : memref<16x128xf32, #tpu.memory_space<vmem>>[vector<16xi32>, vector<16xi32>], vector<16xf32>,
      %add3A_1330 = arith.constant 11 : i32
      %add3A_1331 = arith.addi %mul3A_1043, %add3A_1330 : i32
      %broadcast_in_dim3A_1332 = vector.broadcast %add3A_1331 : i32 to vector<16xi32>
      %shift_right_arithmetic3A_1333 = arith.constant 3 : i32
      %shift_right_arithmetic3A_1334 = arith.shrsi %scan3A_1010, %shift_right_arithmetic3A_1333 : i32
      %and3A_1335 = arith.constant 1 : i32
      %and3A_1336 = arith.andi %shift_right_arithmetic3A_1334, %and3A_1335 : i32
      %scatter3A_1337 = arith.constant 0 : i32
      %scatter3A_1338 = arith.constant 0 : i32
      %scatter3A_1339 = tpu.memref_slice %arg7[%and3A_1336, %scatter3A_1337, %scatter3A_1338] : memref<2x16x128xf32, #tpu.memory_space<vmem>> -> memref<1x16x128xf32, #tpu.memory_space<vmem>>
      %scatter3A_1340 = tpu.memref_squeeze %scatter3A_1339 : memref<1x16x128xf32, #tpu.memory_space<vmem>> -> memref<16x128xf32, #tpu.memory_space<vmem>>
      tpu.vector_store_idx %scatter3A_1340[%iota3A, %broadcast_in_dim3A_1332], %gather3A_1329 : memref<16x128xf32, #tpu.memory_space<vmem>>[vector<16xi32>, vector<16xi32>], vector<16xf32>,
      %slice3A_1341 = vector.extract_strided_slice %and3A_1039 {offsets = [12], sizes = [1], strides = [1]} : vector<16xi32> to vector<1xi32>
      %squeeze3A_1342 = vector.extract %slice3A_1341[0] : i32 from vector<1xi32>
      %broadcast_in_dim3A_1343 = vector.broadcast %squeeze3A_1342 : i32 to vector<16xi32>
      %gather3A_1344 = arith.constant 12 : i32
      %gather3A_1345 = arith.constant 0 : i32
      %gather3A_1346 = arith.constant 0 : i32
      %gather3A_1347 = arith.constant 0 : i32
      %gather3A_1348 = tpu.memref_slice %arg6[%sub3A, %gather3A_1345, %gather3A_1346, %gather3A_1347] : memref<3x16x16x128xf32, #tpu.memory_space<vmem>> -> memref<1x16x16x128xf32, #tpu.memory_space<vmem>>
      %gather3A_1349 = tpu.memref_squeeze %gather3A_1348 : memref<1x16x16x128xf32, #tpu.memory_space<vmem>> -> memref<16x16x128xf32, #tpu.memory_space<vmem>>
      %gather3A_1350 = arith.constant 0 : i32
      %gather3A_1351 = arith.constant 0 : i32
      %gather3A_1352 = tpu.memref_slice %gather3A_1349[%gather3A_1344, %gather3A_1350, %gather3A_1351] : memref<16x16x128xf32, #tpu.memory_space<vmem>> -> memref<1x16x128xf32, #tpu.memory_space<vmem>>
      %gather3A_1353 = tpu.memref_squeeze %gather3A_1352 : memref<1x16x128xf32, #tpu.memory_space<vmem>> -> memref<16x128xf32, #tpu.memory_space<vmem>>
      %gather3A_1354 = tpu.vector_load_idx %gather3A_1353[%iota3A, %broadcast_in_dim3A_1343] : memref<16x128xf32, #tpu.memory_space<vmem>>[vector<16xi32>, vector<16xi32>], vector<16xf32>,
      %add3A_1355 = arith.constant 12 : i32
      %add3A_1356 = arith.addi %mul3A_1043, %add3A_1355 : i32
      %broadcast_in_dim3A_1357 = vector.broadcast %add3A_1356 : i32 to vector<16xi32>
      %shift_right_arithmetic3A_1358 = arith.constant 3 : i32
      %shift_right_arithmetic3A_1359 = arith.shrsi %scan3A_1010, %shift_right_arithmetic3A_1358 : i32
      %and3A_1360 = arith.constant 1 : i32
      %and3A_1361 = arith.andi %shift_right_arithmetic3A_1359, %and3A_1360 : i32
      %scatter3A_1362 = arith.constant 0 : i32
      %scatter3A_1363 = arith.constant 0 : i32
      %scatter3A_1364 = tpu.memref_slice %arg7[%and3A_1361, %scatter3A_1362, %scatter3A_1363] : memref<2x16x128xf32, #tpu.memory_space<vmem>> -> memref<1x16x128xf32, #tpu.memory_space<vmem>>
      %scatter3A_1365 = tpu.memref_squeeze %scatter3A_1364 : memref<1x16x128xf32, #tpu.memory_space<vmem>> -> memref<16x128xf32, #tpu.memory_space<vmem>>
      tpu.vector_store_idx %scatter3A_1365[%iota3A, %broadcast_in_dim3A_1357], %gather3A_1354 : memref<16x128xf32, #tpu.memory_space<vmem>>[vector<16xi32>, vector<16xi32>], vector<16xf32>,
      %slice3A_1366 = vector.extract_strided_slice %and3A_1039 {offsets = [13], sizes = [1], strides = [1]} : vector<16xi32> to vector<1xi32>
      %squeeze3A_1367 = vector.extract %slice3A_1366[0] : i32 from vector<1xi32>
      %broadcast_in_dim3A_1368 = vector.broadcast %squeeze3A_1367 : i32 to vector<16xi32>
      %gather3A_1369 = arith.constant 13 : i32
      %gather3A_1370 = arith.constant 0 : i32
      %gather3A_1371 = arith.constant 0 : i32
      %gather3A_1372 = arith.constant 0 : i32
      %gather3A_1373 = tpu.memref_slice %arg6[%sub3A, %gather3A_1370, %gather3A_1371, %gather3A_1372] : memref<3x16x16x128xf32, #tpu.memory_space<vmem>> -> memref<1x16x16x128xf32, #tpu.memory_space<vmem>>
      %gather3A_1374 = tpu.memref_squeeze %gather3A_1373 : memref<1x16x16x128xf32, #tpu.memory_space<vmem>> -> memref<16x16x128xf32, #tpu.memory_space<vmem>>
      %gather3A_1375 = arith.constant 0 : i32
      %gather3A_1376 = arith.constant 0 : i32
      %gather3A_1377 = tpu.memref_slice %gather3A_1374[%gather3A_1369, %gather3A_1375, %gather3A_1376] : memref<16x16x128xf32, #tpu.memory_space<vmem>> -> memref<1x16x128xf32, #tpu.memory_space<vmem>>
      %gather3A_1378 = tpu.memref_squeeze %gather3A_1377 : memref<1x16x128xf32, #tpu.memory_space<vmem>> -> memref<16x128xf32, #tpu.memory_space<vmem>>
      %gather3A_1379 = tpu.vector_load_idx %gather3A_1378[%iota3A, %broadcast_in_dim3A_1368] : memref<16x128xf32, #tpu.memory_space<vmem>>[vector<16xi32>, vector<16xi32>], vector<16xf32>,
      %add3A_1380 = arith.constant 13 : i32
      %add3A_1381 = arith.addi %mul3A_1043, %add3A_1380 : i32
      %broadcast_in_dim3A_1382 = vector.broadcast %add3A_1381 : i32 to vector<16xi32>
      %shift_right_arithmetic3A_1383 = arith.constant 3 : i32
      %shift_right_arithmetic3A_1384 = arith.shrsi %scan3A_1010, %shift_right_arithmetic3A_1383 : i32
      %and3A_1385 = arith.constant 1 : i32
      %and3A_1386 = arith.andi %shift_right_arithmetic3A_1384, %and3A_1385 : i32
      %scatter3A_1387 = arith.constant 0 : i32
      %scatter3A_1388 = arith.constant 0 : i32
      %scatter3A_1389 = tpu.memref_slice %arg7[%and3A_1386, %scatter3A_1387, %scatter3A_1388] : memref<2x16x128xf32, #tpu.memory_space<vmem>> -> memref<1x16x128xf32, #tpu.memory_space<vmem>>
      %scatter3A_1390 = tpu.memref_squeeze %scatter3A_1389 : memref<1x16x128xf32, #tpu.memory_space<vmem>> -> memref<16x128xf32, #tpu.memory_space<vmem>>
      tpu.vector_store_idx %scatter3A_1390[%iota3A, %broadcast_in_dim3A_1382], %gather3A_1379 : memref<16x128xf32, #tpu.memory_space<vmem>>[vector<16xi32>, vector<16xi32>], vector<16xf32>,
      %slice3A_1391 = vector.extract_strided_slice %and3A_1039 {offsets = [14], sizes = [1], strides = [1]} : vector<16xi32> to vector<1xi32>
      %squeeze3A_1392 = vector.extract %slice3A_1391[0] : i32 from vector<1xi32>
      %broadcast_in_dim3A_1393 = vector.broadcast %squeeze3A_1392 : i32 to vector<16xi32>
      %gather3A_1394 = arith.constant 14 : i32
      %gather3A_1395 = arith.constant 0 : i32
      %gather3A_1396 = arith.constant 0 : i32
      %gather3A_1397 = arith.constant 0 : i32
      %gather3A_1398 = tpu.memref_slice %arg6[%sub3A, %gather3A_1395, %gather3A_1396, %gather3A_1397] : memref<3x16x16x128xf32, #tpu.memory_space<vmem>> -> memref<1x16x16x128xf32, #tpu.memory_space<vmem>>
      %gather3A_1399 = tpu.memref_squeeze %gather3A_1398 : memref<1x16x16x128xf32, #tpu.memory_space<vmem>> -> memref<16x16x128xf32, #tpu.memory_space<vmem>>
      %gather3A_1400 = arith.constant 0 : i32
      %gather3A_1401 = arith.constant 0 : i32
      %gather3A_1402 = tpu.memref_slice %gather3A_1399[%gather3A_1394, %gather3A_1400, %gather3A_1401] : memref<16x16x128xf32, #tpu.memory_space<vmem>> -> memref<1x16x128xf32, #tpu.memory_space<vmem>>
      %gather3A_1403 = tpu.memref_squeeze %gather3A_1402 : memref<1x16x128xf32, #tpu.memory_space<vmem>> -> memref<16x128xf32, #tpu.memory_space<vmem>>
      %gather3A_1404 = tpu.vector_load_idx %gather3A_1403[%iota3A, %broadcast_in_dim3A_1393] : memref<16x128xf32, #tpu.memory_space<vmem>>[vector<16xi32>, vector<16xi32>], vector<16xf32>,
      %add3A_1405 = arith.constant 14 : i32
      %add3A_1406 = arith.addi %mul3A_1043, %add3A_1405 : i32
      %broadcast_in_dim3A_1407 = vector.broadcast %add3A_1406 : i32 to vector<16xi32>
      %shift_right_arithmetic3A_1408 = arith.constant 3 : i32
      %shift_right_arithmetic3A_1409 = arith.shrsi %scan3A_1010, %shift_right_arithmetic3A_1408 : i32
      %and3A_1410 = arith.constant 1 : i32
      %and3A_1411 = arith.andi %shift_right_arithmetic3A_1409, %and3A_1410 : i32
      %scatter3A_1412 = arith.constant 0 : i32
      %scatter3A_1413 = arith.constant 0 : i32
      %scatter3A_1414 = tpu.memref_slice %arg7[%and3A_1411, %scatter3A_1412, %scatter3A_1413] : memref<2x16x128xf32, #tpu.memory_space<vmem>> -> memref<1x16x128xf32, #tpu.memory_space<vmem>>
      %scatter3A_1415 = tpu.memref_squeeze %scatter3A_1414 : memref<1x16x128xf32, #tpu.memory_space<vmem>> -> memref<16x128xf32, #tpu.memory_space<vmem>>
      tpu.vector_store_idx %scatter3A_1415[%iota3A, %broadcast_in_dim3A_1407], %gather3A_1404 : memref<16x128xf32, #tpu.memory_space<vmem>>[vector<16xi32>, vector<16xi32>], vector<16xf32>,
      %slice3A_1416 = vector.extract_strided_slice %and3A_1039 {offsets = [15], sizes = [1], strides = [1]} : vector<16xi32> to vector<1xi32>
      %squeeze3A_1417 = vector.extract %slice3A_1416[0] : i32 from vector<1xi32>
      %broadcast_in_dim3A_1418 = vector.broadcast %squeeze3A_1417 : i32 to vector<16xi32>
      %gather3A_1419 = arith.constant 15 : i32
      %gather3A_1420 = arith.constant 0 : i32
      %gather3A_1421 = arith.constant 0 : i32
      %gather3A_1422 = arith.constant 0 : i32
      %gather3A_1423 = tpu.memref_slice %arg6[%sub3A, %gather3A_1420, %gather3A_1421, %gather3A_1422] : memref<3x16x16x128xf32, #tpu.memory_space<vmem>> -> memref<1x16x16x128xf32, #tpu.memory_space<vmem>>
      %gather3A_1424 = tpu.memref_squeeze %gather3A_1423 : memref<1x16x16x128xf32, #tpu.memory_space<vmem>> -> memref<16x16x128xf32, #tpu.memory_space<vmem>>
      %gather3A_1425 = arith.constant 0 : i32
      %gather3A_1426 = arith.constant 0 : i32
      %gather3A_1427 = tpu.memref_slice %gather3A_1424[%gather3A_1419, %gather3A_1425, %gather3A_1426] : memref<16x16x128xf32, #tpu.memory_space<vmem>> -> memref<1x16x128xf32, #tpu.memory_space<vmem>>
      %gather3A_1428 = tpu.memref_squeeze %gather3A_1427 : memref<1x16x128xf32, #tpu.memory_space<vmem>> -> memref<16x128xf32, #tpu.memory_space<vmem>>
      %gather3A_1429 = tpu.vector_load_idx %gather3A_1428[%iota3A, %broadcast_in_dim3A_1418] : memref<16x128xf32, #tpu.memory_space<vmem>>[vector<16xi32>, vector<16xi32>], vector<16xf32>,
      %add3A_1430 = arith.constant 15 : i32
      %add3A_1431 = arith.addi %mul3A_1043, %add3A_1430 : i32
      %broadcast_in_dim3A_1432 = vector.broadcast %add3A_1431 : i32 to vector<16xi32>
      %shift_right_arithmetic3A_1433 = arith.constant 3 : i32
      %shift_right_arithmetic3A_1434 = arith.shrsi %scan3A_1010, %shift_right_arithmetic3A_1433 : i32
      %and3A_1435 = arith.constant 1 : i32
      %and3A_1436 = arith.andi %shift_right_arithmetic3A_1434, %and3A_1435 : i32
      %scatter3A_1437 = arith.constant 0 : i32
      %scatter3A_1438 = arith.constant 0 : i32
      %scatter3A_1439 = tpu.memref_slice %arg7[%and3A_1436, %scatter3A_1437, %scatter3A_1438] : memref<2x16x128xf32, #tpu.memory_space<vmem>> -> memref<1x16x128xf32, #tpu.memory_space<vmem>>
      %scatter3A_1440 = tpu.memref_squeeze %scatter3A_1439 : memref<1x16x128xf32, #tpu.memory_space<vmem>> -> memref<16x128xf32, #tpu.memory_space<vmem>>
      tpu.vector_store_idx %scatter3A_1440[%iota3A, %broadcast_in_dim3A_1432], %gather3A_1429 : memref<16x128xf32, #tpu.memory_space<vmem>>[vector<16xi32>, vector<16xi32>], vector<16xf32>,
      %and3A_1441 = arith.constant 7 : i32
      %and3A_1442 = arith.andi %scan3A_1010, %and3A_1441 : i32
      %eq3A = arith.constant 7 : i32
      %eq3A_1443 = arith.cmpi eq, %and3A_1442, %eq3A : i32
      %convert_element_type3A_1444 = arith.extui %eq3A_1443 : i1 to i32
      %cond3A_1445 = arith.constant 0 : i32
      %cond3A_1446 = arith.cmpi ne, %convert_element_type3A_1444, %cond3A_1445 : i32
      scf.if %cond3A_1446 {
        %shift_right_arithmetic3A_1447 = arith.constant 3 : i32
        %shift_right_arithmetic3A_1448 = arith.shrsi %scan3A_1010, %shift_right_arithmetic3A_1447 : i32
        %shift_left3A_1449 = arith.constant 7 : i32
        %shift_left3A_1450 = arith.shli %shift_right_arithmetic3A_1448, %shift_left3A_1449 : i32
        %add3A_1451 = arith.addi %mul3A_2, %shift_left3A_1450 : i32
        %multiple_of3A_1452 = tpu.assume_multiple %add3A_1451, 128 : i32
        %gt3A = arith.constant 8 : i32
        %gt3A_1453 = arith.cmpi sgt, %scan3A_1010, %gt3A : i32
        %convert_element_type3A_1454 = arith.extui %gt3A_1453 : i1 to i32
        %cond3A_1455 = arith.constant 0 : i32
        %cond3A_1456 = arith.cmpi ne, %convert_element_type3A_1454, %cond3A_1455 : i32
        scf.if %cond3A_1456 {
          %add3A_1471 = arith.constant 1 : i32
          %add3A_1472 = arith.addi %shift_right_arithmetic3A_1448, %add3A_1471 : i32
          %and3A_1473 = arith.constant 1 : i32
          %and3A_1474 = arith.andi %add3A_1472, %and3A_1473 : i32
          %dma_wait3A_1475 = arith.constant 0 : i32
          %dma_wait3A_1476 = arith.constant 0 : i32
          %dma_wait3A_1477 = tpu.memref_slice %arg7[%and3A_1474, %dma_wait3A_1475, %dma_wait3A_1476] : memref<2x16x128xf32, #tpu.memory_space<vmem>> -> memref<1x16x128xf32, #tpu.memory_space<vmem>>
          %dma_wait3A_1478 = tpu.memref_squeeze %dma_wait3A_1477 : memref<1x16x128xf32, #tpu.memory_space<vmem>> -> memref<16x128xf32, #tpu.memory_space<vmem>>
          %dma_wait3A_1479 = arith.constant 0 : i32
          %dma_wait3A_1480 = tpu.memref_slice %arg4[%dma_wait3A_1479, %mul3A_2] : memref<16x16384xf32, #tpu.memory_space<hbm>> -> memref<16x128xf32, #tpu.memory_space<hbm>>
          %dma_wait3A_1481 = arith.constant 0 : i32
          %dma_wait3A_1482 = tpu.memref_slice %arg4[%dma_wait3A_1481, %mul3A_2] : memref<16x16384xf32, #tpu.memory_space<hbm>> -> memref<16x128xf32, #tpu.memory_space<hbm>>
          %dma_wait3A_1483 = arith.constant 0 : i32
          %dma_wait3A_1484 = arith.constant 0 : i32
          %dma_wait3A_1485 = tpu.memref_slice %arg7[%and3A_1474, %dma_wait3A_1483, %dma_wait3A_1484] : memref<2x16x128xf32, #tpu.memory_space<vmem>> -> memref<1x16x128xf32, #tpu.memory_space<vmem>>
          %dma_wait3A_1486 = tpu.memref_squeeze %dma_wait3A_1485 : memref<1x16x128xf32, #tpu.memory_space<vmem>> -> memref<16x128xf32, #tpu.memory_space<vmem>>
          tpu.wait_dma2 semaphore(%arg9 : memref<!tpu.dma_semaphore, #tpu.memory_space<semaphore_mem>>) src(%dma_wait3A_1486 : memref<16x128xf32, #tpu.memory_space<vmem>>) dst(%dma_wait3A_1482 : memref<16x128xf32, #tpu.memory_space<hbm>>)
        } else {
        }
        %and3A_1457 = arith.constant 1 : i32
        %and3A_1458 = arith.andi %shift_right_arithmetic3A_1448, %and3A_1457 : i32
        %dma_start3A_1459 = arith.constant 0 : i32
        %dma_start3A_1460 = arith.constant 0 : i32
        %dma_start3A_1461 = tpu.memref_slice %arg7[%and3A_1458, %dma_start3A_1459, %dma_start3A_1460] : memref<2x16x128xf32, #tpu.memory_space<vmem>> -> memref<1x16x128xf32, #tpu.memory_space<vmem>>
        %dma_start3A_1462 = tpu.memref_squeeze %dma_start3A_1461 : memref<1x16x128xf32, #tpu.memory_space<vmem>> -> memref<16x128xf32, #tpu.memory_space<vmem>>
        %dma_start3A_1463 = arith.constant 0 : i32
        %dma_start3A_1464 = tpu.memref_slice %arg4[%dma_start3A_1463, %multiple_of3A_1452] : memref<16x16384xf32, #tpu.memory_space<hbm>> -> memref<16x128xf32, #tpu.memory_space<hbm>>
        %dma_start3A_1465 = arith.constant 0 : i32
        %dma_start3A_1466 = tpu.memref_slice %arg4[%dma_start3A_1465, %multiple_of3A_1452] : memref<16x16384xf32, #tpu.memory_space<hbm>> -> memref<16x128xf32, #tpu.memory_space<hbm>>
        %dma_start3A_1467 = arith.constant 0 : i32
        %dma_start3A_1468 = arith.constant 0 : i32
        %dma_start3A_1469 = tpu.memref_slice %arg7[%and3A_1458, %dma_start3A_1467, %dma_start3A_1468] : memref<2x16x128xf32, #tpu.memory_space<vmem>> -> memref<1x16x128xf32, #tpu.memory_space<vmem>>
        %dma_start3A_1470 = tpu.memref_squeeze %dma_start3A_1469 : memref<1x16x128xf32, #tpu.memory_space<vmem>> -> memref<16x128xf32, #tpu.memory_space<vmem>>
        tpu.enqueue_dma source(%dma_start3A_1470 : memref<16x128xf32, #tpu.memory_space<vmem>>) target(%dma_start3A_1466 : memref<16x128xf32, #tpu.memory_space<hbm>>) target_semaphore(%arg9 : memref<!tpu.dma_semaphore, #tpu.memory_space<semaphore_mem>>)
      } else {
      }
      scf.yield %sub3A : i32
    }
    %scan3A_997 = arith.constant 32 : i32
    %dma_wait3A = arith.constant 0 : i32
    %dma_wait3A_998 = arith.constant 0 : i32
    %dma_wait3A_999 = arith.constant 0 : i32
    %dma_wait3A_1000 = tpu.memref_slice %arg7[%dma_wait3A, %dma_wait3A_998, %dma_wait3A_999] : memref<2x16x128xf32, #tpu.memory_space<vmem>> -> memref<1x16x128xf32, #tpu.memory_space<vmem>>
    %dma_wait3A_1001 = tpu.memref_squeeze %dma_wait3A_1000 : memref<1x16x128xf32, #tpu.memory_space<vmem>> -> memref<16x128xf32, #tpu.memory_space<vmem>>
    %dma_wait3A_1002 = arith.constant 0 : i32
    %dma_wait3A_1003 = tpu.memref_slice %arg4[%dma_wait3A_1002, %mul3A_2] : memref<16x16384xf32, #tpu.memory_space<hbm>> -> memref<16x128xf32, #tpu.memory_space<hbm>>
    %dma_wait3A_1004 = arith.constant 0 : i32
    %dma_wait3A_1005 = tpu.memref_slice %arg4[%dma_wait3A_1004, %mul3A_2] : memref<16x16384xf32, #tpu.memory_space<hbm>> -> memref<16x128xf32, #tpu.memory_space<hbm>>
    %dma_wait3A_1006 = arith.constant 0 : i32
    %dma_wait3A_1007 = arith.constant 0 : i32
    %dma_wait3A_1008 = tpu.memref_slice %arg7[%dma_wait3A, %dma_wait3A_1006, %dma_wait3A_1007] : memref<2x16x128xf32, #tpu.memory_space<vmem>> -> memref<1x16x128xf32, #tpu.memory_space<vmem>>
    %dma_wait3A_1009 = tpu.memref_squeeze %dma_wait3A_1008 : memref<1x16x128xf32, #tpu.memory_space<vmem>> -> memref<16x128xf32, #tpu.memory_space<vmem>>
    tpu.wait_dma2 semaphore(%arg9 : memref<!tpu.dma_semaphore, #tpu.memory_space<semaphore_mem>>) src(%dma_wait3A_1009 : memref<16x128xf32, #tpu.memory_space<vmem>>) dst(%dma_wait3A_1005 : memref<16x128xf32, #tpu.memory_space<hbm>>)
    return
  }
}

</mosaic_0001>

<sc_bundles>
// kernel: kernel.3.cloned.1.call-start
scs
__scs_entry_jumppad:
0x0: {  	(pc) =	sbr.rel $0x88, $3  }
0x1: {  	(tag) =	ssettag $0x0;
	lr =	simm.s32 $0x1  }
0x2: {  	[smem:$0x3F9F] =	sst lr;
	_ =	strace $0xD0000000  }
0x3: {  	_ = 	snop  }
0x4: {  	_ = 	snop  }
0x5: {  	_ = 	snop  }
0x6: {  	_ = 	snop  }
0x7: {  	_ = 	snop  }
__scs_overlays_trampoline_lowered:
0x8: {  	[smem:$0x3FAE] =	sst s0  }
0x9: {  	[smem:$0x3FAF] =	sst s1  }
0xa: {  	[smem:$0x3FB0] =	sst s2  }
0xb: {  	[smem:$0x3FB1] =	sst s3  }
0xc: {  	[smem:$0x3FB2] =	sst s4  }
0xd: {  	[smem:$0x3FB3] =	sst s5  }
0xe: {  	[smem:$0x3FB4] =	sst s6  }
0xf: {  	[smem:$0x3FB5] =	sst s7  }
0x10: {  	[smem:$0x3FB6] =	sst s8  }
0x11: {  	[smem:$0x3FB7] =	sst s9;
	s0 =	simm.s32 @!p0 $0x0  }
0x12: {  	s1 =	sld [smem:$0x3F9D];
	s0 =	simm.s32 @p0 $0x1  }
0x13: {  	[smem:$0x3FB8] =	sst s0;
	s0 =	simm.s32 @!p1 $0x0  }
0x14: {  	s2 =	sld [smem:$0x3F9C];
	s0 =	simm.s32 @p1 $0x1  }
0x15: {  	[smem:$0x3FB9] =	sst s0;
	s0 =	simm.s32 @!p2 $0x0  }
0x16: {  	s3 =	sld [smem:$0x3FDB];
	s0 =	simm.s32 @p2 $0x1  }
0x17: {  	s4 =	simm.s32 $0x1BF5;
	[smem:$0x3FBB] =	sst s0  }
0x18: {  	s0 =	sld [smem:$0x3F9E];
	_ =	swait.ge [sflag:s4], $0x0  }
0x19: {  	s7 =	sld [smem:$0x3F9F]  }
0x1a: {  	s8 =	sadd.s32 $0xFFFFE003, lr  }
0x1b: {  	s9 =	sadd.s32 $0xFFFFFEF7, lr;
	s5 =	simm.s32 $0xFFFFFFFF;
	p2 =	slt.u32 s8, $0xFFFFF086  }
0x1c: {  	p1 =	slt.u32 s9, $0xF7A;
	s5 =	simm.s32 @!p2 $0x0  }
0x1d: {  	s5 =	simm.s32 @p1 $0x1;
	p0 =	seq.s32 s7, s2  }
0x1e: {  	s7 =	smul.u32 @!p0 $0xF7A, s2;
	p2 =	seq.s32 @!p0 s5, $0x0  }
0x1f: {  	s9 =	smul.u32 $0xF7A, s1;
	s8 =	simm.s32 @!p0 $0x1BF5;
	p2 =	por !p2, p0  }
0x20: {  	[sflag:s8] =	ssyncset.s32 @!p0 $0xFFFFF086;
	s6 =	sadd.s32 @!p0 s3, s7;
	s7 =	simm.s32 @!p0 $0x108  }
0x21: {  	s3 =	sadd.s32 s3, s9;
	s6 =	sadd.s32 @!p0 $0x88, s6;
	s7 =	simm.s32 @p2 $0x1082  }
0x22: {  	[simem:s7], [sflag:s8] =	dma.local @!p0 [hbm:s6], $0xF7A  }
0x23: {  	s9 =	sor.u32 $0xD0000000, s2;
	s6 =	simm.s32 $0x108;
	_ =	swait.ge @!p0 [sflag:s8], $0x0  }
0x24: {  	s3 =	sadd.s32 $0x88, s3;
	s6 =	simm.s32 @!p1 $0x1082;
	[sflag:s4] =	ssyncset.s32 $0xFFFFF086  }
0x25: {  	[simem:s6], [sflag:s4] =	dma.local [hbm:s3], $0xF7A  }
0x26: {  	[smem:$0x3F9F] =	sst s1;
	(tag) =	ssettag s2;
	_ =	strace s9  }
0x27: {  	s1 =	sld [smem:$0x3FAF]  }
0x28: {  	s2 =	sld [smem:$0x3FB0]  }
0x29: {  	s4 =	sld [smem:$0x3FB2]  }
0x2a: {  	p0 =	seq.s32 s5, $0x0;
	s5 =	sld [smem:$0x3FB3]  }
0x2b: {  	s6 =	sld [smem:$0x3FB4]  }
0x2c: {  	s7 =	sld [smem:$0x3FB5]  }
0x2d: {  	s3 =	simm.s32 $0x108;
	s8 =	sld [smem:$0x3FB6]  }
0x2e: {  	s3 =	simm.s32 @!p0 $0x1082;
	s9 =	sld [smem:$0x3FB7]  }
0x2f: {  	lr =	sadd.s32 s0, s3;
	s0 =	sld [smem:$0x3FAE]  }
0x30: {  	s3 =	sld [smem:$0x3FB1]  }
0x31: {  	[smem:$0x3FBA] =	sst s10  }
0x32: {  	s10 =	sld [smem:$0x3FB8];
	_ =	sdelay $0x3  }
0x33: {  	p0 =	seq.s32 s10, $0x1;
	s10 =	sld [smem:$0x3FBA];
	_ =	sdelay $0x3  }
0x34: {  	[smem:$0x3FBA] =	sst s10  }
0x35: {  	s10 =	sld [smem:$0x3FB9];
	_ =	sdelay $0x3  }
0x36: {  	p1 =	seq.s32 s10, $0x1;
	s10 =	sld [smem:$0x3FBA];
	_ =	sdelay $0x3  }
0x37: {  	[smem:$0x3FBA] =	sst s10  }
0x38: {  	s10 =	sld [smem:$0x3FBB]  }
0x39: {  	_ = 	snop;
	(pc) =	sbr.ind lr, $3  }
0x3a: {  	_ = 	snop  }
0x3b: {  	_ = 	snop  }
0x3c: {  	p2 =	seq.s32 s10, $0x1;
	s10 =	sld [smem:$0x3FBA]  }
0x3d: {  	_ =	shalt  }
0x3e: {  	_ =	shalt  }
0x3f: {  	_ =	shalt  }
0x40: {  	_ =	shalt  }
0x41: {  	_ =	shalt  }
0x42: {  	_ =	shalt  }
0x43: {  	_ =	shalt  }
0x44: {  	_ =	shalt  }
0x45: {  	_ =	shalt  }
0x46: {  	_ =	shalt  }
0x47: {  	_ =	shalt  }
0x48: {  	_ =	shalt  }
0x49: {  	_ =	shalt  }
0x4a: {  	_ =	shalt  }
0x4b: {  	_ =	shalt  }
0x4c: {  	_ =	shalt  }
0x4d: {  	_ =	shalt  }
0x4e: {  	_ =	shalt  }
0x4f: {  	_ =	shalt  }
0x50: {  	_ =	shalt  }
0x51: {  	_ =	shalt  }
0x52: {  	_ =	shalt  }
0x53: {  	_ =	shalt  }
0x54: {  	_ =	shalt  }
0x55: {  	_ =	shalt  }
0x56: {  	_ =	shalt  }
0x57: {  	_ =	shalt  }
0x58: {  	_ =	shalt  }
0x59: {  	_ =	shalt  }
0x5a: {  	_ =	shalt  }
0x5b: {  	_ =	shalt  }
0x5c: {  	_ =	shalt  }
0x5d: {  	_ =	shalt  }
0x5e: {  	_ =	shalt  }
0x5f: {  	_ =	shalt  }
0x60: {  	_ =	shalt  }
0x61: {  	_ =	shalt  }
0x62: {  	_ =	shalt  }
0x63: {  	_ =	shalt  }
0x64: {  	_ =	shalt  }
0x65: {  	_ =	shalt  }
0x66: {  	_ =	shalt  }
0x67: {  	_ =	shalt  }
0x68: {  	_ =	shalt  }
0x69: {  	_ =	shalt  }
0x6a: {  	_ =	shalt  }
0x6b: {  	_ =	shalt  }
0x6c: {  	_ =	shalt  }
0x6d: {  	_ =	shalt  }
0x6e: {  	_ =	shalt  }
0x6f: {  	_ =	shalt  }
0x70: {  	_ =	shalt  }
0x71: {  	_ =	shalt  }
0x72: {  	_ =	shalt  }
0x73: {  	_ =	shalt  }
0x74: {  	_ =	shalt  }
0x75: {  	_ =	shalt  }
0x76: {  	_ =	shalt  }
0x77: {  	_ =	shalt  }
0x78: {  	_ =	shalt  }
0x79: {  	_ =	shalt  }
0x7a: {  	_ =	shalt  }
0x7b: {  	_ =	shalt  }
0x7c: {  	_ =	shalt  }
0x7d: {  	_ =	shalt  }
0x7e: {  	_ =	shalt  }
0x7f: {  	_ =	shalt  }
0x80: {  	_ =	shalt  }
0x81: {  	_ =	shalt  }
0x82: {  	_ =	shalt  }
0x83: {  	_ =	shalt  }
0x84: {  	_ =	shalt  }
0x85: {  	_ =	shalt  }
0x86: {  	_ =	shalt  }
0x87: {  	_ =	shalt  }
.Lfunc_end0:
.L_simem_size_0:
called_computation_lowered:
.L_overlay_start_0:
0x88: {  	s2 =	sld [smem:$0x3FD9]  }
0x89: {  	s3 =	sld [smem:$0x3FFE];
	_ =	sdelay $0x1  }
0x8a: {  	s1 =	srdreg.scid  }
0x8b: {  	s0 =	sand.u32 $0x1, s1  }
0x8c: {  	s18 =	sshll.u32 s0, $0xA;
	s2 =	sadd.s32 s3, s2  }
0x8d: {  	s2 =	sadd.s32 s2, s18  }
0x8e: {  	[smem:$0x3FC6] =	sst s2  }
0x8f: {  	_ = 	snop  }
0x90: {  	s2 =	sld [smem:$0x3FC9]  }
0x91: {  	s19 =	sld [smem:$0x3FC8]  }
0x92: {  	s4 =	sld [smem:$0x3FD0];
	(tm) =	ssettm $0x1  }
0x93: {  	s5 =	sld [smem:$0x3FFB];
	_ =	sdelay $0x3  }
0x94: {  	_ =	strace s5  }
0x95: {  	s5 =	sld [smem:$0x3FFC];
	_ =	sdelay $0x3  }
0x96: {  	_ =	strace s5  }
0x97: {  	s5 =	sld [smem:$0x3FFD];
	_ =	sdelay $0x3  }
0x98: {  	_ =	strace s5  }
0x99: {  	_ =	strace $0x8FFFFFFF  }
0x9a: {  	s20 =	sld [smem:$0x3FDB];
	_ =	sdelay $0x1  }
0x9b: {  	s6 =	simm.s32 $_scs_section_size  }
0x9c: {  	s7 =	simm.s32 $_size__tile_overlayer_lowered;
	s8 =	simm.s32 $_tile_overlayer_lowered  }
0x9d: {  	s23 =	simm.s32 $0x1BFF;
	s22 =	sshll.u32 s8, $0x1;
	s5 =	sadd.s32 s6, s20  }
0x9e: {  	s9 =	simm.s32 $0x0;
	s21 =	sshll.u32 s7, $0x1;
	s7 =	sadd.s32 s22, s5  }
0x9f: {  	[timem:s9], [sflag:s23] =	dma.local [hbm:s7], s21  }
0xa0: {  	_ =	swait.ge [sflag:s23], s21  }
0xa1: {  	s6 =	ssub.s32 $0x0, s21;
	[sflag:s23] =	ssyncset.done $0x0  }
0xa2: {  	[sflag:s23] =	ssyncadd.s32 s6;
	_ =	sdelay $0x1  }
0xa3: {  	s24 =	simm.s32 $0x1B8B  }
0xa4: {  	_ =	swait.ge [sflag:s24], $0x1  }
0xa5: {  	[sflag:s24] =	ssyncset.done $0x0  }
0xa6: {  	s25 =	simm.s32 $0x1B8E;
	[sflag:s24] =	ssyncadd.s32 $0xFFFFFFFF  }
0xa7: {  	s26 =	simm.s32 $execute0_lowered;
	[smem:$0x3FD2] =	sst s25  }
0xa8: {  	s6 =	sshll.u32 s26, $0x1;
	_ =	strace $0x80000046;
	[dreg:$0x1] =	wrdreg $0xFFFFFFFF  }
0xa9: {  	s28 =	simm.s32 $_size_execute0_lowered;
	s5 =	sadd.s32 s5, s6;
	[dreg:$0x0] =	wrdreg $0x0  }
0xaa: {  	s6 =	sshll.u32 s28, $0x1;
	[dreg:$0x2] =	wrdreg s5  }
0xab: {  	[dreg:$0x3] =	wrdreg s6  }
0xac: {  	[dreg:$0x4] =	wrdreg $0xC0  }
0xad: {  	_ =	task [dreg:s9], $0x5FFFF  }
0xae: {  	[dreg:$0x1] =	wrdreg $0xFFFFFFFF  }
0xaf: {  	[dreg:$0x0] =	wrdreg $0x60  }
0xb0: {  	[dreg:$0x2] =	wrdreg s19  }
0xb1: {  	[dreg:$0x3] =	wrdreg s2  }
0xb2: {  	[dreg:$0x4] =	wrdreg s4  }
0xb3: {  	[dreg:$0x5] =	wrdreg $0x9  }
0xb4: {  	_ =	task.clear_ibuf [dreg:s9], $0x6FFFF;
	_ =	strace $0x90000046  }
0xb5: {  	s29 =	simm.s32 $0x9;
	_ =	strace $0x80000048  }
0xb6: {  	_ =	swait.ge [sflag:s29], $0x1  }
0xb7: {  	[sflag:s29] =	ssyncadd.s32 $0xFFFFFFFF  }
0xb8: {  	_ =	strace $0x90000048  }
0xb9: {  	_ =	sfence  }
0xba: {  	s30 =	sld [smem:$0x0];
	_ =	sdelay $0x2  }
0xbb: {  	s31 =	sshll.u32 s1, $0xD;
	s1 =	sshrl.u32 s1, $0x2  }
0xbc: {  	s3 =	sand.u32 $0x4000, s31;
	s1 =	sadd.s32 s1, s30  }
0xbd: {  	s0 =	sor.u32 s3, s0;
	s1 =	sshll.u32 s1, $0x11  }
0xbe: {  	s0 =	sor.u32 s1, s0  }
0xbf: {  	s0 =	sadd.s32 $0x8F2B, s0  }
0xc0: {  	[sflag:s0] =	ssyncadd.remote.s32 $0x1  }
0xc1: {  	_ =	sfence.sel $0xFFFF  }
0xc2: {  	[dreg:$0x0] =	wrdreg $0xFFFFFFFF;
	(pc) =	sbr.abs _section_cstart, $3  }
0xc3: {  	[dreg:$0x1] =	wrdreg $0xFFFFFFFF  }
0xc4: {  	_ =	task.clear_ibuf [dreg:s9], $0x2FFFF;
	_ =	strace $0x9FFFFFFF  }
0xc5: {  	(tm) =	ssettm $0x7FFFFFFF  }
tec
execute0_lowered:
.L_overlay_start_1:
0x0: {  	(tag) =	ssettag $0x1  }
0x1: {  	s1 =	rddreg [dreg:$0x0]  }
0x2: {  	s0 =	rddreg [dreg:$0x1]  }
0x3: {  	s2 =	rddreg [dreg:$0x2]  }
0x4: {  	s3 =	srdreg.scid;
	s4 =	stileid.u32  }
0x5: {  	s6 =	simm.s32 $0x0;
	s7 =	simm.s32 $0x3;
	s8 =	simm.s32 $0x400  }
0x6: {  	s9 =	simm.s32 $0x7A1400;
	s31 =	simm.s32 $0xA200;
	s10 =	simm.s32 $0xC200  }
0x7: {  	s11 =	simm.s32 $0xCA00;
	s12 =	simm.s32 $0xD200;
	s13 =	simm.s32 $0xDA00  }
0x8: {  	s14 =	simm.s32 $0xE200;
	s15 =	simm.s32 $0xEA00;
	s16 =	simm.s32 $0xF200  }
0x9: {  	s17 =	simm.s32 $0xFA00;
	s18 =	simm.s32 $0x1;
	s19 =	simm.s32 $0x2  }
0xa: {  	s20 =	simm.s32 $0x0;
	s3 =	sand.u32 $0x1, s3;
	s4 =	sshll.u32 s4, $0xA  }
.Ltmp0:
0xb: {  	s5 =	sshll.u32 s3, $0x9;
	s3 =	ssub.s32 $0x2, s3;
	(pc) =	sbr.rel .LBB2_1-.Ltmp0, $4  }
0xc: {  	[smem:$0x7FF] =	sst s6;
	s5 =	sor.u32 s5, s4;
	s29 =	sshrl.u32 s3, $0x1  }
0xd: {  	_ =	strace $0x80000047;
	s30 =	sshrl.u32 s5, $0x3;
	s3 =	ssub.s32 s3, s29  }
0xe: {  	v0 =	vlaneseq.u32;
	s5 =	sadd.s32 s2, s5;
	s2 =	simm.s32 $0xB200;
	s4 =	sadd.s32 s0, s30  }
0xf: {  	v0 =	vmul.u32 $0x80, v0;
	s6 =	smax.u32 s3, $0x1;
	s0 =	simm.s32 $0xAA00;
	s3 =	simm.s32 $0xBA00  }
.LBB2_5:
0x10: {  	s20 =	sadd.s32 $0x1, s20  }
0x11: {  	p0 =	sne.s32 s20, s6  }
.Ltmp1:
0x12: {  	_ = 	snop;
	(pc) =	sbr.rel @!p0 .LBB2_6-.Ltmp1, $4  }
0x13: {  	_ = 	snop  }
0x14: {  	_ =	swait.ge [sflag:s19], $0x800  }
0x15: {  	[sflag:s19] =	ssyncset.done $0x0  }
0x16: {  	[sflag:s19] =	ssyncadd.s32 $0xFFFFF800  }
.LBB2_1:
0x17: {  	s21 =	simm.s32 $0x0  }
0x18: {  	[tilespmem:s21], [sflag:$0x3] =	stream.linear.gather [hbm4b:s4+s21], $0x200, $0x38;
	[tilespmem:$0x19200] =	vst v63  }
0x19: {  	_ =	swait.ge [sflag:s7], $0x200  }
0x1a: {  	[sflag:s7] =	ssyncset.done $0x0  }
0x1b: {  	[sflag:s7] =	ssyncadd.s32 $0xFFFFFE00  }
0x1c: {  	v1 =	vld [tilespmem:$0x0];
	_ =	sdelay $0x4  }
0x1d: {  	(v2sf) =	vpush v1, $0x0;
	_ =	sdelay $0x1  }
0x1e: {  	(v2sf) =	vpush v1, $0x1;
	_ =	sdelay $0x1  }
0x1f: {  	(v2sf) =	vpush v1, $0x2;
	_ =	sdelay $0x8  }
0x20: {  	(v2sf) =	vpush v1, $0x3;
	_ =	sdelay $0x1  }
0x21: {  	s23 =	spop (v2sf);
	(v2sf) =	vpush v1, $0x4;
	_ =	sdelay $0x1  }
0x22: {  	s24 =	spop (v2sf);
	(v2sf) =	vpush v1, $0x5;
	_ =	sdelay $0x1  }
0x23: {  	s26 =	spop (v2sf);
	(v2sf) =	vpush v1, $0x6;
	_ =	sdelay $0x1  }
0x24: {  	s21 =	sand.u32 $0xFFFFF80, s23  }
0x25: {  	s22 =	simm.s32 $0x200;
	s21 =	sadd.s32 s1, s21;
	(v2sf) =	vpush v1, $0x7  }
0x26: {  	[tilespmem:s22], [sflag:$0x1] =	stream.strided.gather [hbm4b:s21+s8], $0x800, s9, s8, $0x38;
	[tilespmem:$0x19200] =	vst v63  }
0x27: {  	s21 =	sand.u32 $0xFFFFF80, s24  }
0x28: {  	s25 =	simm.s32 $0xA00;
	s21 =	sadd.s32 s1, s21  }
0x29: {  	[tilespmem:s25], [sflag:$0x1] =	stream.strided.gather [hbm4b:s21+s8], $0x800, s9, s8, $0x38;
	[tilespmem:$0x19200] =	vst v63  }
0x2a: {  	s21 =	sand.u32 $0xFFFFF80, s26  }
0x2b: {  	s28 =	simm.s32 $0x1200;
	s29 =	spop (v2sf);
	s21 =	sadd.s32 s1, s21  }
0x2c: {  	[tilespmem:s28], [sflag:$0x1] =	stream.strided.gather [hbm4b:s21+s8], $0x800, s9, s8, $0x38;
	[tilespmem:$0x19200] =	vst v63  }
0x2d: {  	s22 =	spop (v2sf);
	(v2sf) =	vpush v1, $0x8  }
0x2e: {  	s21 =	sand.u32 $0xFFFFF80, s29  }
0x2f: {  	s30 =	simm.s32 $0x1A00;
	s21 =	sadd.s32 s1, s21;
	s24 =	spop (v2sf);
	(v2sf) =	vpush v1, $0x9  }
0x30: {  	[tilespmem:s30], [sflag:$0x1] =	stream.strided.gather [hbm4b:s21+s8], $0x800, s9, s8, $0x38;
	[tilespmem:$0x19200] =	vst v63  }
0x31: {  	s21 =	sand.u32 $0xFFFFF80, s22;
	s26 =	spop (v2sf);
	(v2sf) =	vpush v1, $0xA  }
0x32: {  	s23 =	simm.s32 $0x2200;
	s21 =	sadd.s32 s1, s21  }
0x33: {  	[tilespmem:s23], [sflag:$0x1] =	stream.strided.gather [hbm4b:s21+s8], $0x800, s9, s8, $0x38;
	[tilespmem:$0x19200] =	vst v63  }
0x34: {  	s29 =	spop (v2sf);
	(v2sf) =	vpush v1, $0xB  }
0x35: {  	s21 =	sand.u32 $0xFFFFF80, s24  }
0x36: {  	s25 =	simm.s32 $0x2A00;
	s21 =	sadd.s32 s1, s21  }
0x37: {  	[tilespmem:s25], [sflag:$0x1] =	stream.strided.gather [hbm4b:s21+s8], $0x800, s9, s8, $0x38;
	[tilespmem:$0x19200] =	vst v63  }
0x38: {  	s21 =	sand.u32 $0xFFFFF80, s26  }
0x39: {  	s28 =	simm.s32 $0x3200;
	s21 =	sadd.s32 s1, s21  }
0x3a: {  	[tilespmem:s28], [sflag:$0x1] =	stream.strided.gather [hbm4b:s21+s8], $0x800, s9, s8, $0x38;
	[tilespmem:$0x19200] =	vst v63  }
0x3b: {  	s21 =	sand.u32 $0xFFFFF80, s29  }
0x3c: {  	s30 =	simm.s32 $0x3A00;
	s21 =	sadd.s32 s1, s21;
	s22 =	spop (v2sf);
	(v2sf) =	vpush v1, $0xC  }
0x3d: {  	[tilespmem:s30], [sflag:$0x1] =	stream.strided.gather [hbm4b:s21+s8], $0x800, s9, s8, $0x38;
	[tilespmem:$0x19200] =	vst v63  }
0x3e: {  	s24 =	spop (v2sf);
	(v2sf) =	vpush v1, $0xD  }
0x3f: {  	s21 =	sand.u32 $0xFFFFF80, s22  }
0x40: {  	s23 =	simm.s32 $0x4200;
	s21 =	sadd.s32 s1, s21;
	s26 =	spop (v2sf)  }
0x41: {  	(v2sf) =	vpush v1, $0xE;
	[tilespmem:s23], [sflag:$0x1] =	stream.strided.gather [hbm4b:s21+s8], $0x800, s9, s8, $0x38;
	[tilespmem:$0x19200] =	vst v63  }
0x42: {  	s21 =	sand.u32 $0xFFFFF80, s24  }
0x43: {  	s25 =	simm.s32 $0x4A00;
	s29 =	spop (v2sf);
	s21 =	sadd.s32 s1, s21  }
0x44: {  	(v2sf) =	vpush v1, $0xF;
	[tilespmem:s25], [sflag:$0x1] =	stream.strided.gather [hbm4b:s21+s8], $0x800, s9, s8, $0x38;
	[tilespmem:$0x19200] =	vst v63  }
0x45: {  	s21 =	sand.u32 $0xFFFFF80, s26  }
0x46: {  	s28 =	simm.s32 $0x5200;
	s21 =	sadd.s32 s1, s21  }
0x47: {  	[tilespmem:s28], [sflag:$0x1] =	stream.strided.gather [hbm4b:s21+s8], $0x800, s9, s8, $0x38;
	[tilespmem:$0x19200] =	vst v63  }
0x48: {  	s21 =	sand.u32 $0xFFFFF80, s29  }
0x49: {  	s30 =	simm.s32 $0x5A00;
	s21 =	sadd.s32 s1, s21  }
0x4a: {  	[tilespmem:s30], [sflag:$0x1] =	stream.strided.gather [hbm4b:s21+s8], $0x800, s9, s8, $0x38;
	[tilespmem:$0x19200] =	vst v63  }
0x4b: {  	s22 =	spop (v2sf)  }
0x4c: {  	s21 =	sand.u32 $0xFFFFF80, s22  }
0x4d: {  	s23 =	simm.s32 $0x6200;
	s24 =	spop (v2sf);
	s21 =	sadd.s32 s1, s21  }
0x4e: {  	[tilespmem:s23], [sflag:$0x1] =	stream.strided.gather [hbm4b:s21+s8], $0x800, s9, s8, $0x38;
	[tilespmem:$0x19200] =	vst v63  }
0x4f: {  	s21 =	sand.u32 $0xFFFFF80, s24  }
0x50: {  	s25 =	simm.s32 $0x6A00;
	s26 =	spop (v2sf);
	s21 =	sadd.s32 s1, s21  }
0x51: {  	[tilespmem:s25], [sflag:$0x1] =	stream.strided.gather [hbm4b:s21+s8], $0x800, s9, s8, $0x38;
	[tilespmem:$0x19200] =	vst v63  }
0x52: {  	s21 =	sand.u32 $0xFFFFF80, s26  }
0x53: {  	s28 =	simm.s32 $0x7200;
	s29 =	spop (v2sf);
	s21 =	sadd.s32 s1, s21  }
0x54: {  	[tilespmem:s28], [sflag:$0x1] =	stream.strided.gather [hbm4b:s21+s8], $0x800, s9, s8, $0x38;
	[tilespmem:$0x19200] =	vst v63  }
0x55: {  	s21 =	sand.u32 $0xFFFFF80, s29  }
0x56: {  	s30 =	simm.s32 $0x7A00;
	s21 =	sadd.s32 s1, s21  }
0x57: {  	[tilespmem:s30], [sflag:$0x1] =	stream.strided.gather [hbm4b:s21+s8], $0x800, s9, s8, $0x38;
	[tilespmem:$0x19200] =	vst v63  }
0x58: {  	v1 =	vld [tilespmem:$0x10];
	_ =	sdelay $0x4  }
0x59: {  	(v2sf) =	vpush v1, $0x0;
	_ =	sdelay $0x4  }
0x5a: {  	(v2sf) =	vpush v1, $0x1  }
0x5b: {  	(v2sf) =	vpush v1, $0x2  }
0x5c: {  	(v2sf) =	vpush v1, $0x3;
	_ =	sdelay $0x1  }
0x5d: {  	(v2sf) =	vpush v1, $0x4;
	_ =	sdelay $0x5  }
0x5e: {  	s22 =	spop (v2sf);
	(v2sf) =	vpush v1, $0x5;
	_ =	sdelay $0x4  }
0x5f: {  	s24 =	spop (v2sf)  }
0x60: {  	s21 =	sand.u32 $0xFFFFF80, s22;
	s26 =	spop (v2sf);
	(v2sf) =	vpush v1, $0x6  }
0x61: {  	s23 =	simm.s32 $0x8200;
	s21 =	sadd.s32 s1, s21;
	s29 =	spop (v2sf);
	(v2sf) =	vpush v1, $0x7  }
0x62: {  	[tilespmem:s23], [sflag:$0x1] =	stream.strided.gather [hbm4b:s21+s8], $0x800, s9, s8, $0x38;
	[tilespmem:$0x19200] =	vst v63  }
0x63: {  	s21 =	sand.u32 $0xFFFFF80, s24;
	s22 =	spop (v2sf);
	(v2sf) =	vpush v1, $0x8  }
0x64: {  	s25 =	simm.s32 $0x8A00;
	s21 =	sadd.s32 s1, s21  }
0x65: {  	[tilespmem:s25], [sflag:$0x1] =	stream.strided.gather [hbm4b:s21+s8], $0x800, s9, s8, $0x38;
	[tilespmem:$0x19200] =	vst v63  }
0x66: {  	s21 =	sand.u32 $0xFFFFF80, s26  }
0x67: {  	s28 =	simm.s32 $0x9200;
	s21 =	sadd.s32 s1, s21  }
0x68: {  	[tilespmem:s28], [sflag:$0x1] =	stream.strided.gather [hbm4b:s21+s8], $0x800, s9, s8, $0x38;
	[tilespmem:$0x19200] =	vst v63  }
0x69: {  	s21 =	sand.u32 $0xFFFFF80, s29;
	s23 =	spop (v2sf);
	(v2sf) =	vpush v1, $0x9  }
0x6a: {  	s30 =	simm.s32 $0x9A00;
	s21 =	sadd.s32 s1, s21  }
0x6b: {  	[tilespmem:s30], [sflag:$0x1] =	stream.strided.gather [hbm4b:s21+s8], $0x800, s9, s8, $0x38;
	[tilespmem:$0x19200] =	vst v63  }
0x6c: {  	s21 =	sand.u32 $0xFFFFF80, s22  }
0x6d: {  	s21 =	sadd.s32 s1, s21;
	(v2sf) =	vpush v1, $0xA  }
0x6e: {  	[tilespmem:s31], [sflag:$0x1] =	stream.strided.gather [hbm4b:s21+s8], $0x800, s9, s8, $0x38;
	[tilespmem:$0x19200] =	vst v63  }
0x6f: {  	s21 =	sand.u32 $0xFFFFF80, s23;
	s24 =	spop (v2sf);
	(v2sf) =	vpush v1, $0xB  }
0x70: {  	s21 =	sadd.s32 s1, s21;
	s25 =	spop (v2sf);
	(v2sf) =	vpush v1, $0xC  }
0x71: {  	[tilespmem:s0], [sflag:$0x1] =	stream.strided.gather [hbm4b:s21+s8], $0x800, s9, s8, $0x38;
	[tilespmem:$0x19200] =	vst v63  }
0x72: {  	s21 =	sand.u32 $0xFFFFF80, s24;
	s26 =	spop (v2sf);
	(v2sf) =	vpush v1, $0xD  }
0x73: {  	s21 =	sadd.s32 s1, s21  }
0x74: {  	[tilespmem:s2], [sflag:$0x1] =	stream.strided.gather [hbm4b:s21+s8], $0x800, s9, s8, $0x38;
	[tilespmem:$0x19200] =	vst v63  }
0x75: {  	s21 =	sand.u32 $0xFFFFF80, s25  }
0x76: {  	s21 =	sadd.s32 s1, s21  }
0x77: {  	[tilespmem:s3], [sflag:$0x1] =	stream.strided.gather [hbm4b:s21+s8], $0x800, s9, s8, $0x38;
	[tilespmem:$0x19200] =	vst v63  }
0x78: {  	s21 =	sand.u32 $0xFFFFF80, s26;
	s28 =	spop (v2sf);
	(v2sf) =	vpush v1, $0xE  }
0x79: {  	s21 =	sadd.s32 s1, s21  }
0x7a: {  	[tilespmem:s10], [sflag:$0x1] =	stream.strided.gather [hbm4b:s21+s8], $0x800, s9, s8, $0x38;
	[tilespmem:$0x19200] =	vst v63  }
0x7b: {  	s21 =	sand.u32 $0xFFFFF80, s28  }
0x7c: {  	s29 =	spop (v2sf);
	(v2sf) =	vpush v1, $0xF;
	s21 =	sadd.s32 s1, s21  }
0x7d: {  	[tilespmem:s11], [sflag:$0x1] =	stream.strided.gather [hbm4b:s21+s8], $0x800, s9, s8, $0x38;
	[tilespmem:$0x19200] =	vst v63  }
0x7e: {  	s30 =	spop (v2sf);
	s21 =	sand.u32 $0xFFFFF80, s29  }
0x7f: {  	s22 =	sand.u32 $0xFFFFF80, s30;
	s23 =	spop (v2sf);
	s21 =	sadd.s32 s1, s21  }
0x80: {  	[tilespmem:s12], [sflag:$0x1] =	stream.strided.gather [hbm4b:s21+s8], $0x800, s9, s8, $0x38;
	[tilespmem:$0x19200] =	vst v63  }
0x81: {  	s24 =	sand.u32 $0xFFFFF80, s23;
	s25 =	spop (v2sf);
	s21 =	sadd.s32 s1, s22  }
0x82: {  	[tilespmem:s13], [sflag:$0x1] =	stream.strided.gather [hbm4b:s21+s8], $0x800, s9, s8, $0x38;
	[tilespmem:$0x19200] =	vst v63  }
0x83: {  	s26 =	sand.u32 $0xFFFFF80, s25;
	s21 =	sadd.s32 s1, s24  }
0x84: {  	[tilespmem:s14], [sflag:$0x1] =	stream.strided.gather [hbm4b:s21+s8], $0x800, s9, s8, $0x38;
	[tilespmem:$0x19200] =	vst v63  }
0x85: {  	s21 =	sadd.s32 s1, s26  }
0x86: {  	[tilespmem:s15], [sflag:$0x1] =	stream.strided.gather [hbm4b:s21+s8], $0x800, s9, s8, $0x38;
	[tilespmem:$0x19200] =	vst v63  }
0x87: {  	s28 =	spop (v2sf)  }
0x88: {  	s29 =	sand.u32 $0xFFFFF80, s28  }
0x89: {  	s21 =	sadd.s32 s1, s29  }
0x8a: {  	[tilespmem:s16], [sflag:$0x1] =	stream.strided.gather [hbm4b:s21+s8], $0x800, s9, s8, $0x38;
	[tilespmem:$0x19200] =	vst v63  }
.Ltmp2:
0x8b: {  	s30 =	spop (v2sf);
	(pc) =	sbr.rel .LBB2_2-.Ltmp2, $4  }
0x8c: {  	s21 =	sand.u32 $0xFFFFF80, s30  }
0x8d: {  	s21 =	sadd.s32 s1, s21  }
0x8e: {  	[tilespmem:s17], [sflag:$0x1] =	stream.strided.gather [hbm4b:s21+s8], $0x800, s9, s8, $0x38;
	[tilespmem:$0x19200] =	vst v63  }
0x8f: {  	s23 =	simm.s32 $0x2;
	s22 =	simm.s32 $0x0;
	s21 =	simm.s32 $0x20  }
.LBB2_4:
0x90: {  	v1 =	vld [tilespmem:s21+$0xFFFFFFE0];
	_ =	sdelay $0x4  }
0x91: {  	v1 =	vand.u32 $0x7F, v1  }
0x92: {  	p0 =	sgt.s32 s23, $0x1;
	s24 =	simm.s32 $0xFFFFFFFD;
	v2 =	vbroadcast v1, $0x0  }
0x93: {  	s24 =	simm.s32 @!p0 $0x0  }
0x94: {  	s26 =	sadd.s32 s24, s23;
	v2 =	vor.u32 v0, v2  }
0x95: {  	s23 =	sadd.s32 $0x1, s26  }
0x96: {  	_ =	swait.ge [sflag:s18], $0x8000;
	s28 =	sshll.u32 s23, $0x11  }
0x97: {  	s25 =	sand.u32 $0x7, s22;
	[sflag:s18] =	ssyncset.done $0x0;
	s26 =	sshra.s32 s28, $0x2  }
0x98: {  	[sflag:s18] =	ssyncadd.s32 $0xFFFF8000;
	s28 =	sshll.u32 s25, $0x4;
	s24 =	sor.u32 $0x200, s26;
	v3 =	vbroadcast v1, $0x1  }
0x99: {  	v4 =	vor.u32 s28, v0;
	v2 =	vld.idx.msk [tilespmem:v2+s24+$0x0], $0xffff  }
0x9a: {  	v3 =	vor.u32 v0, v3  }
0x9b: {  	s29 =	sshll.u32 s22, $0x8  }
0x9c: {  	s24 =	sand.u32 $0x800, s29  }
0x9d: {  	s24 =	sor.u32 $0x18200, s24  }
0x9e: {  	s30 =	sor.u32 $0x1, s28;
	s29 =	sor.u32 $0xA00, s26;
	[tilespmem:v4+s24+$0x0] =	vst.idx.msk $0xffff, v2;
	v2 =	vbroadcast v1, $0x2  }
0x9f: {  	v51 =	vor.u32 s30, v0;
	v3 =	vld.idx.msk [tilespmem:v3+s29+$0x0], $0xffff  }
0xa0: {  	v2 =	vor.u32 v0, v2;
	_ =	sdelay $0x3  }
0xa1: {  	s30 =	sor.u32 $0x2, s28;
	s29 =	sor.u32 $0x1200, s26;
	[tilespmem:v51+s24+$0x0] =	vst.idx.msk $0xffff, v3;
	v3 =	vbroadcast v1, $0x3  }
0xa2: {  	v52 =	vor.u32 s30, v0;
	v2 =	vld.idx.msk [tilespmem:v2+s29+$0x0], $0xffff  }
0xa3: {  	v3 =	vor.u32 v0, v3;
	_ =	sdelay $0x3  }
0xa4: {  	s30 =	sor.u32 $0x3, s28;
	s29 =	sor.u32 $0x1A00, s26;
	[tilespmem:v52+s24+$0x0] =	vst.idx.msk $0xffff, v2;
	v2 =	vbroadcast v1, $0x4  }
0xa5: {  	v53 =	vor.u32 s30, v0;
	v3 =	vld.idx.msk [tilespmem:v3+s29+$0x0], $0xffff  }
0xa6: {  	v2 =	vor.u32 v0, v2;
	_ =	sdelay $0x3  }
0xa7: {  	s30 =	sor.u32 $0x4, s28;
	s29 =	sor.u32 $0x2200, s26;
	[tilespmem:v53+s24+$0x0] =	vst.idx.msk $0xffff, v3;
	v3 =	vbroadcast v1, $0x5  }
0xa8: {  	v54 =	vor.u32 s30, v0;
	v2 =	vld.idx.msk [tilespmem:v2+s29+$0x0], $0xffff  }
0xa9: {  	v3 =	vor.u32 v0, v3;
	_ =	sdelay $0x3  }
0xaa: {  	s30 =	sor.u32 $0x5, s28;
	s29 =	sor.u32 $0x2A00, s26;
	[tilespmem:v54+s24+$0x0] =	vst.idx.msk $0xffff, v2;
	v2 =	vbroadcast v1, $0x6  }
0xab: {  	v55 =	vor.u32 s30, v0;
	v3 =	vld.idx.msk [tilespmem:v3+s29+$0x0], $0xffff  }
0xac: {  	v2 =	vor.u32 v0, v2;
	_ =	sdelay $0x3  }
0xad: {  	s30 =	sor.u32 $0x6, s28;
	s29 =	sor.u32 $0x3200, s26;
	[tilespmem:v55+s24+$0x0] =	vst.idx.msk $0xffff, v3;
	v3 =	vbroadcast v1, $0x7  }
0xae: {  	v56 =	vor.u32 s30, v0;
	v2 =	vld.idx.msk [tilespmem:v2+s29+$0x0], $0xffff  }
0xaf: {  	v3 =	vor.u32 v0, v3;
	_ =	sdelay $0x3  }
0xb0: {  	s30 =	sor.u32 $0x7, s28;
	s29 =	sor.u32 $0x3A00, s26;
	[tilespmem:v56+s24+$0x0] =	vst.idx.msk $0xffff, v2;
	v2 =	vbroadcast v1, $0x8  }
0xb1: {  	v57 =	vor.u32 s30, v0;
	v3 =	vld.idx.msk [tilespmem:v3+s29+$0x0], $0xffff  }
0xb2: {  	v2 =	vor.u32 v0, v2;
	_ =	sdelay $0x3  }
0xb3: {  	s30 =	sor.u32 $0x8, s28;
	s29 =	sor.u32 $0x4200, s26;
	[tilespmem:v57+s24+$0x0] =	vst.idx.msk $0xffff, v3;
	v3 =	vbroadcast v1, $0x9  }
0xb4: {  	v58 =	vor.u32 s30, v0;
	v2 =	vld.idx.msk [tilespmem:v2+s29+$0x0], $0xffff  }
0xb5: {  	v3 =	vor.u32 v0, v3;
	_ =	sdelay $0x3  }
0xb6: {  	s30 =	sor.u32 $0x9, s28;
	s29 =	sor.u32 $0x4A00, s26;
	[tilespmem:v58+s24+$0x0] =	vst.idx.msk $0xffff, v2;
	v2 =	vbroadcast v1, $0xA  }
0xb7: {  	v59 =	vor.u32 s30, v0;
	v3 =	vld.idx.msk [tilespmem:v3+s29+$0x0], $0xffff  }
0xb8: {  	v2 =	vor.u32 v0, v2;
	_ =	sdelay $0x3  }
0xb9: {  	s30 =	sor.u32 $0xA, s28;
	s29 =	sor.u32 $0x5200, s26;
	[tilespmem:v59+s24+$0x0] =	vst.idx.msk $0xffff, v3;
	v3 =	vbroadcast v1, $0xB  }
0xba: {  	v60 =	vor.u32 s30, v0;
	v2 =	vld.idx.msk [tilespmem:v2+s29+$0x0], $0xffff  }
0xbb: {  	v3 =	vor.u32 v0, v3;
	_ =	sdelay $0x3  }
0xbc: {  	s30 =	sor.u32 $0xB, s28;
	s29 =	sor.u32 $0x5A00, s26;
	[tilespmem:v60+s24+$0x0] =	vst.idx.msk $0xffff, v2;
	v2 =	vbroadcast v1, $0xC  }
0xbd: {  	v61 =	vor.u32 s30, v0;
	v3 =	vld.idx.msk [tilespmem:v3+s29+$0x0], $0xffff  }
0xbe: {  	v2 =	vor.u32 v0, v2;
	_ =	sdelay $0x3  }
0xbf: {  	s30 =	sor.u32 $0xC, s28;
	s29 =	sor.u32 $0x6200, s26;
	[tilespmem:v61+s24+$0x0] =	vst.idx.msk $0xffff, v3;
	v3 =	vbroadcast v1, $0xD  }
0xc0: {  	v62 =	vor.u32 s30, v0;
	v2 =	vld.idx.msk [tilespmem:v2+s29+$0x0], $0xffff  }
0xc1: {  	v3 =	vor.u32 v0, v3;
	_ =	sdelay $0x3  }
0xc2: {  	s30 =	sor.u32 $0xD, s28;
	s29 =	sor.u32 $0x6A00, s26;
	[tilespmem:v62+s24+$0x0] =	vst.idx.msk $0xffff, v2;
	v2 =	vbroadcast v1, $0xE  }
0xc3: {  	v63 =	vor.u32 s30, v0;
	v3 =	vld.idx.msk [tilespmem:v3+s29+$0x0], $0xffff  }
0xc4: {  	v2 =	vor.u32 v0, v2;
	_ =	sdelay $0x3  }
0xc5: {  	s28 =	sor.u32 $0xE, s28;
	s30 =	sor.u32 $0x7200, s26;
	v1 =	vbroadcast v1, $0xF;
	[tilespmem:v63+s24+$0x0] =	vst.idx.msk $0xffff, v3  }
0xc6: {  	v3 =	vor.u32 s28, v0;
	v2 =	vld.idx.msk [tilespmem:v2+s30+$0x0], $0xffff  }
0xc7: {  	v1 =	vor.u32 v0, v1;
	_ =	sdelay $0x3  }
0xc8: {  	s26 =	sor.u32 $0x7A00, s26;
	s30 =	sshllo.u32 s25, $0x4;
	[tilespmem:v3+s24+$0x0] =	vst.idx.msk $0xffff, v2  }
0xc9: {  	v2 =	vor.u32 s30, v0;
	v1 =	vld.idx.msk [tilespmem:v1+s26+$0x0], $0xffff;
	_ =	sdelay $0x1  }
0xca: {  	p0 =	sne.s32 s25, $0x7  }
0xcb: {  	p1 =	slt.u32 @!p0 s22, $0x9  }
0xcc: {  	p1 =	por p1, p0  }
0xcd: {  	s25 =	simm.s32 @!p1 $0x2;
	[tilespmem:v2+s24+$0x0] =	vst.idx.msk $0xffff, v1  }
0xce: {  	_ =	swait.ge @!p1 [sflag:s25], $0x800  }
0xcf: {  	s26 =	sshrl.u32 s22, $0x3;
	[sflag:s25] =	ssyncset.done @!p1 $0x0  }
0xd0: {  	s28 =	simm.s32 @!p0 $0x20000;
	[sflag:s25] =	ssyncadd.s32 @!p1 $0xFFFFF800;
	s25 =	sshll.u32 @!p0 s26, $0x7  }
0xd1: {  	s22 =	sadd.s32 $0x1, s22;
	s26 =	simm.s32 @!p0 $0x400;
	s25 =	sadd.s32 @!p0 s25, s5  }
0xd2: {  	[hbm4b:s25+s26] =	stream.strided.scatter @!p0 [tilespmem:s24], [sflag:$0x2], $0x800, s28, s26, $0x38;
	[tilespmem:$0x19200] =	vst v63  }
0xd3: {  	p0 =	sne.s32 s22, $0x20  }
.Ltmp3:
0xd4: {  	_ = 	snop;
	(pc) =	sbr.rel @!p0 .LBB2_5-.Ltmp3, $2  }
0xd5: {  	_ =	sdelay $0x2  }
0xd6: {  	s21 =	sadd.s32 $0x10, s21  }
.LBB2_2:
0xd7: {  	p0 =	sgt.u32 s22, $0x1D  }
.Ltmp4:
0xd8: {  	_ = 	snop;
	(pc) =	sbr.rel @p0 .LBB2_4-.Ltmp4, $1  }
0xd9: {  	_ =	sdelay $0x3  }
0xda: {  	v1 =	vld [tilespmem:s21+$0x0];
	_ =	sdelay $0x4  }
0xdb: {  	(v2sf) =	vpush v1, $0x0;
	_ =	sdelay $0x1  }
0xdc: {  	(v2sf) =	vpush v1, $0x1;
	_ =	sdelay $0x2  }
0xdd: {  	(v2sf) =	vpush v1, $0x2;
	_ =	sdelay $0x1  }
0xde: {  	(v2sf) =	vpush v1, $0x3;
	_ =	sdelay $0x7  }
0xdf: {  	s25 =	spop (v2sf);
	(v2sf) =	vpush v1, $0x4  }
0xe0: {  	s24 =	sshll.u32 s23, $0x11  }
0xe1: {  	s24 =	sshra.s32 s24, $0x2;
	s25 =	sand.u32 $0xFFFFF80, s25;
	s29 =	spop (v2sf);
	(v2sf) =	vpush v1, $0x5  }
0xe2: {  	s26 =	sor.u32 $0x200, s24;
	s25 =	sadd.s32 s1, s25  }
0xe3: {  	[tilespmem:s26], [sflag:$0x1] =	stream.strided.gather [hbm4b:s25+s8], $0x800, s9, s8, $0x38;
	[tilespmem:$0x19200] =	vst v63  }
0xe4: {  	s26 =	spop (v2sf);
	(v2sf) =	vpush v1, $0x6;
	_ =	sdelay $0x1  }
0xe5: {  	s25 =	sand.u32 $0xFFFFF80, s29;
	s29 =	spop (v2sf);
	(v2sf) =	vpush v1, $0x7;
	_ =	sdelay $0x2  }
0xe6: {  	s30 =	sor.u32 $0xA00, s24;
	s25 =	sadd.s32 s1, s25  }
0xe7: {  	[tilespmem:s30], [sflag:$0x1] =	stream.strided.gather [hbm4b:s25+s8], $0x800, s9, s8, $0x38;
	[tilespmem:$0x19200] =	vst v63  }
0xe8: {  	s25 =	sand.u32 $0xFFFFF80, s26  }
0xe9: {  	s28 =	sor.u32 $0x1200, s24;
	s25 =	sadd.s32 s1, s25  }
0xea: {  	[tilespmem:s28], [sflag:$0x1] =	stream.strided.gather [hbm4b:s25+s8], $0x800, s9, s8, $0x38;
	[tilespmem:$0x19200] =	vst v63  }
0xeb: {  	s26 =	spop (v2sf);
	(v2sf) =	vpush v1, $0x8  }
0xec: {  	s25 =	sand.u32 $0xFFFFF80, s29  }
0xed: {  	s30 =	sor.u32 $0x1A00, s24;
	s25 =	sadd.s32 s1, s25;
	s29 =	spop (v2sf);
	(v2sf) =	vpush v1, $0x9  }
0xee: {  	[tilespmem:s30], [sflag:$0x1] =	stream.strided.gather [hbm4b:s25+s8], $0x800, s9, s8, $0x38;
	[tilespmem:$0x19200] =	vst v63  }
0xef: {  	s25 =	sand.u32 $0xFFFFF80, s26  }
0xf0: {  	s28 =	sor.u32 $0x2200, s24;
	s25 =	sadd.s32 s1, s25;
	s26 =	spop (v2sf);
	(v2sf) =	vpush v1, $0xA  }
0xf1: {  	[tilespmem:s28], [sflag:$0x1] =	stream.strided.gather [hbm4b:s25+s8], $0x800, s9, s8, $0x38;
	[tilespmem:$0x19200] =	vst v63  }
0xf2: {  	s25 =	sand.u32 $0xFFFFF80, s29;
	s29 =	spop (v2sf);
	(v2sf) =	vpush v1, $0xB;
	_ =	sdelay $0x1  }
0xf3: {  	s30 =	sor.u32 $0x2A00, s24;
	s25 =	sadd.s32 s1, s25  }
0xf4: {  	[tilespmem:s30], [sflag:$0x1] =	stream.strided.gather [hbm4b:s25+s8], $0x800, s9, s8, $0x38;
	[tilespmem:$0x19200] =	vst v63  }
0xf5: {  	s25 =	sand.u32 $0xFFFFF80, s26  }
0xf6: {  	s28 =	sor.u32 $0x3200, s24;
	s25 =	sadd.s32 s1, s25  }
0xf7: {  	[tilespmem:s28], [sflag:$0x1] =	stream.strided.gather [hbm4b:s25+s8], $0x800, s9, s8, $0x38;
	[tilespmem:$0x19200] =	vst v63  }
0xf8: {  	s25 =	sand.u32 $0xFFFFF80, s29  }
0xf9: {  	s30 =	sor.u32 $0x3A00, s24;
	s25 =	sadd.s32 s1, s25;
	s26 =	spop (v2sf);
	(v2sf) =	vpush v1, $0xC  }
0xfa: {  	[tilespmem:s30], [sflag:$0x1] =	stream.strided.gather [hbm4b:s25+s8], $0x800, s9, s8, $0x38;
	[tilespmem:$0x19200] =	vst v63  }
0xfb: {  	s25 =	sand.u32 $0xFFFFF80, s26;
	s29 =	spop (v2sf);
	(v2sf) =	vpush v1, $0xD  }
0xfc: {  	s28 =	sor.u32 $0x4200, s24;
	s25 =	sadd.s32 s1, s25  }
0xfd: {  	[tilespmem:s28], [sflag:$0x1] =	stream.strided.gather [hbm4b:s25+s8], $0x800, s9, s8, $0x38;
	[tilespmem:$0x19200] =	vst v63  }
0xfe: {  	s26 =	spop (v2sf);
	(v2sf) =	vpush v1, $0xE  }
0xff: {  	s25 =	sand.u32 $0xFFFFF80, s29  }
0x100: {  	s30 =	sor.u32 $0x4A00, s24;
	s25 =	sadd.s32 s1, s25;
	s29 =	spop (v2sf)  }
0x101: {  	(v2sf) =	vpush v1, $0xF;
	[tilespmem:s30], [sflag:$0x1] =	stream.strided.gather [hbm4b:s25+s8], $0x800, s9, s8, $0x38;
	[tilespmem:$0x19200] =	vst v63  }
0x102: {  	s25 =	sand.u32 $0xFFFFF80, s26  }
0x103: {  	s28 =	sor.u32 $0x5200, s24;
	s25 =	sadd.s32 s1, s25  }
0x104: {  	[tilespmem:s28], [sflag:$0x1] =	stream.strided.gather [hbm4b:s25+s8], $0x800, s9, s8, $0x38;
	[tilespmem:$0x19200] =	vst v63  }
0x105: {  	s25 =	sand.u32 $0xFFFFF80, s29  }
0x106: {  	s30 =	sor.u32 $0x5A00, s24;
	s25 =	sadd.s32 s1, s25  }
0x107: {  	[tilespmem:s30], [sflag:$0x1] =	stream.strided.gather [hbm4b:s25+s8], $0x800, s9, s8, $0x38;
	[tilespmem:$0x19200] =	vst v63  }
0x108: {  	s26 =	spop (v2sf)  }
0x109: {  	s25 =	sand.u32 $0xFFFFF80, s26  }
0x10a: {  	s28 =	sor.u32 $0x6200, s24;
	s29 =	spop (v2sf);
	s25 =	sadd.s32 s1, s25  }
0x10b: {  	[tilespmem:s28], [sflag:$0x1] =	stream.strided.gather [hbm4b:s25+s8], $0x800, s9, s8, $0x38;
	[tilespmem:$0x19200] =	vst v63  }
0x10c: {  	s25 =	sand.u32 $0xFFFFF80, s29  }
0x10d: {  	s30 =	sor.u32 $0x6A00, s24;
	s28 =	spop (v2sf);
	s25 =	sadd.s32 s1, s25  }
0x10e: {  	[tilespmem:s30], [sflag:$0x1] =	stream.strided.gather [hbm4b:s25+s8], $0x800, s9, s8, $0x38;
	[tilespmem:$0x19200] =	vst v63  }
0x10f: {  	s29 =	sor.u32 $0x7200, s24;
	s25 =	sand.u32 $0xFFFFF80, s28  }
.Ltmp5:
0x110: {  	s30 =	spop (v2sf);
	s25 =	sadd.s32 s1, s25;
	(pc) =	sbr.rel .LBB2_4-.Ltmp5, $4  }
0x111: {  	[tilespmem:s29], [sflag:$0x1] =	stream.strided.gather [hbm4b:s25+s8], $0x800, s9, s8, $0x38;
	[tilespmem:$0x19200] =	vst v63  }
0x112: {  	s25 =	sand.u32 $0xFFFFF80, s30  }
0x113: {  	s24 =	sor.u32 $0x7A00, s24;
	s25 =	sadd.s32 s1, s25  }
0x114: {  	[tilespmem:s24], [sflag:$0x1] =	stream.strided.gather [hbm4b:s25+s8], $0x800, s9, s8, $0x38;
	[tilespmem:$0x19200] =	vst v63  }
.LBB2_6:
0x115: {  	_ =	sfence.sel $0x180000  }
0x116: {  	[bflag:$0x0] =	sbarrier.arrive $0xFFFF  }
0x117: {  	_ =	strace $0x90000047  }
0x118: {  	s0 =	stileid.u32;
	[bflag:$0x2] =	sbarrier.arrive $0xFFFF  }
0x119: {  	p0 =	sne.s32 s0, $0x0;
	s0 =	rddreg [dreg:$0x3]  }
0x11a: {  	s0 =	sadd.s32 @!p0 $0x100000, s0  }
0x11b: {  	[sflag:s0] =	ssyncadd.tile.s32 @!p0 $0x1;
	_ =	shalt  }
.Lfunc_end2:
_tile_overlayer_lowered:
.L_overlay_start_2:
0x11c: {  	(tag) =	ssettag $0x2  }
0x11d: {  	s0 =	rddreg [dreg:$0x0];
	s2 =	stileid.u32  }
0x11e: {  	s1 =	rddreg [dreg:$0x1];
	p0 =	sne.s32 s2, $0x0  }
0x11f: {  	s3 =	rddreg [dreg:$0x2];
	[bflag:$0x3] =	sbarrier.arrive $0xFFFF;
	s2 =	simm.s32 @!p0 $0x1C03  }
0x120: {  	[timem:s3], [sflag:s2] =	dma.local @!p0 [hbm:s0], s1  }
0x121: {  	s0 =	simm.s32 @!p0 $0x3  }
0x122: {  	_ =	swait.ge @!p0 [sflag:s0], s1  }
0x123: {  	s1 =	ssub.s32 @!p0 $0x0, s1;
	[sflag:s0] =	ssyncset.done @!p0 $0x0  }
0x124: {  	[sflag:s0] =	ssyncadd.s32 @!p0 s1  }
0x125: {  	[bflag:$0x3] =	sbarrier.arrive $0xFFFF  }
0x126: {  	_ =	shalt  }

</sc_bundles>
